<compile_context>
chip_gen: v7x
topology: tpu7x:2x2x1
jax: 0.10.2.dev20260603
libtpu: 0.0.44.dev20260713+nightly
codegen_flags: <defaults>
</compile_context>

<pallas_src>
import functools

import jax
import jax.numpy as jnp
from jax import lax
from jax.experimental import pallas as pl
from jax.experimental.pallas import tpu as pltpu
from jax.experimental.pallas import tpu_sc as plsc

N_NODES = 10000
D_FEAT = 128
N_EDGES = 320000

NC = 2
NS = 16
W = NC * NS
L = 16

ROWS_PW = 320
RCH = 16
NRCH = ROWS_PW // RCH
EC = 9984
TAIL = N_EDGES - W * EC
TSTART = W * EC
SCAT_IT = N_NODES // L
GATH_IT = EC // L


HALF = (GATH_IT // 2) * L


def _sc_body(x_hbm, edge_hbm, perm_hbm, out_x, out_e,
             perm_v, table_v, eidx_v, eout_v, tidx_v, tout_v, rows_v,
             sem_p, sem_e, sem_g, sem_t, sem_o):
    cid = lax.axis_index("c")
    sid = lax.axis_index("s")
    wid = sid * NC + cid
    ec = pl.multiple_of(wid * EC, 128)

    perm_cp = pltpu.async_copy(perm_hbm, perm_v, sem_p)
    edge_cp = pltpu.async_copy(edge_hbm.at[:, pl.ds(ec, EC)], eidx_v, sem_e)

    @pl.when(wid == 1)
    def _():
        pltpu.async_copy(edge_hbm.at[:, pl.ds(TSTART, TAIL)], tidx_v, sem_t)
    perm_cp.wait()
    row_cps = []
    for j in range(NRCH):
        base = jnp.minimum(wid * ROWS_PW + j * RCH, N_NODES - RCH)
        base = pl.multiple_of(base, 8)
        row_cps.append(pltpu.async_copy(
            x_hbm.at[perm_v.at[pl.ds(base, RCH)]], rows_v.at[j], sem_g))

    @plsc.parallel_loop(0, SCAT_IT * L, step=L, unroll=8)
    def _scat(sbase):
        sbase = pl.multiple_of(sbase, L)
        idxs = perm_v[pl.ds(sbase, L)]
        vals = lax.iota(jnp.int32, L) + sbase
        plsc.store_scatter(table_v, [idxs], vals)

    for j in range(NRCH):
        row_cps[j].wait()
        base = pl.multiple_of(wid * ROWS_PW + j * RCH, 8)

        @pl.when(base < N_NODES)
        def _():
            pltpu.async_copy(rows_v.at[j], out_x.at[pl.ds(base, RCH)], sem_o)

    edge_cp.wait()

    for h in range(2):
        hoff = h * HALF

        @plsc.parallel_loop(hoff, hoff + HALF, step=L, unroll=8)
        def _gath(gbase):
            gbase = pl.multiple_of(gbase, L)
            for r in range(2):
                idxs = eidx_v[r, pl.ds(gbase, L)]
                eout_v[r, pl.ds(gbase, L)] = plsc.load_gather(table_v, [idxs])

        pltpu.async_copy(
            eout_v.at[:, pl.ds(hoff, HALF)],
            out_e.at[:, pl.ds(ec + hoff, HALF)], sem_o)

    @pl.when(wid == 1)
    def _():
        pltpu.make_async_copy(
            edge_hbm.at[:, pl.ds(TSTART, TAIL)], tidx_v, sem_t).wait()

        @plsc.parallel_loop(0, TAIL, step=L, unroll=8)
        def _tgath(gbase):
            gbase = pl.multiple_of(gbase, L)
            for r in range(2):
                idxs = tidx_v[r, pl.ds(gbase, L)]
                tout_v[r, pl.ds(gbase, L)] = plsc.load_gather(table_v, [idxs])

        pltpu.async_copy(tout_v, out_e.at[:, pl.ds(TSTART, TAIL)], sem_o)

    for j in range(NRCH):
        base = pl.multiple_of(wid * ROWS_PW + j * RCH, 8)

        @pl.when(base < N_NODES)
        def _():
            pltpu.make_async_copy(
                rows_v.at[j], out_x.at[pl.ds(base, RCH)], sem_o).wait()

    for h in range(2):
        hoff = h * HALF
        pltpu.make_async_copy(
            eout_v.at[:, pl.ds(hoff, HALF)],
            out_e.at[:, pl.ds(ec + hoff, HALF)], sem_o).wait()

    @pl.when(wid == 1)
    def _():
        pltpu.make_async_copy(
            tout_v, out_e.at[:, pl.ds(TSTART, TAIL)], sem_o).wait()


_sc_call = functools.partial(
    pl.kernel,
    out_type=[
        jax.ShapeDtypeStruct((N_NODES, D_FEAT), jnp.float32),
        jax.ShapeDtypeStruct((2, N_EDGES), jnp.int32),
    ],
    mesh=plsc.VectorSubcoreMesh(core_axis_name="c", subcore_axis_name="s"),
    compiler_params=pltpu.CompilerParams(needs_layout_passes=False),
    scratch_types=[
        pltpu.VMEM((N_NODES,), jnp.int32),
        pltpu.VMEM((N_NODES,), jnp.int32),
        pltpu.VMEM((2, EC), jnp.int32),
        pltpu.VMEM((2, EC), jnp.int32),
        pltpu.VMEM((2, TAIL), jnp.int32),
        pltpu.VMEM((2, TAIL), jnp.int32),
        pltpu.VMEM((NRCH, RCH, D_FEAT), jnp.float32),
        pltpu.SemaphoreType.DMA,
        pltpu.SemaphoreType.DMA,
        pltpu.SemaphoreType.DMA,
        pltpu.SemaphoreType.DMA,
        pltpu.SemaphoreType.DMA,
    ],
)(_sc_body)


def kernel(x, edge_index, perm):
    out_x, out_e = _sc_call(
        x, edge_index.astype(jnp.int32), perm.astype(jnp.int32))
    return out_x, out_e.astype(edge_index.dtype)

# --- scband reference (transcript-rebuilt; emitter-appended) ---
"""Pipeline reference for scband-graph-permutation-3143916061258 (READ-ONLY COPY).

The authoritative reference and input builder live on the scoring server;
editing this copy changes nothing except your own understanding.
"""

import jax, jax.numpy as jnp
import numpy as np

N_NODES = 10000
D_FEAT = 128
N_EDGES = 320000


def setup_inputs(seed: int = 0) -> dict:
    key = jax.random.key(seed)
    k_x, k_e, k_p = jax.random.split(key, 3)
    x = jax.random.normal(k_x, (N_NODES, D_FEAT), dtype=jnp.float32)
    edge_index = jax.random.randint(k_e, (2, N_EDGES), 0, N_NODES, dtype=jnp.int64)
    # perm must be a true permutation of node indices (torch.randperm equivalent)
    perm = jax.random.permutation(k_p, N_NODES).astype(jnp.int64)
    return {"x": x, "edge_index": edge_index, "perm": perm}


def reference(x, edge_index, perm):
    # GraphPermutation.forward:
    #   new_data.x = x[perm, :]
    #   inv_perm = argsort(perm)
    #   new_edge_index = inv_perm[edge_index]  (elementwise remap via apply_)
    new_x = jnp.take(x, perm, axis=0)
    inv_perm = jnp.argsort(perm)
    new_edge_index = jnp.take(inv_perm, edge_index)
    return (new_x, new_edge_index)

if __name__ == "__main__":
    import jax
    _d = setup_inputs()
    print(jax.jit(kernel)(*tuple(_d.values())))

</pallas_src>

<mosaic_0001>
#map = affine_map<(d0, d1) -> (0, 0)>
#map1 = affine_map<(d0, d1) -> (0)>
module attributes {stable_mosaic.version = 14 : i64} {
  func.func @_sc_body(%arg0: i32, %arg1: i32, %arg2: memref<10000x128xf32, #tpu.memory_space<hbm>>, %arg3: memref<2x320000xi32, #tpu.memory_space<hbm>>, %arg4: memref<10000xi32, #tpu.memory_space<hbm>>, %arg5: memref<10000x128xf32, #tpu.memory_space<hbm>>, %arg6: memref<2x320000xi32, #tpu.memory_space<hbm>>, %arg7: memref<10000xi32, #tpu.memory_space<vmem>>, %arg8: memref<10000xi32, #tpu.memory_space<vmem>>, %arg9: memref<2x9984xi32, #tpu.memory_space<vmem>>, %arg10: memref<2x9984xi32, #tpu.memory_space<vmem>>, %arg11: memref<2x512xi32, #tpu.memory_space<vmem>>, %arg12: memref<2x512xi32, #tpu.memory_space<vmem>>, %arg13: memref<20x16x128xf32, #tpu.memory_space<vmem>>, %arg14: memref<!tpu.dma_semaphore, #tpu.memory_space<semaphore_mem>>, %arg15: memref<!tpu.dma_semaphore, #tpu.memory_space<semaphore_mem>>, %arg16: memref<!tpu.dma_semaphore, #tpu.memory_space<semaphore_mem>>, %arg17: memref<!tpu.dma_semaphore, #tpu.memory_space<semaphore_mem>>, %arg18: memref<!tpu.dma_semaphore, #tpu.memory_space<semaphore_mem>>) attributes {dimension_semantics = [#tpu.dimension_semantics<core_parallel>, #tpu.dimension_semantics<subcore_parallel>], iteration_bounds = array<i64: 2, 16>, scalar_prefetch = 0 : i64, scratch_operands = 12 : i64, tpu.core_type = #tpu.core_type<sc_vector_subcore>, window_params = [{transform_indices = #map}, {transform_indices = #map}, {transform_indices = #map1}, {transform_indices = #map}, {transform_indices = #map}]} {
    %mul3A = arith.constant 2 : i32
    %mul3A_0 = arith.muli %arg1, %mul3A : i32
    %add3A = arith.addi %mul3A_0, %arg0 : i32
    %mul3A_1 = arith.constant 9984 : i32
    %mul3A_2 = arith.muli %add3A, %mul3A_1 : i32
    %multiple_of3A = tpu.assume_multiple %mul3A_2, 128 : i32
    tpu.enqueue_dma source(%arg4 : memref<10000xi32, #tpu.memory_space<hbm>>) target(%arg7 : memref<10000xi32, #tpu.memory_space<vmem>>) target_semaphore(%arg14 : memref<!tpu.dma_semaphore, #tpu.memory_space<semaphore_mem>>)
    %dma_start3A = arith.constant 0 : i32
    %dma_start3A_3 = tpu.memref_slice %arg3[%dma_start3A, %multiple_of3A] : memref<2x320000xi32, #tpu.memory_space<hbm>> -> memref<2x9984xi32, #tpu.memory_space<hbm>>
    %dma_start3A_4 = arith.constant 0 : i32
    %dma_start3A_5 = tpu.memref_slice %arg3[%dma_start3A_4, %multiple_of3A] : memref<2x320000xi32, #tpu.memory_space<hbm>> -> memref<2x9984xi32, #tpu.memory_space<hbm>>
    tpu.enqueue_dma source(%dma_start3A_5 : memref<2x9984xi32, #tpu.memory_space<hbm>>) target(%arg9 : memref<2x9984xi32, #tpu.memory_space<vmem>>) target_semaphore(%arg15 : memref<!tpu.dma_semaphore, #tpu.memory_space<semaphore_mem>>)
    %eq3A = arith.constant 1 : i32
    %eq3A_6 = arith.cmpi eq, %add3A, %eq3A : i32
    %convert_element_type3A = arith.extui %eq3A_6 : i1 to i32
    %cond3A = arith.constant 0 : i32
    %cond3A_7 = arith.cmpi ne, %convert_element_type3A, %cond3A : i32
    scf.if %cond3A_7 {
      %dma_start3A_975 = arith.constant 0 : i32
      %dma_start3A_976 = arith.constant 319488 : i32
      %dma_start3A_977 = tpu.memref_slice %arg3[%dma_start3A_975, %dma_start3A_976] : memref<2x320000xi32, #tpu.memory_space<hbm>> -> memref<2x512xi32, #tpu.memory_space<hbm>>
      %dma_start3A_978 = arith.constant 0 : i32
      %dma_start3A_979 = arith.constant 319488 : i32
      %dma_start3A_980 = tpu.memref_slice %arg3[%dma_start3A_978, %dma_start3A_979] : memref<2x320000xi32, #tpu.memory_space<hbm>> -> memref<2x512xi32, #tpu.memory_space<hbm>>
      tpu.enqueue_dma source(%dma_start3A_980 : memref<2x512xi32, #tpu.memory_space<hbm>>) target(%arg11 : memref<2x512xi32, #tpu.memory_space<vmem>>) target_semaphore(%arg17 : memref<!tpu.dma_semaphore, #tpu.memory_space<semaphore_mem>>)
    } else {
    }
    tpu.wait_dma2 semaphore(%arg14 : memref<!tpu.dma_semaphore, #tpu.memory_space<semaphore_mem>>) src(%arg4 : memref<10000xi32, #tpu.memory_space<hbm>>) dst(%arg7 : memref<10000xi32, #tpu.memory_space<vmem>>)
    %mul3A_8 = arith.constant 320 : i32
    %mul3A_9 = arith.muli %add3A, %mul3A_8 : i32
    %add3A_10 = arith.constant 0 : i32
    %add3A_11 = arith.addi %mul3A_9, %add3A_10 : i32
    %min3A = arith.constant 9984 : i32
    %min3A_12 = arith.minsi %add3A_11, %min3A : i32
    %multiple_of3A_13 = tpu.assume_multiple %min3A_12, 8 : i32
    %dma_start3A_14 = arith.constant 0 : i32
    %dma_start3A_15 = arith.constant 0 : i32
    %dma_start3A_16 = arith.constant 0 : i32
    %dma_start3A_17 = tpu.memref_slice %arg13[%dma_start3A_14, %dma_start3A_15, %dma_start3A_16] : memref<20x16x128xf32, #tpu.memory_space<vmem>> -> memref<1x16x128xf32, #tpu.memory_space<vmem>>
    %dma_start3A_18 = tpu.memref_squeeze %dma_start3A_17 : memref<1x16x128xf32, #tpu.memory_space<vmem>> -> memref<16x128xf32, #tpu.memory_space<vmem>>
    %dma_start3A_19 = tpu.memref_slice %arg7[%multiple_of3A_13] : memref<10000xi32, #tpu.memory_space<vmem>> -> memref<16xi32, #tpu.memory_space<vmem>>
    %dma_start3A_20 = arith.constant 0 : i32
    %dma_start3A_21 = arith.constant 0 : i32
    %dma_start3A_22 = tpu.memref_slice %arg2[%dma_start3A_20, %dma_start3A_21] : memref<10000x128xf32, #tpu.memory_space<hbm>> -> memref<10000x128xf32, #tpu.memory_space<hbm>>
    tpu.enqueue_indirect_dma source(%dma_start3A_22 : memref<10000x128xf32, #tpu.memory_space<hbm>>) target(%dma_start3A_18 : memref<16x128xf32, #tpu.memory_space<vmem>>) offsets(%dma_start3A_19 : memref<16xi32, #tpu.memory_space<vmem>>) semaphore(%arg16 : memref<!tpu.dma_semaphore, #tpu.memory_space<semaphore_mem>>)
    %mul3A_23 = arith.constant 320 : i32
    %mul3A_24 = arith.muli %add3A, %mul3A_23 : i32
    %add3A_25 = arith.constant 16 : i32
    %add3A_26 = arith.addi %mul3A_24, %add3A_25 : i32
    %min3A_27 = arith.constant 9984 : i32
    %min3A_28 = arith.minsi %add3A_26, %min3A_27 : i32
    %multiple_of3A_29 = tpu.assume_multiple %min3A_28, 8 : i32
    %dma_start3A_30 = arith.constant 1 : i32
    %dma_start3A_31 = arith.constant 0 : i32
    %dma_start3A_32 = arith.constant 0 : i32
    %dma_start3A_33 = tpu.memref_slice %arg13[%dma_start3A_30, %dma_start3A_31, %dma_start3A_32] : memref<20x16x128xf32, #tpu.memory_space<vmem>> -> memref<1x16x128xf32, #tpu.memory_space<vmem>>
    %dma_start3A_34 = tpu.memref_squeeze %dma_start3A_33 : memref<1x16x128xf32, #tpu.memory_space<vmem>> -> memref<16x128xf32, #tpu.memory_space<vmem>>
    %dma_start3A_35 = tpu.memref_slice %arg7[%multiple_of3A_29] : memref<10000xi32, #tpu.memory_space<vmem>> -> memref<16xi32, #tpu.memory_space<vmem>>
    %dma_start3A_36 = arith.constant 0 : i32
    %dma_start3A_37 = arith.constant 0 : i32
    %dma_start3A_38 = tpu.memref_slice %arg2[%dma_start3A_36, %dma_start3A_37] : memref<10000x128xf32, #tpu.memory_space<hbm>> -> memref<10000x128xf32, #tpu.memory_space<hbm>>
    tpu.enqueue_indirect_dma source(%dma_start3A_38 : memref<10000x128xf32, #tpu.memory_space<hbm>>) target(%dma_start3A_34 : memref<16x128xf32, #tpu.memory_space<vmem>>) offsets(%dma_start3A_35 : memref<16xi32, #tpu.memory_space<vmem>>) semaphore(%arg16 : memref<!tpu.dma_semaphore, #tpu.memory_space<semaphore_mem>>)
    %mul3A_39 = arith.constant 320 : i32
    %mul3A_40 = arith.muli %add3A, %mul3A_39 : i32
    %add3A_41 = arith.constant 32 : i32
    %add3A_42 = arith.addi %mul3A_40, %add3A_41 : i32
    %min3A_43 = arith.constant 9984 : i32
    %min3A_44 = arith.minsi %add3A_42, %min3A_43 : i32
    %multiple_of3A_45 = tpu.assume_multiple %min3A_44, 8 : i32
    %dma_start3A_46 = arith.constant 2 : i32
    %dma_start3A_47 = arith.constant 0 : i32
    %dma_start3A_48 = arith.constant 0 : i32
    %dma_start3A_49 = tpu.memref_slice %arg13[%dma_start3A_46, %dma_start3A_47, %dma_start3A_48] : memref<20x16x128xf32, #tpu.memory_space<vmem>> -> memref<1x16x128xf32, #tpu.memory_space<vmem>>
    %dma_start3A_50 = tpu.memref_squeeze %dma_start3A_49 : memref<1x16x128xf32, #tpu.memory_space<vmem>> -> memref<16x128xf32, #tpu.memory_space<vmem>>
    %dma_start3A_51 = tpu.memref_slice %arg7[%multiple_of3A_45] : memref<10000xi32, #tpu.memory_space<vmem>> -> memref<16xi32, #tpu.memory_space<vmem>>
    %dma_start3A_52 = arith.constant 0 : i32
    %dma_start3A_53 = arith.constant 0 : i32
    %dma_start3A_54 = tpu.memref_slice %arg2[%dma_start3A_52, %dma_start3A_53] : memref<10000x128xf32, #tpu.memory_space<hbm>> -> memref<10000x128xf32, #tpu.memory_space<hbm>>
    tpu.enqueue_indirect_dma source(%dma_start3A_54 : memref<10000x128xf32, #tpu.memory_space<hbm>>) target(%dma_start3A_50 : memref<16x128xf32, #tpu.memory_space<vmem>>) offsets(%dma_start3A_51 : memref<16xi32, #tpu.memory_space<vmem>>) semaphore(%arg16 : memref<!tpu.dma_semaphore, #tpu.memory_space<semaphore_mem>>)
    %mul3A_55 = arith.constant 320 : i32
    %mul3A_56 = arith.muli %add3A, %mul3A_55 : i32
    %add3A_57 = arith.constant 48 : i32
    %add3A_58 = arith.addi %mul3A_56, %add3A_57 : i32
    %min3A_59 = arith.constant 9984 : i32
    %min3A_60 = arith.minsi %add3A_58, %min3A_59 : i32
    %multiple_of3A_61 = tpu.assume_multiple %min3A_60, 8 : i32
    %dma_start3A_62 = arith.constant 3 : i32
    %dma_start3A_63 = arith.constant 0 : i32
    %dma_start3A_64 = arith.constant 0 : i32
    %dma_start3A_65 = tpu.memref_slice %arg13[%dma_start3A_62, %dma_start3A_63, %dma_start3A_64] : memref<20x16x128xf32, #tpu.memory_space<vmem>> -> memref<1x16x128xf32, #tpu.memory_space<vmem>>
    %dma_start3A_66 = tpu.memref_squeeze %dma_start3A_65 : memref<1x16x128xf32, #tpu.memory_space<vmem>> -> memref<16x128xf32, #tpu.memory_space<vmem>>
    %dma_start3A_67 = tpu.memref_slice %arg7[%multiple_of3A_61] : memref<10000xi32, #tpu.memory_space<vmem>> -> memref<16xi32, #tpu.memory_space<vmem>>
    %dma_start3A_68 = arith.constant 0 : i32
    %dma_start3A_69 = arith.constant 0 : i32
    %dma_start3A_70 = tpu.memref_slice %arg2[%dma_start3A_68, %dma_start3A_69] : memref<10000x128xf32, #tpu.memory_space<hbm>> -> memref<10000x128xf32, #tpu.memory_space<hbm>>
    tpu.enqueue_indirect_dma source(%dma_start3A_70 : memref<10000x128xf32, #tpu.memory_space<hbm>>) target(%dma_start3A_66 : memref<16x128xf32, #tpu.memory_space<vmem>>) offsets(%dma_start3A_67 : memref<16xi32, #tpu.memory_space<vmem>>) semaphore(%arg16 : memref<!tpu.dma_semaphore, #tpu.memory_space<semaphore_mem>>)
    %mul3A_71 = arith.constant 320 : i32
    %mul3A_72 = arith.muli %add3A, %mul3A_71 : i32
    %add3A_73 = arith.constant 64 : i32
    %add3A_74 = arith.addi %mul3A_72, %add3A_73 : i32
    %min3A_75 = arith.constant 9984 : i32
    %min3A_76 = arith.minsi %add3A_74, %min3A_75 : i32
    %multiple_of3A_77 = tpu.assume_multiple %min3A_76, 8 : i32
    %dma_start3A_78 = arith.constant 4 : i32
    %dma_start3A_79 = arith.constant 0 : i32
    %dma_start3A_80 = arith.constant 0 : i32
    %dma_start3A_81 = tpu.memref_slice %arg13[%dma_start3A_78, %dma_start3A_79, %dma_start3A_80] : memref<20x16x128xf32, #tpu.memory_space<vmem>> -> memref<1x16x128xf32, #tpu.memory_space<vmem>>
    %dma_start3A_82 = tpu.memref_squeeze %dma_start3A_81 : memref<1x16x128xf32, #tpu.memory_space<vmem>> -> memref<16x128xf32, #tpu.memory_space<vmem>>
    %dma_start3A_83 = tpu.memref_slice %arg7[%multiple_of3A_77] : memref<10000xi32, #tpu.memory_space<vmem>> -> memref<16xi32, #tpu.memory_space<vmem>>
    %dma_start3A_84 = arith.constant 0 : i32
    %dma_start3A_85 = arith.constant 0 : i32
    %dma_start3A_86 = tpu.memref_slice %arg2[%dma_start3A_84, %dma_start3A_85] : memref<10000x128xf32, #tpu.memory_space<hbm>> -> memref<10000x128xf32, #tpu.memory_space<hbm>>
    tpu.enqueue_indirect_dma source(%dma_start3A_86 : memref<10000x128xf32, #tpu.memory_space<hbm>>) target(%dma_start3A_82 : memref<16x128xf32, #tpu.memory_space<vmem>>) offsets(%dma_start3A_83 : memref<16xi32, #tpu.memory_space<vmem>>) semaphore(%arg16 : memref<!tpu.dma_semaphore, #tpu.memory_space<semaphore_mem>>)
    %mul3A_87 = arith.constant 320 : i32
    %mul3A_88 = arith.muli %add3A, %mul3A_87 : i32
    %add3A_89 = arith.constant 80 : i32
    %add3A_90 = arith.addi %mul3A_88, %add3A_89 : i32
    %min3A_91 = arith.constant 9984 : i32
    %min3A_92 = arith.minsi %add3A_90, %min3A_91 : i32
    %multiple_of3A_93 = tpu.assume_multiple %min3A_92, 8 : i32
    %dma_start3A_94 = arith.constant 5 : i32
    %dma_start3A_95 = arith.constant 0 : i32
    %dma_start3A_96 = arith.constant 0 : i32
    %dma_start3A_97 = tpu.memref_slice %arg13[%dma_start3A_94, %dma_start3A_95, %dma_start3A_96] : memref<20x16x128xf32, #tpu.memory_space<vmem>> -> memref<1x16x128xf32, #tpu.memory_space<vmem>>
    %dma_start3A_98 = tpu.memref_squeeze %dma_start3A_97 : memref<1x16x128xf32, #tpu.memory_space<vmem>> -> memref<16x128xf32, #tpu.memory_space<vmem>>
    %dma_start3A_99 = tpu.memref_slice %arg7[%multiple_of3A_93] : memref<10000xi32, #tpu.memory_space<vmem>> -> memref<16xi32, #tpu.memory_space<vmem>>
    %dma_start3A_100 = arith.constant 0 : i32
    %dma_start3A_101 = arith.constant 0 : i32
    %dma_start3A_102 = tpu.memref_slice %arg2[%dma_start3A_100, %dma_start3A_101] : memref<10000x128xf32, #tpu.memory_space<hbm>> -> memref<10000x128xf32, #tpu.memory_space<hbm>>
    tpu.enqueue_indirect_dma source(%dma_start3A_102 : memref<10000x128xf32, #tpu.memory_space<hbm>>) target(%dma_start3A_98 : memref<16x128xf32, #tpu.memory_space<vmem>>) offsets(%dma_start3A_99 : memref<16xi32, #tpu.memory_space<vmem>>) semaphore(%arg16 : memref<!tpu.dma_semaphore, #tpu.memory_space<semaphore_mem>>)
    %mul3A_103 = arith.constant 320 : i32
    %mul3A_104 = arith.muli %add3A, %mul3A_103 : i32
    %add3A_105 = arith.constant 96 : i32
    %add3A_106 = arith.addi %mul3A_104, %add3A_105 : i32
    %min3A_107 = arith.constant 9984 : i32
    %min3A_108 = arith.minsi %add3A_106, %min3A_107 : i32
    %multiple_of3A_109 = tpu.assume_multiple %min3A_108, 8 : i32
    %dma_start3A_110 = arith.constant 6 : i32
    %dma_start3A_111 = arith.constant 0 : i32
    %dma_start3A_112 = arith.constant 0 : i32
    %dma_start3A_113 = tpu.memref_slice %arg13[%dma_start3A_110, %dma_start3A_111, %dma_start3A_112] : memref<20x16x128xf32, #tpu.memory_space<vmem>> -> memref<1x16x128xf32, #tpu.memory_space<vmem>>
    %dma_start3A_114 = tpu.memref_squeeze %dma_start3A_113 : memref<1x16x128xf32, #tpu.memory_space<vmem>> -> memref<16x128xf32, #tpu.memory_space<vmem>>
    %dma_start3A_115 = tpu.memref_slice %arg7[%multiple_of3A_109] : memref<10000xi32, #tpu.memory_space<vmem>> -> memref<16xi32, #tpu.memory_space<vmem>>
    %dma_start3A_116 = arith.constant 0 : i32
    %dma_start3A_117 = arith.constant 0 : i32
    %dma_start3A_118 = tpu.memref_slice %arg2[%dma_start3A_116, %dma_start3A_117] : memref<10000x128xf32, #tpu.memory_space<hbm>> -> memref<10000x128xf32, #tpu.memory_space<hbm>>
    tpu.enqueue_indirect_dma source(%dma_start3A_118 : memref<10000x128xf32, #tpu.memory_space<hbm>>) target(%dma_start3A_114 : memref<16x128xf32, #tpu.memory_space<vmem>>) offsets(%dma_start3A_115 : memref<16xi32, #tpu.memory_space<vmem>>) semaphore(%arg16 : memref<!tpu.dma_semaphore, #tpu.memory_space<semaphore_mem>>)
    %mul3A_119 = arith.constant 320 : i32
    %mul3A_120 = arith.muli %add3A, %mul3A_119 : i32
    %add3A_121 = arith.constant 112 : i32
    %add3A_122 = arith.addi %mul3A_120, %add3A_121 : i32
    %min3A_123 = arith.constant 9984 : i32
    %min3A_124 = arith.minsi %add3A_122, %min3A_123 : i32
    %multiple_of3A_125 = tpu.assume_multiple %min3A_124, 8 : i32
    %dma_start3A_126 = arith.constant 7 : i32
    %dma_start3A_127 = arith.constant 0 : i32
    %dma_start3A_128 = arith.constant 0 : i32
    %dma_start3A_129 = tpu.memref_slice %arg13[%dma_start3A_126, %dma_start3A_127, %dma_start3A_128] : memref<20x16x128xf32, #tpu.memory_space<vmem>> -> memref<1x16x128xf32, #tpu.memory_space<vmem>>
    %dma_start3A_130 = tpu.memref_squeeze %dma_start3A_129 : memref<1x16x128xf32, #tpu.memory_space<vmem>> -> memref<16x128xf32, #tpu.memory_space<vmem>>
    %dma_start3A_131 = tpu.memref_slice %arg7[%multiple_of3A_125] : memref<10000xi32, #tpu.memory_space<vmem>> -> memref<16xi32, #tpu.memory_space<vmem>>
    %dma_start3A_132 = arith.constant 0 : i32
    %dma_start3A_133 = arith.constant 0 : i32
    %dma_start3A_134 = tpu.memref_slice %arg2[%dma_start3A_132, %dma_start3A_133] : memref<10000x128xf32, #tpu.memory_space<hbm>> -> memref<10000x128xf32, #tpu.memory_space<hbm>>
    tpu.enqueue_indirect_dma source(%dma_start3A_134 : memref<10000x128xf32, #tpu.memory_space<hbm>>) target(%dma_start3A_130 : memref<16x128xf32, #tpu.memory_space<vmem>>) offsets(%dma_start3A_131 : memref<16xi32, #tpu.memory_space<vmem>>) semaphore(%arg16 : memref<!tpu.dma_semaphore, #tpu.memory_space<semaphore_mem>>)
    %mul3A_135 = arith.constant 320 : i32
    %mul3A_136 = arith.muli %add3A, %mul3A_135 : i32
    %add3A_137 = arith.constant 128 : i32
    %add3A_138 = arith.addi %mul3A_136, %add3A_137 : i32
    %min3A_139 = arith.constant 9984 : i32
    %min3A_140 = arith.minsi %add3A_138, %min3A_139 : i32
    %multiple_of3A_141 = tpu.assume_multiple %min3A_140, 8 : i32
    %dma_start3A_142 = arith.constant 8 : i32
    %dma_start3A_143 = arith.constant 0 : i32
    %dma_start3A_144 = arith.constant 0 : i32
    %dma_start3A_145 = tpu.memref_slice %arg13[%dma_start3A_142, %dma_start3A_143, %dma_start3A_144] : memref<20x16x128xf32, #tpu.memory_space<vmem>> -> memref<1x16x128xf32, #tpu.memory_space<vmem>>
    %dma_start3A_146 = tpu.memref_squeeze %dma_start3A_145 : memref<1x16x128xf32, #tpu.memory_space<vmem>> -> memref<16x128xf32, #tpu.memory_space<vmem>>
    %dma_start3A_147 = tpu.memref_slice %arg7[%multiple_of3A_141] : memref<10000xi32, #tpu.memory_space<vmem>> -> memref<16xi32, #tpu.memory_space<vmem>>
    %dma_start3A_148 = arith.constant 0 : i32
    %dma_start3A_149 = arith.constant 0 : i32
    %dma_start3A_150 = tpu.memref_slice %arg2[%dma_start3A_148, %dma_start3A_149] : memref<10000x128xf32, #tpu.memory_space<hbm>> -> memref<10000x128xf32, #tpu.memory_space<hbm>>
    tpu.enqueue_indirect_dma source(%dma_start3A_150 : memref<10000x128xf32, #tpu.memory_space<hbm>>) target(%dma_start3A_146 : memref<16x128xf32, #tpu.memory_space<vmem>>) offsets(%dma_start3A_147 : memref<16xi32, #tpu.memory_space<vmem>>) semaphore(%arg16 : memref<!tpu.dma_semaphore, #tpu.memory_space<semaphore_mem>>)
    %mul3A_151 = arith.constant 320 : i32
    %mul3A_152 = arith.muli %add3A, %mul3A_151 : i32
    %add3A_153 = arith.constant 144 : i32
    %add3A_154 = arith.addi %mul3A_152, %add3A_153 : i32
    %min3A_155 = arith.constant 9984 : i32
    %min3A_156 = arith.minsi %add3A_154, %min3A_155 : i32
    %multiple_of3A_157 = tpu.assume_multiple %min3A_156, 8 : i32
    %dma_start3A_158 = arith.constant 9 : i32
    %dma_start3A_159 = arith.constant 0 : i32
    %dma_start3A_160 = arith.constant 0 : i32
    %dma_start3A_161 = tpu.memref_slice %arg13[%dma_start3A_158, %dma_start3A_159, %dma_start3A_160] : memref<20x16x128xf32, #tpu.memory_space<vmem>> -> memref<1x16x128xf32, #tpu.memory_space<vmem>>
    %dma_start3A_162 = tpu.memref_squeeze %dma_start3A_161 : memref<1x16x128xf32, #tpu.memory_space<vmem>> -> memref<16x128xf32, #tpu.memory_space<vmem>>
    %dma_start3A_163 = tpu.memref_slice %arg7[%multiple_of3A_157] : memref<10000xi32, #tpu.memory_space<vmem>> -> memref<16xi32, #tpu.memory_space<vmem>>
    %dma_start3A_164 = arith.constant 0 : i32
    %dma_start3A_165 = arith.constant 0 : i32
    %dma_start3A_166 = tpu.memref_slice %arg2[%dma_start3A_164, %dma_start3A_165] : memref<10000x128xf32, #tpu.memory_space<hbm>> -> memref<10000x128xf32, #tpu.memory_space<hbm>>
    tpu.enqueue_indirect_dma source(%dma_start3A_166 : memref<10000x128xf32, #tpu.memory_space<hbm>>) target(%dma_start3A_162 : memref<16x128xf32, #tpu.memory_space<vmem>>) offsets(%dma_start3A_163 : memref<16xi32, #tpu.memory_space<vmem>>) semaphore(%arg16 : memref<!tpu.dma_semaphore, #tpu.memory_space<semaphore_mem>>)
    %mul3A_167 = arith.constant 320 : i32
    %mul3A_168 = arith.muli %add3A, %mul3A_167 : i32
    %add3A_169 = arith.constant 160 : i32
    %add3A_170 = arith.addi %mul3A_168, %add3A_169 : i32
    %min3A_171 = arith.constant 9984 : i32
    %min3A_172 = arith.minsi %add3A_170, %min3A_171 : i32
    %multiple_of3A_173 = tpu.assume_multiple %min3A_172, 8 : i32
    %dma_start3A_174 = arith.constant 10 : i32
    %dma_start3A_175 = arith.constant 0 : i32
    %dma_start3A_176 = arith.constant 0 : i32
    %dma_start3A_177 = tpu.memref_slice %arg13[%dma_start3A_174, %dma_start3A_175, %dma_start3A_176] : memref<20x16x128xf32, #tpu.memory_space<vmem>> -> memref<1x16x128xf32, #tpu.memory_space<vmem>>
    %dma_start3A_178 = tpu.memref_squeeze %dma_start3A_177 : memref<1x16x128xf32, #tpu.memory_space<vmem>> -> memref<16x128xf32, #tpu.memory_space<vmem>>
    %dma_start3A_179 = tpu.memref_slice %arg7[%multiple_of3A_173] : memref<10000xi32, #tpu.memory_space<vmem>> -> memref<16xi32, #tpu.memory_space<vmem>>
    %dma_start3A_180 = arith.constant 0 : i32
    %dma_start3A_181 = arith.constant 0 : i32
    %dma_start3A_182 = tpu.memref_slice %arg2[%dma_start3A_180, %dma_start3A_181] : memref<10000x128xf32, #tpu.memory_space<hbm>> -> memref<10000x128xf32, #tpu.memory_space<hbm>>
    tpu.enqueue_indirect_dma source(%dma_start3A_182 : memref<10000x128xf32, #tpu.memory_space<hbm>>) target(%dma_start3A_178 : memref<16x128xf32, #tpu.memory_space<vmem>>) offsets(%dma_start3A_179 : memref<16xi32, #tpu.memory_space<vmem>>) semaphore(%arg16 : memref<!tpu.dma_semaphore, #tpu.memory_space<semaphore_mem>>)
    %mul3A_183 = arith.constant 320 : i32
    %mul3A_184 = arith.muli %add3A, %mul3A_183 : i32
    %add3A_185 = arith.constant 176 : i32
    %add3A_186 = arith.addi %mul3A_184, %add3A_185 : i32
    %min3A_187 = arith.constant 9984 : i32
    %min3A_188 = arith.minsi %add3A_186, %min3A_187 : i32
    %multiple_of3A_189 = tpu.assume_multiple %min3A_188, 8 : i32
    %dma_start3A_190 = arith.constant 11 : i32
    %dma_start3A_191 = arith.constant 0 : i32
    %dma_start3A_192 = arith.constant 0 : i32
    %dma_start3A_193 = tpu.memref_slice %arg13[%dma_start3A_190, %dma_start3A_191, %dma_start3A_192] : memref<20x16x128xf32, #tpu.memory_space<vmem>> -> memref<1x16x128xf32, #tpu.memory_space<vmem>>
    %dma_start3A_194 = tpu.memref_squeeze %dma_start3A_193 : memref<1x16x128xf32, #tpu.memory_space<vmem>> -> memref<16x128xf32, #tpu.memory_space<vmem>>
    %dma_start3A_195 = tpu.memref_slice %arg7[%multiple_of3A_189] : memref<10000xi32, #tpu.memory_space<vmem>> -> memref<16xi32, #tpu.memory_space<vmem>>
    %dma_start3A_196 = arith.constant 0 : i32
    %dma_start3A_197 = arith.constant 0 : i32
    %dma_start3A_198 = tpu.memref_slice %arg2[%dma_start3A_196, %dma_start3A_197] : memref<10000x128xf32, #tpu.memory_space<hbm>> -> memref<10000x128xf32, #tpu.memory_space<hbm>>
    tpu.enqueue_indirect_dma source(%dma_start3A_198 : memref<10000x128xf32, #tpu.memory_space<hbm>>) target(%dma_start3A_194 : memref<16x128xf32, #tpu.memory_space<vmem>>) offsets(%dma_start3A_195 : memref<16xi32, #tpu.memory_space<vmem>>) semaphore(%arg16 : memref<!tpu.dma_semaphore, #tpu.memory_space<semaphore_mem>>)
    %mul3A_199 = arith.constant 320 : i32
    %mul3A_200 = arith.muli %add3A, %mul3A_199 : i32
    %add3A_201 = arith.constant 192 : i32
    %add3A_202 = arith.addi %mul3A_200, %add3A_201 : i32
    %min3A_203 = arith.constant 9984 : i32
    %min3A_204 = arith.minsi %add3A_202, %min3A_203 : i32
    %multiple_of3A_205 = tpu.assume_multiple %min3A_204, 8 : i32
    %dma_start3A_206 = arith.constant 12 : i32
    %dma_start3A_207 = arith.constant 0 : i32
    %dma_start3A_208 = arith.constant 0 : i32
    %dma_start3A_209 = tpu.memref_slice %arg13[%dma_start3A_206, %dma_start3A_207, %dma_start3A_208] : memref<20x16x128xf32, #tpu.memory_space<vmem>> -> memref<1x16x128xf32, #tpu.memory_space<vmem>>
    %dma_start3A_210 = tpu.memref_squeeze %dma_start3A_209 : memref<1x16x128xf32, #tpu.memory_space<vmem>> -> memref<16x128xf32, #tpu.memory_space<vmem>>
    %dma_start3A_211 = tpu.memref_slice %arg7[%multiple_of3A_205] : memref<10000xi32, #tpu.memory_space<vmem>> -> memref<16xi32, #tpu.memory_space<vmem>>
    %dma_start3A_212 = arith.constant 0 : i32
    %dma_start3A_213 = arith.constant 0 : i32
    %dma_start3A_214 = tpu.memref_slice %arg2[%dma_start3A_212, %dma_start3A_213] : memref<10000x128xf32, #tpu.memory_space<hbm>> -> memref<10000x128xf32, #tpu.memory_space<hbm>>
    tpu.enqueue_indirect_dma source(%dma_start3A_214 : memref<10000x128xf32, #tpu.memory_space<hbm>>) target(%dma_start3A_210 : memref<16x128xf32, #tpu.memory_space<vmem>>) offsets(%dma_start3A_211 : memref<16xi32, #tpu.memory_space<vmem>>) semaphore(%arg16 : memref<!tpu.dma_semaphore, #tpu.memory_space<semaphore_mem>>)
    %mul3A_215 = arith.constant 320 : i32
    %mul3A_216 = arith.muli %add3A, %mul3A_215 : i32
    %add3A_217 = arith.constant 208 : i32
    %add3A_218 = arith.addi %mul3A_216, %add3A_217 : i32
    %min3A_219 = arith.constant 9984 : i32
    %min3A_220 = arith.minsi %add3A_218, %min3A_219 : i32
    %multiple_of3A_221 = tpu.assume_multiple %min3A_220, 8 : i32
    %dma_start3A_222 = arith.constant 13 : i32
    %dma_start3A_223 = arith.constant 0 : i32
    %dma_start3A_224 = arith.constant 0 : i32
    %dma_start3A_225 = tpu.memref_slice %arg13[%dma_start3A_222, %dma_start3A_223, %dma_start3A_224] : memref<20x16x128xf32, #tpu.memory_space<vmem>> -> memref<1x16x128xf32, #tpu.memory_space<vmem>>
    %dma_start3A_226 = tpu.memref_squeeze %dma_start3A_225 : memref<1x16x128xf32, #tpu.memory_space<vmem>> -> memref<16x128xf32, #tpu.memory_space<vmem>>
    %dma_start3A_227 = tpu.memref_slice %arg7[%multiple_of3A_221] : memref<10000xi32, #tpu.memory_space<vmem>> -> memref<16xi32, #tpu.memory_space<vmem>>
    %dma_start3A_228 = arith.constant 0 : i32
    %dma_start3A_229 = arith.constant 0 : i32
    %dma_start3A_230 = tpu.memref_slice %arg2[%dma_start3A_228, %dma_start3A_229] : memref<10000x128xf32, #tpu.memory_space<hbm>> -> memref<10000x128xf32, #tpu.memory_space<hbm>>
    tpu.enqueue_indirect_dma source(%dma_start3A_230 : memref<10000x128xf32, #tpu.memory_space<hbm>>) target(%dma_start3A_226 : memref<16x128xf32, #tpu.memory_space<vmem>>) offsets(%dma_start3A_227 : memref<16xi32, #tpu.memory_space<vmem>>) semaphore(%arg16 : memref<!tpu.dma_semaphore, #tpu.memory_space<semaphore_mem>>)
    %mul3A_231 = arith.constant 320 : i32
    %mul3A_232 = arith.muli %add3A, %mul3A_231 : i32
    %add3A_233 = arith.constant 224 : i32
    %add3A_234 = arith.addi %mul3A_232, %add3A_233 : i32
    %min3A_235 = arith.constant 9984 : i32
    %min3A_236 = arith.minsi %add3A_234, %min3A_235 : i32
    %multiple_of3A_237 = tpu.assume_multiple %min3A_236, 8 : i32
    %dma_start3A_238 = arith.constant 14 : i32
    %dma_start3A_239 = arith.constant 0 : i32
    %dma_start3A_240 = arith.constant 0 : i32
    %dma_start3A_241 = tpu.memref_slice %arg13[%dma_start3A_238, %dma_start3A_239, %dma_start3A_240] : memref<20x16x128xf32, #tpu.memory_space<vmem>> -> memref<1x16x128xf32, #tpu.memory_space<vmem>>
    %dma_start3A_242 = tpu.memref_squeeze %dma_start3A_241 : memref<1x16x128xf32, #tpu.memory_space<vmem>> -> memref<16x128xf32, #tpu.memory_space<vmem>>
    %dma_start3A_243 = tpu.memref_slice %arg7[%multiple_of3A_237] : memref<10000xi32, #tpu.memory_space<vmem>> -> memref<16xi32, #tpu.memory_space<vmem>>
    %dma_start3A_244 = arith.constant 0 : i32
    %dma_start3A_245 = arith.constant 0 : i32
    %dma_start3A_246 = tpu.memref_slice %arg2[%dma_start3A_244, %dma_start3A_245] : memref<10000x128xf32, #tpu.memory_space<hbm>> -> memref<10000x128xf32, #tpu.memory_space<hbm>>
    tpu.enqueue_indirect_dma source(%dma_start3A_246 : memref<10000x128xf32, #tpu.memory_space<hbm>>) target(%dma_start3A_242 : memref<16x128xf32, #tpu.memory_space<vmem>>) offsets(%dma_start3A_243 : memref<16xi32, #tpu.memory_space<vmem>>) semaphore(%arg16 : memref<!tpu.dma_semaphore, #tpu.memory_space<semaphore_mem>>)
    %mul3A_247 = arith.constant 320 : i32
    %mul3A_248 = arith.muli %add3A, %mul3A_247 : i32
    %add3A_249 = arith.constant 240 : i32
    %add3A_250 = arith.addi %mul3A_248, %add3A_249 : i32
    %min3A_251 = arith.constant 9984 : i32
    %min3A_252 = arith.minsi %add3A_250, %min3A_251 : i32
    %multiple_of3A_253 = tpu.assume_multiple %min3A_252, 8 : i32
    %dma_start3A_254 = arith.constant 15 : i32
    %dma_start3A_255 = arith.constant 0 : i32
    %dma_start3A_256 = arith.constant 0 : i32
    %dma_start3A_257 = tpu.memref_slice %arg13[%dma_start3A_254, %dma_start3A_255, %dma_start3A_256] : memref<20x16x128xf32, #tpu.memory_space<vmem>> -> memref<1x16x128xf32, #tpu.memory_space<vmem>>
    %dma_start3A_258 = tpu.memref_squeeze %dma_start3A_257 : memref<1x16x128xf32, #tpu.memory_space<vmem>> -> memref<16x128xf32, #tpu.memory_space<vmem>>
    %dma_start3A_259 = tpu.memref_slice %arg7[%multiple_of3A_253] : memref<10000xi32, #tpu.memory_space<vmem>> -> memref<16xi32, #tpu.memory_space<vmem>>
    %dma_start3A_260 = arith.constant 0 : i32
    %dma_start3A_261 = arith.constant 0 : i32
    %dma_start3A_262 = tpu.memref_slice %arg2[%dma_start3A_260, %dma_start3A_261] : memref<10000x128xf32, #tpu.memory_space<hbm>> -> memref<10000x128xf32, #tpu.memory_space<hbm>>
    tpu.enqueue_indirect_dma source(%dma_start3A_262 : memref<10000x128xf32, #tpu.memory_space<hbm>>) target(%dma_start3A_258 : memref<16x128xf32, #tpu.memory_space<vmem>>) offsets(%dma_start3A_259 : memref<16xi32, #tpu.memory_space<vmem>>) semaphore(%arg16 : memref<!tpu.dma_semaphore, #tpu.memory_space<semaphore_mem>>)
    %mul3A_263 = arith.constant 320 : i32
    %mul3A_264 = arith.muli %add3A, %mul3A_263 : i32
    %add3A_265 = arith.constant 256 : i32
    %add3A_266 = arith.addi %mul3A_264, %add3A_265 : i32
    %min3A_267 = arith.constant 9984 : i32
    %min3A_268 = arith.minsi %add3A_266, %min3A_267 : i32
    %multiple_of3A_269 = tpu.assume_multiple %min3A_268, 8 : i32
    %dma_start3A_270 = arith.constant 16 : i32
    %dma_start3A_271 = arith.constant 0 : i32
    %dma_start3A_272 = arith.constant 0 : i32
    %dma_start3A_273 = tpu.memref_slice %arg13[%dma_start3A_270, %dma_start3A_271, %dma_start3A_272] : memref<20x16x128xf32, #tpu.memory_space<vmem>> -> memref<1x16x128xf32, #tpu.memory_space<vmem>>
    %dma_start3A_274 = tpu.memref_squeeze %dma_start3A_273 : memref<1x16x128xf32, #tpu.memory_space<vmem>> -> memref<16x128xf32, #tpu.memory_space<vmem>>
    %dma_start3A_275 = tpu.memref_slice %arg7[%multiple_of3A_269] : memref<10000xi32, #tpu.memory_space<vmem>> -> memref<16xi32, #tpu.memory_space<vmem>>
    %dma_start3A_276 = arith.constant 0 : i32
    %dma_start3A_277 = arith.constant 0 : i32
    %dma_start3A_278 = tpu.memref_slice %arg2[%dma_start3A_276, %dma_start3A_277] : memref<10000x128xf32, #tpu.memory_space<hbm>> -> memref<10000x128xf32, #tpu.memory_space<hbm>>
    tpu.enqueue_indirect_dma source(%dma_start3A_278 : memref<10000x128xf32, #tpu.memory_space<hbm>>) target(%dma_start3A_274 : memref<16x128xf32, #tpu.memory_space<vmem>>) offsets(%dma_start3A_275 : memref<16xi32, #tpu.memory_space<vmem>>) semaphore(%arg16 : memref<!tpu.dma_semaphore, #tpu.memory_space<semaphore_mem>>)
    %mul3A_279 = arith.constant 320 : i32
    %mul3A_280 = arith.muli %add3A, %mul3A_279 : i32
    %add3A_281 = arith.constant 272 : i32
    %add3A_282 = arith.addi %mul3A_280, %add3A_281 : i32
    %min3A_283 = arith.constant 9984 : i32
    %min3A_284 = arith.minsi %add3A_282, %min3A_283 : i32
    %multiple_of3A_285 = tpu.assume_multiple %min3A_284, 8 : i32
    %dma_start3A_286 = arith.constant 17 : i32
    %dma_start3A_287 = arith.constant 0 : i32
    %dma_start3A_288 = arith.constant 0 : i32
    %dma_start3A_289 = tpu.memref_slice %arg13[%dma_start3A_286, %dma_start3A_287, %dma_start3A_288] : memref<20x16x128xf32, #tpu.memory_space<vmem>> -> memref<1x16x128xf32, #tpu.memory_space<vmem>>
    %dma_start3A_290 = tpu.memref_squeeze %dma_start3A_289 : memref<1x16x128xf32, #tpu.memory_space<vmem>> -> memref<16x128xf32, #tpu.memory_space<vmem>>
    %dma_start3A_291 = tpu.memref_slice %arg7[%multiple_of3A_285] : memref<10000xi32, #tpu.memory_space<vmem>> -> memref<16xi32, #tpu.memory_space<vmem>>
    %dma_start3A_292 = arith.constant 0 : i32
    %dma_start3A_293 = arith.constant 0 : i32
    %dma_start3A_294 = tpu.memref_slice %arg2[%dma_start3A_292, %dma_start3A_293] : memref<10000x128xf32, #tpu.memory_space<hbm>> -> memref<10000x128xf32, #tpu.memory_space<hbm>>
    tpu.enqueue_indirect_dma source(%dma_start3A_294 : memref<10000x128xf32, #tpu.memory_space<hbm>>) target(%dma_start3A_290 : memref<16x128xf32, #tpu.memory_space<vmem>>) offsets(%dma_start3A_291 : memref<16xi32, #tpu.memory_space<vmem>>) semaphore(%arg16 : memref<!tpu.dma_semaphore, #tpu.memory_space<semaphore_mem>>)
    %mul3A_295 = arith.constant 320 : i32
    %mul3A_296 = arith.muli %add3A, %mul3A_295 : i32
    %add3A_297 = arith.constant 288 : i32
    %add3A_298 = arith.addi %mul3A_296, %add3A_297 : i32
    %min3A_299 = arith.constant 9984 : i32
    %min3A_300 = arith.minsi %add3A_298, %min3A_299 : i32
    %multiple_of3A_301 = tpu.assume_multiple %min3A_300, 8 : i32
    %dma_start3A_302 = arith.constant 18 : i32
    %dma_start3A_303 = arith.constant 0 : i32
    %dma_start3A_304 = arith.constant 0 : i32
    %dma_start3A_305 = tpu.memref_slice %arg13[%dma_start3A_302, %dma_start3A_303, %dma_start3A_304] : memref<20x16x128xf32, #tpu.memory_space<vmem>> -> memref<1x16x128xf32, #tpu.memory_space<vmem>>
    %dma_start3A_306 = tpu.memref_squeeze %dma_start3A_305 : memref<1x16x128xf32, #tpu.memory_space<vmem>> -> memref<16x128xf32, #tpu.memory_space<vmem>>
    %dma_start3A_307 = tpu.memref_slice %arg7[%multiple_of3A_301] : memref<10000xi32, #tpu.memory_space<vmem>> -> memref<16xi32, #tpu.memory_space<vmem>>
    %dma_start3A_308 = arith.constant 0 : i32
    %dma_start3A_309 = arith.constant 0 : i32
    %dma_start3A_310 = tpu.memref_slice %arg2[%dma_start3A_308, %dma_start3A_309] : memref<10000x128xf32, #tpu.memory_space<hbm>> -> memref<10000x128xf32, #tpu.memory_space<hbm>>
    tpu.enqueue_indirect_dma source(%dma_start3A_310 : memref<10000x128xf32, #tpu.memory_space<hbm>>) target(%dma_start3A_306 : memref<16x128xf32, #tpu.memory_space<vmem>>) offsets(%dma_start3A_307 : memref<16xi32, #tpu.memory_space<vmem>>) semaphore(%arg16 : memref<!tpu.dma_semaphore, #tpu.memory_space<semaphore_mem>>)
    %mul3A_311 = arith.constant 320 : i32
    %mul3A_312 = arith.muli %add3A, %mul3A_311 : i32
    %add3A_313 = arith.constant 304 : i32
    %add3A_314 = arith.addi %mul3A_312, %add3A_313 : i32
    %min3A_315 = arith.constant 9984 : i32
    %min3A_316 = arith.minsi %add3A_314, %min3A_315 : i32
    %multiple_of3A_317 = tpu.assume_multiple %min3A_316, 8 : i32
    %dma_start3A_318 = arith.constant 19 : i32
    %dma_start3A_319 = arith.constant 0 : i32
    %dma_start3A_320 = arith.constant 0 : i32
    %dma_start3A_321 = tpu.memref_slice %arg13[%dma_start3A_318, %dma_start3A_319, %dma_start3A_320] : memref<20x16x128xf32, #tpu.memory_space<vmem>> -> memref<1x16x128xf32, #tpu.memory_space<vmem>>
    %dma_start3A_322 = tpu.memref_squeeze %dma_start3A_321 : memref<1x16x128xf32, #tpu.memory_space<vmem>> -> memref<16x128xf32, #tpu.memory_space<vmem>>
    %dma_start3A_323 = tpu.memref_slice %arg7[%multiple_of3A_317] : memref<10000xi32, #tpu.memory_space<vmem>> -> memref<16xi32, #tpu.memory_space<vmem>>
    %dma_start3A_324 = arith.constant 0 : i32
    %dma_start3A_325 = arith.constant 0 : i32
    %dma_start3A_326 = tpu.memref_slice %arg2[%dma_start3A_324, %dma_start3A_325] : memref<10000x128xf32, #tpu.memory_space<hbm>> -> memref<10000x128xf32, #tpu.memory_space<hbm>>
    tpu.enqueue_indirect_dma source(%dma_start3A_326 : memref<10000x128xf32, #tpu.memory_space<hbm>>) target(%dma_start3A_322 : memref<16x128xf32, #tpu.memory_space<vmem>>) offsets(%dma_start3A_323 : memref<16xi32, #tpu.memory_space<vmem>>) semaphore(%arg16 : memref<!tpu.dma_semaphore, #tpu.memory_space<semaphore_mem>>)
    %parallel_loop3A = arith.constant 0 : i32
    %parallel_loop3A_327 = arith.constant 10000 : i32
    %parallel_loop3A_328 = arith.constant 16 : i32
    scf.for %parallel_loop3A_975 = %parallel_loop3A to %parallel_loop3A_327 step %parallel_loop3A_328  : i32 {
      %parallel_loop3A_976 = tpu.assume_multiple %parallel_loop3A_975, 16 : i32
      %parallel_loop3A_977 = arith.index_cast %parallel_loop3A_976 : i32 to index
      %parallel_loop3A_978 = tpu.vector_load %arg7[%parallel_loop3A_977] {strides = array<i32>} : memref<10000xi32, #tpu.memory_space<vmem>>, vector<16xi32>,
      %parallel_loop3A_979 = tpu.iota {dimensions = array<i32: 0>} : vector<16xi32>
      %parallel_loop3A_980 = vector.broadcast %parallel_loop3A_976 : i32 to vector<16xi32>
      %parallel_loop3A_981 = arith.addi %parallel_loop3A_979, %parallel_loop3A_980 : vector<16xi32>
      tpu.vector_store_idx %arg8[%parallel_loop3A_978], %parallel_loop3A_981 : memref<10000xi32, #tpu.memory_space<vmem>>[vector<16xi32>], vector<16xi32>,
    } {sc.loop_unroll_factor = 8 : i64, sc.parallel_access}
    %dma_wait3A = arith.constant 0 : i32
    %dma_wait3A_329 = arith.constant 0 : i32
    %dma_wait3A_330 = arith.constant 0 : i32
    %dma_wait3A_331 = tpu.memref_slice %arg13[%dma_wait3A, %dma_wait3A_329, %dma_wait3A_330] : memref<20x16x128xf32, #tpu.memory_space<vmem>> -> memref<1x16x128xf32, #tpu.memory_space<vmem>>
    %dma_wait3A_332 = tpu.memref_squeeze %dma_wait3A_331 : memref<1x16x128xf32, #tpu.memory_space<vmem>> -> memref<16x128xf32, #tpu.memory_space<vmem>>
    %dma_wait3A_333 = tpu.memref_slice %arg7[%multiple_of3A_13] : memref<10000xi32, #tpu.memory_space<vmem>> -> memref<16xi32, #tpu.memory_space<vmem>>
    %dma_wait3A_334 = arith.constant 0 : i32
    %dma_wait3A_335 = arith.constant 0 : i32
    %dma_wait3A_336 = tpu.memref_slice %arg2[%dma_wait3A_334, %dma_wait3A_335] : memref<10000x128xf32, #tpu.memory_space<hbm>> -> memref<10000x128xf32, #tpu.memory_space<hbm>>
    tpu.wait_indirect_dma semaphore(%arg16 : memref<!tpu.dma_semaphore, #tpu.memory_space<semaphore_mem>>) src(%dma_wait3A_336 : memref<10000x128xf32, #tpu.memory_space<hbm>>) dst(%dma_wait3A_332 : memref<16x128xf32, #tpu.memory_space<vmem>>)
    %mul3A_337 = arith.constant 320 : i32
    %mul3A_338 = arith.muli %add3A, %mul3A_337 : i32
    %add3A_339 = arith.constant 0 : i32
    %add3A_340 = arith.addi %mul3A_338, %add3A_339 : i32
    %multiple_of3A_341 = tpu.assume_multiple %add3A_340, 8 : i32
    %lt3A = arith.constant 10000 : i32
    %lt3A_342 = arith.cmpi slt, %multiple_of3A_341, %lt3A : i32
    %convert_element_type3A_343 = arith.extui %lt3A_342 : i1 to i32
    %cond3A_344 = arith.constant 0 : i32
    %cond3A_345 = arith.cmpi ne, %convert_element_type3A_343, %cond3A_344 : i32
    scf.if %cond3A_345 {
      %dma_start3A_975 = arith.constant 0 : i32
      %dma_start3A_976 = arith.constant 0 : i32
      %dma_start3A_977 = arith.constant 0 : i32
      %dma_start3A_978 = tpu.memref_slice %arg13[%dma_start3A_975, %dma_start3A_976, %dma_start3A_977] : memref<20x16x128xf32, #tpu.memory_space<vmem>> -> memref<1x16x128xf32, #tpu.memory_space<vmem>>
      %dma_start3A_979 = tpu.memref_squeeze %dma_start3A_978 : memref<1x16x128xf32, #tpu.memory_space<vmem>> -> memref<16x128xf32, #tpu.memory_space<vmem>>
      %dma_start3A_980 = arith.constant 0 : i32
      %dma_start3A_981 = tpu.memref_slice %arg5[%multiple_of3A_341, %dma_start3A_980] : memref<10000x128xf32, #tpu.memory_space<hbm>> -> memref<16x128xf32, #tpu.memory_space<hbm>>
      %dma_start3A_982 = arith.constant 0 : i32
      %dma_start3A_983 = tpu.memref_slice %arg5[%multiple_of3A_341, %dma_start3A_982] : memref<10000x128xf32, #tpu.memory_space<hbm>> -> memref<16x128xf32, #tpu.memory_space<hbm>>
      %dma_start3A_984 = arith.constant 0 : i32
      %dma_start3A_985 = arith.constant 0 : i32
      %dma_start3A_986 = tpu.memref_slice %arg13[%dma_start3A_975, %dma_start3A_984, %dma_start3A_985] : memref<20x16x128xf32, #tpu.memory_space<vmem>> -> memref<1x16x128xf32, #tpu.memory_space<vmem>>
      %dma_start3A_987 = tpu.memref_squeeze %dma_start3A_986 : memref<1x16x128xf32, #tpu.memory_space<vmem>> -> memref<16x128xf32, #tpu.memory_space<vmem>>
      tpu.enqueue_dma source(%dma_start3A_987 : memref<16x128xf32, #tpu.memory_space<vmem>>) target(%dma_start3A_983 : memref<16x128xf32, #tpu.memory_space<hbm>>) target_semaphore(%arg18 : memref<!tpu.dma_semaphore, #tpu.memory_space<semaphore_mem>>)
    } else {
    }
    %dma_wait3A_346 = arith.constant 1 : i32
    %dma_wait3A_347 = arith.constant 0 : i32
    %dma_wait3A_348 = arith.constant 0 : i32
    %dma_wait3A_349 = tpu.memref_slice %arg13[%dma_wait3A_346, %dma_wait3A_347, %dma_wait3A_348] : memref<20x16x128xf32, #tpu.memory_space<vmem>> -> memref<1x16x128xf32, #tpu.memory_space<vmem>>
    %dma_wait3A_350 = tpu.memref_squeeze %dma_wait3A_349 : memref<1x16x128xf32, #tpu.memory_space<vmem>> -> memref<16x128xf32, #tpu.memory_space<vmem>>
    %dma_wait3A_351 = tpu.memref_slice %arg7[%multiple_of3A_29] : memref<10000xi32, #tpu.memory_space<vmem>> -> memref<16xi32, #tpu.memory_space<vmem>>
    %dma_wait3A_352 = arith.constant 0 : i32
    %dma_wait3A_353 = arith.constant 0 : i32
    %dma_wait3A_354 = tpu.memref_slice %arg2[%dma_wait3A_352, %dma_wait3A_353] : memref<10000x128xf32, #tpu.memory_space<hbm>> -> memref<10000x128xf32, #tpu.memory_space<hbm>>
    tpu.wait_indirect_dma semaphore(%arg16 : memref<!tpu.dma_semaphore, #tpu.memory_space<semaphore_mem>>) src(%dma_wait3A_354 : memref<10000x128xf32, #tpu.memory_space<hbm>>) dst(%dma_wait3A_350 : memref<16x128xf32, #tpu.memory_space<vmem>>)
    %mul3A_355 = arith.constant 320 : i32
    %mul3A_356 = arith.muli %add3A, %mul3A_355 : i32
    %add3A_357 = arith.constant 16 : i32
    %add3A_358 = arith.addi %mul3A_356, %add3A_357 : i32
    %multiple_of3A_359 = tpu.assume_multiple %add3A_358, 8 : i32
    %lt3A_360 = arith.constant 10000 : i32
    %lt3A_361 = arith.cmpi slt, %multiple_of3A_359, %lt3A_360 : i32
    %convert_element_type3A_362 = arith.extui %lt3A_361 : i1 to i32
    %cond3A_363 = arith.constant 0 : i32
    %cond3A_364 = arith.cmpi ne, %convert_element_type3A_362, %cond3A_363 : i32
    scf.if %cond3A_364 {
      %dma_start3A_975 = arith.constant 1 : i32
      %dma_start3A_976 = arith.constant 0 : i32
      %dma_start3A_977 = arith.constant 0 : i32
      %dma_start3A_978 = tpu.memref_slice %arg13[%dma_start3A_975, %dma_start3A_976, %dma_start3A_977] : memref<20x16x128xf32, #tpu.memory_space<vmem>> -> memref<1x16x128xf32, #tpu.memory_space<vmem>>
      %dma_start3A_979 = tpu.memref_squeeze %dma_start3A_978 : memref<1x16x128xf32, #tpu.memory_space<vmem>> -> memref<16x128xf32, #tpu.memory_space<vmem>>
      %dma_start3A_980 = arith.constant 0 : i32
      %dma_start3A_981 = tpu.memref_slice %arg5[%multiple_of3A_359, %dma_start3A_980] : memref<10000x128xf32, #tpu.memory_space<hbm>> -> memref<16x128xf32, #tpu.memory_space<hbm>>
      %dma_start3A_982 = arith.constant 0 : i32
      %dma_start3A_983 = tpu.memref_slice %arg5[%multiple_of3A_359, %dma_start3A_982] : memref<10000x128xf32, #tpu.memory_space<hbm>> -> memref<16x128xf32, #tpu.memory_space<hbm>>
      %dma_start3A_984 = arith.constant 0 : i32
      %dma_start3A_985 = arith.constant 0 : i32
      %dma_start3A_986 = tpu.memref_slice %arg13[%dma_start3A_975, %dma_start3A_984, %dma_start3A_985] : memref<20x16x128xf32, #tpu.memory_space<vmem>> -> memref<1x16x128xf32, #tpu.memory_space<vmem>>
      %dma_start3A_987 = tpu.memref_squeeze %dma_start3A_986 : memref<1x16x128xf32, #tpu.memory_space<vmem>> -> memref<16x128xf32, #tpu.memory_space<vmem>>
      tpu.enqueue_dma source(%dma_start3A_987 : memref<16x128xf32, #tpu.memory_space<vmem>>) target(%dma_start3A_983 : memref<16x128xf32, #tpu.memory_space<hbm>>) target_semaphore(%arg18 : memref<!tpu.dma_semaphore, #tpu.memory_space<semaphore_mem>>)
    } else {
    }
    %dma_wait3A_365 = arith.constant 2 : i32
    %dma_wait3A_366 = arith.constant 0 : i32
    %dma_wait3A_367 = arith.constant 0 : i32
    %dma_wait3A_368 = tpu.memref_slice %arg13[%dma_wait3A_365, %dma_wait3A_366, %dma_wait3A_367] : memref<20x16x128xf32, #tpu.memory_space<vmem>> -> memref<1x16x128xf32, #tpu.memory_space<vmem>>
    %dma_wait3A_369 = tpu.memref_squeeze %dma_wait3A_368 : memref<1x16x128xf32, #tpu.memory_space<vmem>> -> memref<16x128xf32, #tpu.memory_space<vmem>>
    %dma_wait3A_370 = tpu.memref_slice %arg7[%multiple_of3A_45] : memref<10000xi32, #tpu.memory_space<vmem>> -> memref<16xi32, #tpu.memory_space<vmem>>
    %dma_wait3A_371 = arith.constant 0 : i32
    %dma_wait3A_372 = arith.constant 0 : i32
    %dma_wait3A_373 = tpu.memref_slice %arg2[%dma_wait3A_371, %dma_wait3A_372] : memref<10000x128xf32, #tpu.memory_space<hbm>> -> memref<10000x128xf32, #tpu.memory_space<hbm>>
    tpu.wait_indirect_dma semaphore(%arg16 : memref<!tpu.dma_semaphore, #tpu.memory_space<semaphore_mem>>) src(%dma_wait3A_373 : memref<10000x128xf32, #tpu.memory_space<hbm>>) dst(%dma_wait3A_369 : memref<16x128xf32, #tpu.memory_space<vmem>>)
    %mul3A_374 = arith.constant 320 : i32
    %mul3A_375 = arith.muli %add3A, %mul3A_374 : i32
    %add3A_376 = arith.constant 32 : i32
    %add3A_377 = arith.addi %mul3A_375, %add3A_376 : i32
    %multiple_of3A_378 = tpu.assume_multiple %add3A_377, 8 : i32
    %lt3A_379 = arith.constant 10000 : i32
    %lt3A_380 = arith.cmpi slt, %multiple_of3A_378, %lt3A_379 : i32
    %convert_element_type3A_381 = arith.extui %lt3A_380 : i1 to i32
    %cond3A_382 = arith.constant 0 : i32
    %cond3A_383 = arith.cmpi ne, %convert_element_type3A_381, %cond3A_382 : i32
    scf.if %cond3A_383 {
      %dma_start3A_975 = arith.constant 2 : i32
      %dma_start3A_976 = arith.constant 0 : i32
      %dma_start3A_977 = arith.constant 0 : i32
      %dma_start3A_978 = tpu.memref_slice %arg13[%dma_start3A_975, %dma_start3A_976, %dma_start3A_977] : memref<20x16x128xf32, #tpu.memory_space<vmem>> -> memref<1x16x128xf32, #tpu.memory_space<vmem>>
      %dma_start3A_979 = tpu.memref_squeeze %dma_start3A_978 : memref<1x16x128xf32, #tpu.memory_space<vmem>> -> memref<16x128xf32, #tpu.memory_space<vmem>>
      %dma_start3A_980 = arith.constant 0 : i32
      %dma_start3A_981 = tpu.memref_slice %arg5[%multiple_of3A_378, %dma_start3A_980] : memref<10000x128xf32, #tpu.memory_space<hbm>> -> memref<16x128xf32, #tpu.memory_space<hbm>>
      %dma_start3A_982 = arith.constant 0 : i32
      %dma_start3A_983 = tpu.memref_slice %arg5[%multiple_of3A_378, %dma_start3A_982] : memref<10000x128xf32, #tpu.memory_space<hbm>> -> memref<16x128xf32, #tpu.memory_space<hbm>>
      %dma_start3A_984 = arith.constant 0 : i32
      %dma_start3A_985 = arith.constant 0 : i32
      %dma_start3A_986 = tpu.memref_slice %arg13[%dma_start3A_975, %dma_start3A_984, %dma_start3A_985] : memref<20x16x128xf32, #tpu.memory_space<vmem>> -> memref<1x16x128xf32, #tpu.memory_space<vmem>>
      %dma_start3A_987 = tpu.memref_squeeze %dma_start3A_986 : memref<1x16x128xf32, #tpu.memory_space<vmem>> -> memref<16x128xf32, #tpu.memory_space<vmem>>
      tpu.enqueue_dma source(%dma_start3A_987 : memref<16x128xf32, #tpu.memory_space<vmem>>) target(%dma_start3A_983 : memref<16x128xf32, #tpu.memory_space<hbm>>) target_semaphore(%arg18 : memref<!tpu.dma_semaphore, #tpu.memory_space<semaphore_mem>>)
    } else {
    }
    %dma_wait3A_384 = arith.constant 3 : i32
    %dma_wait3A_385 = arith.constant 0 : i32
    %dma_wait3A_386 = arith.constant 0 : i32
    %dma_wait3A_387 = tpu.memref_slice %arg13[%dma_wait3A_384, %dma_wait3A_385, %dma_wait3A_386] : memref<20x16x128xf32, #tpu.memory_space<vmem>> -> memref<1x16x128xf32, #tpu.memory_space<vmem>>
    %dma_wait3A_388 = tpu.memref_squeeze %dma_wait3A_387 : memref<1x16x128xf32, #tpu.memory_space<vmem>> -> memref<16x128xf32, #tpu.memory_space<vmem>>
    %dma_wait3A_389 = tpu.memref_slice %arg7[%multiple_of3A_61] : memref<10000xi32, #tpu.memory_space<vmem>> -> memref<16xi32, #tpu.memory_space<vmem>>
    %dma_wait3A_390 = arith.constant 0 : i32
    %dma_wait3A_391 = arith.constant 0 : i32
    %dma_wait3A_392 = tpu.memref_slice %arg2[%dma_wait3A_390, %dma_wait3A_391] : memref<10000x128xf32, #tpu.memory_space<hbm>> -> memref<10000x128xf32, #tpu.memory_space<hbm>>
    tpu.wait_indirect_dma semaphore(%arg16 : memref<!tpu.dma_semaphore, #tpu.memory_space<semaphore_mem>>) src(%dma_wait3A_392 : memref<10000x128xf32, #tpu.memory_space<hbm>>) dst(%dma_wait3A_388 : memref<16x128xf32, #tpu.memory_space<vmem>>)
    %mul3A_393 = arith.constant 320 : i32
    %mul3A_394 = arith.muli %add3A, %mul3A_393 : i32
    %add3A_395 = arith.constant 48 : i32
    %add3A_396 = arith.addi %mul3A_394, %add3A_395 : i32
    %multiple_of3A_397 = tpu.assume_multiple %add3A_396, 8 : i32
    %lt3A_398 = arith.constant 10000 : i32
    %lt3A_399 = arith.cmpi slt, %multiple_of3A_397, %lt3A_398 : i32
    %convert_element_type3A_400 = arith.extui %lt3A_399 : i1 to i32
    %cond3A_401 = arith.constant 0 : i32
    %cond3A_402 = arith.cmpi ne, %convert_element_type3A_400, %cond3A_401 : i32
    scf.if %cond3A_402 {
      %dma_start3A_975 = arith.constant 3 : i32
      %dma_start3A_976 = arith.constant 0 : i32
      %dma_start3A_977 = arith.constant 0 : i32
      %dma_start3A_978 = tpu.memref_slice %arg13[%dma_start3A_975, %dma_start3A_976, %dma_start3A_977] : memref<20x16x128xf32, #tpu.memory_space<vmem>> -> memref<1x16x128xf32, #tpu.memory_space<vmem>>
      %dma_start3A_979 = tpu.memref_squeeze %dma_start3A_978 : memref<1x16x128xf32, #tpu.memory_space<vmem>> -> memref<16x128xf32, #tpu.memory_space<vmem>>
      %dma_start3A_980 = arith.constant 0 : i32
      %dma_start3A_981 = tpu.memref_slice %arg5[%multiple_of3A_397, %dma_start3A_980] : memref<10000x128xf32, #tpu.memory_space<hbm>> -> memref<16x128xf32, #tpu.memory_space<hbm>>
      %dma_start3A_982 = arith.constant 0 : i32
      %dma_start3A_983 = tpu.memref_slice %arg5[%multiple_of3A_397, %dma_start3A_982] : memref<10000x128xf32, #tpu.memory_space<hbm>> -> memref<16x128xf32, #tpu.memory_space<hbm>>
      %dma_start3A_984 = arith.constant 0 : i32
      %dma_start3A_985 = arith.constant 0 : i32
      %dma_start3A_986 = tpu.memref_slice %arg13[%dma_start3A_975, %dma_start3A_984, %dma_start3A_985] : memref<20x16x128xf32, #tpu.memory_space<vmem>> -> memref<1x16x128xf32, #tpu.memory_space<vmem>>
      %dma_start3A_987 = tpu.memref_squeeze %dma_start3A_986 : memref<1x16x128xf32, #tpu.memory_space<vmem>> -> memref<16x128xf32, #tpu.memory_space<vmem>>
      tpu.enqueue_dma source(%dma_start3A_987 : memref<16x128xf32, #tpu.memory_space<vmem>>) target(%dma_start3A_983 : memref<16x128xf32, #tpu.memory_space<hbm>>) target_semaphore(%arg18 : memref<!tpu.dma_semaphore, #tpu.memory_space<semaphore_mem>>)
    } else {
    }
    %dma_wait3A_403 = arith.constant 4 : i32
    %dma_wait3A_404 = arith.constant 0 : i32
    %dma_wait3A_405 = arith.constant 0 : i32
    %dma_wait3A_406 = tpu.memref_slice %arg13[%dma_wait3A_403, %dma_wait3A_404, %dma_wait3A_405] : memref<20x16x128xf32, #tpu.memory_space<vmem>> -> memref<1x16x128xf32, #tpu.memory_space<vmem>>
    %dma_wait3A_407 = tpu.memref_squeeze %dma_wait3A_406 : memref<1x16x128xf32, #tpu.memory_space<vmem>> -> memref<16x128xf32, #tpu.memory_space<vmem>>
    %dma_wait3A_408 = tpu.memref_slice %arg7[%multiple_of3A_77] : memref<10000xi32, #tpu.memory_space<vmem>> -> memref<16xi32, #tpu.memory_space<vmem>>
    %dma_wait3A_409 = arith.constant 0 : i32
    %dma_wait3A_410 = arith.constant 0 : i32
    %dma_wait3A_411 = tpu.memref_slice %arg2[%dma_wait3A_409, %dma_wait3A_410] : memref<10000x128xf32, #tpu.memory_space<hbm>> -> memref<10000x128xf32, #tpu.memory_space<hbm>>
    tpu.wait_indirect_dma semaphore(%arg16 : memref<!tpu.dma_semaphore, #tpu.memory_space<semaphore_mem>>) src(%dma_wait3A_411 : memref<10000x128xf32, #tpu.memory_space<hbm>>) dst(%dma_wait3A_407 : memref<16x128xf32, #tpu.memory_space<vmem>>)
    %mul3A_412 = arith.constant 320 : i32
    %mul3A_413 = arith.muli %add3A, %mul3A_412 : i32
    %add3A_414 = arith.constant 64 : i32
    %add3A_415 = arith.addi %mul3A_413, %add3A_414 : i32
    %multiple_of3A_416 = tpu.assume_multiple %add3A_415, 8 : i32
    %lt3A_417 = arith.constant 10000 : i32
    %lt3A_418 = arith.cmpi slt, %multiple_of3A_416, %lt3A_417 : i32
    %convert_element_type3A_419 = arith.extui %lt3A_418 : i1 to i32
    %cond3A_420 = arith.constant 0 : i32
    %cond3A_421 = arith.cmpi ne, %convert_element_type3A_419, %cond3A_420 : i32
    scf.if %cond3A_421 {
      %dma_start3A_975 = arith.constant 4 : i32
      %dma_start3A_976 = arith.constant 0 : i32
      %dma_start3A_977 = arith.constant 0 : i32
      %dma_start3A_978 = tpu.memref_slice %arg13[%dma_start3A_975, %dma_start3A_976, %dma_start3A_977] : memref<20x16x128xf32, #tpu.memory_space<vmem>> -> memref<1x16x128xf32, #tpu.memory_space<vmem>>
      %dma_start3A_979 = tpu.memref_squeeze %dma_start3A_978 : memref<1x16x128xf32, #tpu.memory_space<vmem>> -> memref<16x128xf32, #tpu.memory_space<vmem>>
      %dma_start3A_980 = arith.constant 0 : i32
      %dma_start3A_981 = tpu.memref_slice %arg5[%multiple_of3A_416, %dma_start3A_980] : memref<10000x128xf32, #tpu.memory_space<hbm>> -> memref<16x128xf32, #tpu.memory_space<hbm>>
      %dma_start3A_982 = arith.constant 0 : i32
      %dma_start3A_983 = tpu.memref_slice %arg5[%multiple_of3A_416, %dma_start3A_982] : memref<10000x128xf32, #tpu.memory_space<hbm>> -> memref<16x128xf32, #tpu.memory_space<hbm>>
      %dma_start3A_984 = arith.constant 0 : i32
      %dma_start3A_985 = arith.constant 0 : i32
      %dma_start3A_986 = tpu.memref_slice %arg13[%dma_start3A_975, %dma_start3A_984, %dma_start3A_985] : memref<20x16x128xf32, #tpu.memory_space<vmem>> -> memref<1x16x128xf32, #tpu.memory_space<vmem>>
      %dma_start3A_987 = tpu.memref_squeeze %dma_start3A_986 : memref<1x16x128xf32, #tpu.memory_space<vmem>> -> memref<16x128xf32, #tpu.memory_space<vmem>>
      tpu.enqueue_dma source(%dma_start3A_987 : memref<16x128xf32, #tpu.memory_space<vmem>>) target(%dma_start3A_983 : memref<16x128xf32, #tpu.memory_space<hbm>>) target_semaphore(%arg18 : memref<!tpu.dma_semaphore, #tpu.memory_space<semaphore_mem>>)
    } else {
    }
    %dma_wait3A_422 = arith.constant 5 : i32
    %dma_wait3A_423 = arith.constant 0 : i32
    %dma_wait3A_424 = arith.constant 0 : i32
    %dma_wait3A_425 = tpu.memref_slice %arg13[%dma_wait3A_422, %dma_wait3A_423, %dma_wait3A_424] : memref<20x16x128xf32, #tpu.memory_space<vmem>> -> memref<1x16x128xf32, #tpu.memory_space<vmem>>
    %dma_wait3A_426 = tpu.memref_squeeze %dma_wait3A_425 : memref<1x16x128xf32, #tpu.memory_space<vmem>> -> memref<16x128xf32, #tpu.memory_space<vmem>>
    %dma_wait3A_427 = tpu.memref_slice %arg7[%multiple_of3A_93] : memref<10000xi32, #tpu.memory_space<vmem>> -> memref<16xi32, #tpu.memory_space<vmem>>
    %dma_wait3A_428 = arith.constant 0 : i32
    %dma_wait3A_429 = arith.constant 0 : i32
    %dma_wait3A_430 = tpu.memref_slice %arg2[%dma_wait3A_428, %dma_wait3A_429] : memref<10000x128xf32, #tpu.memory_space<hbm>> -> memref<10000x128xf32, #tpu.memory_space<hbm>>
    tpu.wait_indirect_dma semaphore(%arg16 : memref<!tpu.dma_semaphore, #tpu.memory_space<semaphore_mem>>) src(%dma_wait3A_430 : memref<10000x128xf32, #tpu.memory_space<hbm>>) dst(%dma_wait3A_426 : memref<16x128xf32, #tpu.memory_space<vmem>>)
    %mul3A_431 = arith.constant 320 : i32
    %mul3A_432 = arith.muli %add3A, %mul3A_431 : i32
    %add3A_433 = arith.constant 80 : i32
    %add3A_434 = arith.addi %mul3A_432, %add3A_433 : i32
    %multiple_of3A_435 = tpu.assume_multiple %add3A_434, 8 : i32
    %lt3A_436 = arith.constant 10000 : i32
    %lt3A_437 = arith.cmpi slt, %multiple_of3A_435, %lt3A_436 : i32
    %convert_element_type3A_438 = arith.extui %lt3A_437 : i1 to i32
    %cond3A_439 = arith.constant 0 : i32
    %cond3A_440 = arith.cmpi ne, %convert_element_type3A_438, %cond3A_439 : i32
    scf.if %cond3A_440 {
      %dma_start3A_975 = arith.constant 5 : i32
      %dma_start3A_976 = arith.constant 0 : i32
      %dma_start3A_977 = arith.constant 0 : i32
      %dma_start3A_978 = tpu.memref_slice %arg13[%dma_start3A_975, %dma_start3A_976, %dma_start3A_977] : memref<20x16x128xf32, #tpu.memory_space<vmem>> -> memref<1x16x128xf32, #tpu.memory_space<vmem>>
      %dma_start3A_979 = tpu.memref_squeeze %dma_start3A_978 : memref<1x16x128xf32, #tpu.memory_space<vmem>> -> memref<16x128xf32, #tpu.memory_space<vmem>>
      %dma_start3A_980 = arith.constant 0 : i32
      %dma_start3A_981 = tpu.memref_slice %arg5[%multiple_of3A_435, %dma_start3A_980] : memref<10000x128xf32, #tpu.memory_space<hbm>> -> memref<16x128xf32, #tpu.memory_space<hbm>>
      %dma_start3A_982 = arith.constant 0 : i32
      %dma_start3A_983 = tpu.memref_slice %arg5[%multiple_of3A_435, %dma_start3A_982] : memref<10000x128xf32, #tpu.memory_space<hbm>> -> memref<16x128xf32, #tpu.memory_space<hbm>>
      %dma_start3A_984 = arith.constant 0 : i32
      %dma_start3A_985 = arith.constant 0 : i32
      %dma_start3A_986 = tpu.memref_slice %arg13[%dma_start3A_975, %dma_start3A_984, %dma_start3A_985] : memref<20x16x128xf32, #tpu.memory_space<vmem>> -> memref<1x16x128xf32, #tpu.memory_space<vmem>>
      %dma_start3A_987 = tpu.memref_squeeze %dma_start3A_986 : memref<1x16x128xf32, #tpu.memory_space<vmem>> -> memref<16x128xf32, #tpu.memory_space<vmem>>
      tpu.enqueue_dma source(%dma_start3A_987 : memref<16x128xf32, #tpu.memory_space<vmem>>) target(%dma_start3A_983 : memref<16x128xf32, #tpu.memory_space<hbm>>) target_semaphore(%arg18 : memref<!tpu.dma_semaphore, #tpu.memory_space<semaphore_mem>>)
    } else {
    }
    %dma_wait3A_441 = arith.constant 6 : i32
    %dma_wait3A_442 = arith.constant 0 : i32
    %dma_wait3A_443 = arith.constant 0 : i32
    %dma_wait3A_444 = tpu.memref_slice %arg13[%dma_wait3A_441, %dma_wait3A_442, %dma_wait3A_443] : memref<20x16x128xf32, #tpu.memory_space<vmem>> -> memref<1x16x128xf32, #tpu.memory_space<vmem>>
    %dma_wait3A_445 = tpu.memref_squeeze %dma_wait3A_444 : memref<1x16x128xf32, #tpu.memory_space<vmem>> -> memref<16x128xf32, #tpu.memory_space<vmem>>
    %dma_wait3A_446 = tpu.memref_slice %arg7[%multiple_of3A_109] : memref<10000xi32, #tpu.memory_space<vmem>> -> memref<16xi32, #tpu.memory_space<vmem>>
    %dma_wait3A_447 = arith.constant 0 : i32
    %dma_wait3A_448 = arith.constant 0 : i32
    %dma_wait3A_449 = tpu.memref_slice %arg2[%dma_wait3A_447, %dma_wait3A_448] : memref<10000x128xf32, #tpu.memory_space<hbm>> -> memref<10000x128xf32, #tpu.memory_space<hbm>>
    tpu.wait_indirect_dma semaphore(%arg16 : memref<!tpu.dma_semaphore, #tpu.memory_space<semaphore_mem>>) src(%dma_wait3A_449 : memref<10000x128xf32, #tpu.memory_space<hbm>>) dst(%dma_wait3A_445 : memref<16x128xf32, #tpu.memory_space<vmem>>)
    %mul3A_450 = arith.constant 320 : i32
    %mul3A_451 = arith.muli %add3A, %mul3A_450 : i32
    %add3A_452 = arith.constant 96 : i32
    %add3A_453 = arith.addi %mul3A_451, %add3A_452 : i32
    %multiple_of3A_454 = tpu.assume_multiple %add3A_453, 8 : i32
    %lt3A_455 = arith.constant 10000 : i32
    %lt3A_456 = arith.cmpi slt, %multiple_of3A_454, %lt3A_455 : i32
    %convert_element_type3A_457 = arith.extui %lt3A_456 : i1 to i32
    %cond3A_458 = arith.constant 0 : i32
    %cond3A_459 = arith.cmpi ne, %convert_element_type3A_457, %cond3A_458 : i32
    scf.if %cond3A_459 {
      %dma_start3A_975 = arith.constant 6 : i32
      %dma_start3A_976 = arith.constant 0 : i32
      %dma_start3A_977 = arith.constant 0 : i32
      %dma_start3A_978 = tpu.memref_slice %arg13[%dma_start3A_975, %dma_start3A_976, %dma_start3A_977] : memref<20x16x128xf32, #tpu.memory_space<vmem>> -> memref<1x16x128xf32, #tpu.memory_space<vmem>>
      %dma_start3A_979 = tpu.memref_squeeze %dma_start3A_978 : memref<1x16x128xf32, #tpu.memory_space<vmem>> -> memref<16x128xf32, #tpu.memory_space<vmem>>
      %dma_start3A_980 = arith.constant 0 : i32
      %dma_start3A_981 = tpu.memref_slice %arg5[%multiple_of3A_454, %dma_start3A_980] : memref<10000x128xf32, #tpu.memory_space<hbm>> -> memref<16x128xf32, #tpu.memory_space<hbm>>
      %dma_start3A_982 = arith.constant 0 : i32
      %dma_start3A_983 = tpu.memref_slice %arg5[%multiple_of3A_454, %dma_start3A_982] : memref<10000x128xf32, #tpu.memory_space<hbm>> -> memref<16x128xf32, #tpu.memory_space<hbm>>
      %dma_start3A_984 = arith.constant 0 : i32
      %dma_start3A_985 = arith.constant 0 : i32
      %dma_start3A_986 = tpu.memref_slice %arg13[%dma_start3A_975, %dma_start3A_984, %dma_start3A_985] : memref<20x16x128xf32, #tpu.memory_space<vmem>> -> memref<1x16x128xf32, #tpu.memory_space<vmem>>
      %dma_start3A_987 = tpu.memref_squeeze %dma_start3A_986 : memref<1x16x128xf32, #tpu.memory_space<vmem>> -> memref<16x128xf32, #tpu.memory_space<vmem>>
      tpu.enqueue_dma source(%dma_start3A_987 : memref<16x128xf32, #tpu.memory_space<vmem>>) target(%dma_start3A_983 : memref<16x128xf32, #tpu.memory_space<hbm>>) target_semaphore(%arg18 : memref<!tpu.dma_semaphore, #tpu.memory_space<semaphore_mem>>)
    } else {
    }
    %dma_wait3A_460 = arith.constant 7 : i32
    %dma_wait3A_461 = arith.constant 0 : i32
    %dma_wait3A_462 = arith.constant 0 : i32
    %dma_wait3A_463 = tpu.memref_slice %arg13[%dma_wait3A_460, %dma_wait3A_461, %dma_wait3A_462] : memref<20x16x128xf32, #tpu.memory_space<vmem>> -> memref<1x16x128xf32, #tpu.memory_space<vmem>>
    %dma_wait3A_464 = tpu.memref_squeeze %dma_wait3A_463 : memref<1x16x128xf32, #tpu.memory_space<vmem>> -> memref<16x128xf32, #tpu.memory_space<vmem>>
    %dma_wait3A_465 = tpu.memref_slice %arg7[%multiple_of3A_125] : memref<10000xi32, #tpu.memory_space<vmem>> -> memref<16xi32, #tpu.memory_space<vmem>>
    %dma_wait3A_466 = arith.constant 0 : i32
    %dma_wait3A_467 = arith.constant 0 : i32
    %dma_wait3A_468 = tpu.memref_slice %arg2[%dma_wait3A_466, %dma_wait3A_467] : memref<10000x128xf32, #tpu.memory_space<hbm>> -> memref<10000x128xf32, #tpu.memory_space<hbm>>
    tpu.wait_indirect_dma semaphore(%arg16 : memref<!tpu.dma_semaphore, #tpu.memory_space<semaphore_mem>>) src(%dma_wait3A_468 : memref<10000x128xf32, #tpu.memory_space<hbm>>) dst(%dma_wait3A_464 : memref<16x128xf32, #tpu.memory_space<vmem>>)
    %mul3A_469 = arith.constant 320 : i32
    %mul3A_470 = arith.muli %add3A, %mul3A_469 : i32
    %add3A_471 = arith.constant 112 : i32
    %add3A_472 = arith.addi %mul3A_470, %add3A_471 : i32
    %multiple_of3A_473 = tpu.assume_multiple %add3A_472, 8 : i32
    %lt3A_474 = arith.constant 10000 : i32
    %lt3A_475 = arith.cmpi slt, %multiple_of3A_473, %lt3A_474 : i32
    %convert_element_type3A_476 = arith.extui %lt3A_475 : i1 to i32
    %cond3A_477 = arith.constant 0 : i32
    %cond3A_478 = arith.cmpi ne, %convert_element_type3A_476, %cond3A_477 : i32
    scf.if %cond3A_478 {
      %dma_start3A_975 = arith.constant 7 : i32
      %dma_start3A_976 = arith.constant 0 : i32
      %dma_start3A_977 = arith.constant 0 : i32
      %dma_start3A_978 = tpu.memref_slice %arg13[%dma_start3A_975, %dma_start3A_976, %dma_start3A_977] : memref<20x16x128xf32, #tpu.memory_space<vmem>> -> memref<1x16x128xf32, #tpu.memory_space<vmem>>
      %dma_start3A_979 = tpu.memref_squeeze %dma_start3A_978 : memref<1x16x128xf32, #tpu.memory_space<vmem>> -> memref<16x128xf32, #tpu.memory_space<vmem>>
      %dma_start3A_980 = arith.constant 0 : i32
      %dma_start3A_981 = tpu.memref_slice %arg5[%multiple_of3A_473, %dma_start3A_980] : memref<10000x128xf32, #tpu.memory_space<hbm>> -> memref<16x128xf32, #tpu.memory_space<hbm>>
      %dma_start3A_982 = arith.constant 0 : i32
      %dma_start3A_983 = tpu.memref_slice %arg5[%multiple_of3A_473, %dma_start3A_982] : memref<10000x128xf32, #tpu.memory_space<hbm>> -> memref<16x128xf32, #tpu.memory_space<hbm>>
      %dma_start3A_984 = arith.constant 0 : i32
      %dma_start3A_985 = arith.constant 0 : i32
      %dma_start3A_986 = tpu.memref_slice %arg13[%dma_start3A_975, %dma_start3A_984, %dma_start3A_985] : memref<20x16x128xf32, #tpu.memory_space<vmem>> -> memref<1x16x128xf32, #tpu.memory_space<vmem>>
      %dma_start3A_987 = tpu.memref_squeeze %dma_start3A_986 : memref<1x16x128xf32, #tpu.memory_space<vmem>> -> memref<16x128xf32, #tpu.memory_space<vmem>>
      tpu.enqueue_dma source(%dma_start3A_987 : memref<16x128xf32, #tpu.memory_space<vmem>>) target(%dma_start3A_983 : memref<16x128xf32, #tpu.memory_space<hbm>>) target_semaphore(%arg18 : memref<!tpu.dma_semaphore, #tpu.memory_space<semaphore_mem>>)
    } else {
    }
    %dma_wait3A_479 = arith.constant 8 : i32
    %dma_wait3A_480 = arith.constant 0 : i32
    %dma_wait3A_481 = arith.constant 0 : i32
    %dma_wait3A_482 = tpu.memref_slice %arg13[%dma_wait3A_479, %dma_wait3A_480, %dma_wait3A_481] : memref<20x16x128xf32, #tpu.memory_space<vmem>> -> memref<1x16x128xf32, #tpu.memory_space<vmem>>
    %dma_wait3A_483 = tpu.memref_squeeze %dma_wait3A_482 : memref<1x16x128xf32, #tpu.memory_space<vmem>> -> memref<16x128xf32, #tpu.memory_space<vmem>>
    %dma_wait3A_484 = tpu.memref_slice %arg7[%multiple_of3A_141] : memref<10000xi32, #tpu.memory_space<vmem>> -> memref<16xi32, #tpu.memory_space<vmem>>
    %dma_wait3A_485 = arith.constant 0 : i32
    %dma_wait3A_486 = arith.constant 0 : i32
    %dma_wait3A_487 = tpu.memref_slice %arg2[%dma_wait3A_485, %dma_wait3A_486] : memref<10000x128xf32, #tpu.memory_space<hbm>> -> memref<10000x128xf32, #tpu.memory_space<hbm>>
    tpu.wait_indirect_dma semaphore(%arg16 : memref<!tpu.dma_semaphore, #tpu.memory_space<semaphore_mem>>) src(%dma_wait3A_487 : memref<10000x128xf32, #tpu.memory_space<hbm>>) dst(%dma_wait3A_483 : memref<16x128xf32, #tpu.memory_space<vmem>>)
    %mul3A_488 = arith.constant 320 : i32
    %mul3A_489 = arith.muli %add3A, %mul3A_488 : i32
    %add3A_490 = arith.constant 128 : i32
    %add3A_491 = arith.addi %mul3A_489, %add3A_490 : i32
    %multiple_of3A_492 = tpu.assume_multiple %add3A_491, 8 : i32
    %lt3A_493 = arith.constant 10000 : i32
    %lt3A_494 = arith.cmpi slt, %multiple_of3A_492, %lt3A_493 : i32
    %convert_element_type3A_495 = arith.extui %lt3A_494 : i1 to i32
    %cond3A_496 = arith.constant 0 : i32
    %cond3A_497 = arith.cmpi ne, %convert_element_type3A_495, %cond3A_496 : i32
    scf.if %cond3A_497 {
      %dma_start3A_975 = arith.constant 8 : i32
      %dma_start3A_976 = arith.constant 0 : i32
      %dma_start3A_977 = arith.constant 0 : i32
      %dma_start3A_978 = tpu.memref_slice %arg13[%dma_start3A_975, %dma_start3A_976, %dma_start3A_977] : memref<20x16x128xf32, #tpu.memory_space<vmem>> -> memref<1x16x128xf32, #tpu.memory_space<vmem>>
      %dma_start3A_979 = tpu.memref_squeeze %dma_start3A_978 : memref<1x16x128xf32, #tpu.memory_space<vmem>> -> memref<16x128xf32, #tpu.memory_space<vmem>>
      %dma_start3A_980 = arith.constant 0 : i32
      %dma_start3A_981 = tpu.memref_slice %arg5[%multiple_of3A_492, %dma_start3A_980] : memref<10000x128xf32, #tpu.memory_space<hbm>> -> memref<16x128xf32, #tpu.memory_space<hbm>>
      %dma_start3A_982 = arith.constant 0 : i32
      %dma_start3A_983 = tpu.memref_slice %arg5[%multiple_of3A_492, %dma_start3A_982] : memref<10000x128xf32, #tpu.memory_space<hbm>> -> memref<16x128xf32, #tpu.memory_space<hbm>>
      %dma_start3A_984 = arith.constant 0 : i32
      %dma_start3A_985 = arith.constant 0 : i32
      %dma_start3A_986 = tpu.memref_slice %arg13[%dma_start3A_975, %dma_start3A_984, %dma_start3A_985] : memref<20x16x128xf32, #tpu.memory_space<vmem>> -> memref<1x16x128xf32, #tpu.memory_space<vmem>>
      %dma_start3A_987 = tpu.memref_squeeze %dma_start3A_986 : memref<1x16x128xf32, #tpu.memory_space<vmem>> -> memref<16x128xf32, #tpu.memory_space<vmem>>
      tpu.enqueue_dma source(%dma_start3A_987 : memref<16x128xf32, #tpu.memory_space<vmem>>) target(%dma_start3A_983 : memref<16x128xf32, #tpu.memory_space<hbm>>) target_semaphore(%arg18 : memref<!tpu.dma_semaphore, #tpu.memory_space<semaphore_mem>>)
    } else {
    }
    %dma_wait3A_498 = arith.constant 9 : i32
    %dma_wait3A_499 = arith.constant 0 : i32
    %dma_wait3A_500 = arith.constant 0 : i32
    %dma_wait3A_501 = tpu.memref_slice %arg13[%dma_wait3A_498, %dma_wait3A_499, %dma_wait3A_500] : memref<20x16x128xf32, #tpu.memory_space<vmem>> -> memref<1x16x128xf32, #tpu.memory_space<vmem>>
    %dma_wait3A_502 = tpu.memref_squeeze %dma_wait3A_501 : memref<1x16x128xf32, #tpu.memory_space<vmem>> -> memref<16x128xf32, #tpu.memory_space<vmem>>
    %dma_wait3A_503 = tpu.memref_slice %arg7[%multiple_of3A_157] : memref<10000xi32, #tpu.memory_space<vmem>> -> memref<16xi32, #tpu.memory_space<vmem>>
    %dma_wait3A_504 = arith.constant 0 : i32
    %dma_wait3A_505 = arith.constant 0 : i32
    %dma_wait3A_506 = tpu.memref_slice %arg2[%dma_wait3A_504, %dma_wait3A_505] : memref<10000x128xf32, #tpu.memory_space<hbm>> -> memref<10000x128xf32, #tpu.memory_space<hbm>>
    tpu.wait_indirect_dma semaphore(%arg16 : memref<!tpu.dma_semaphore, #tpu.memory_space<semaphore_mem>>) src(%dma_wait3A_506 : memref<10000x128xf32, #tpu.memory_space<hbm>>) dst(%dma_wait3A_502 : memref<16x128xf32, #tpu.memory_space<vmem>>)
    %mul3A_507 = arith.constant 320 : i32
    %mul3A_508 = arith.muli %add3A, %mul3A_507 : i32
    %add3A_509 = arith.constant 144 : i32
    %add3A_510 = arith.addi %mul3A_508, %add3A_509 : i32
    %multiple_of3A_511 = tpu.assume_multiple %add3A_510, 8 : i32
    %lt3A_512 = arith.constant 10000 : i32
    %lt3A_513 = arith.cmpi slt, %multiple_of3A_511, %lt3A_512 : i32
    %convert_element_type3A_514 = arith.extui %lt3A_513 : i1 to i32
    %cond3A_515 = arith.constant 0 : i32
    %cond3A_516 = arith.cmpi ne, %convert_element_type3A_514, %cond3A_515 : i32
    scf.if %cond3A_516 {
      %dma_start3A_975 = arith.constant 9 : i32
      %dma_start3A_976 = arith.constant 0 : i32
      %dma_start3A_977 = arith.constant 0 : i32
      %dma_start3A_978 = tpu.memref_slice %arg13[%dma_start3A_975, %dma_start3A_976, %dma_start3A_977] : memref<20x16x128xf32, #tpu.memory_space<vmem>> -> memref<1x16x128xf32, #tpu.memory_space<vmem>>
      %dma_start3A_979 = tpu.memref_squeeze %dma_start3A_978 : memref<1x16x128xf32, #tpu.memory_space<vmem>> -> memref<16x128xf32, #tpu.memory_space<vmem>>
      %dma_start3A_980 = arith.constant 0 : i32
      %dma_start3A_981 = tpu.memref_slice %arg5[%multiple_of3A_511, %dma_start3A_980] : memref<10000x128xf32, #tpu.memory_space<hbm>> -> memref<16x128xf32, #tpu.memory_space<hbm>>
      %dma_start3A_982 = arith.constant 0 : i32
      %dma_start3A_983 = tpu.memref_slice %arg5[%multiple_of3A_511, %dma_start3A_982] : memref<10000x128xf32, #tpu.memory_space<hbm>> -> memref<16x128xf32, #tpu.memory_space<hbm>>
      %dma_start3A_984 = arith.constant 0 : i32
      %dma_start3A_985 = arith.constant 0 : i32
      %dma_start3A_986 = tpu.memref_slice %arg13[%dma_start3A_975, %dma_start3A_984, %dma_start3A_985] : memref<20x16x128xf32, #tpu.memory_space<vmem>> -> memref<1x16x128xf32, #tpu.memory_space<vmem>>
      %dma_start3A_987 = tpu.memref_squeeze %dma_start3A_986 : memref<1x16x128xf32, #tpu.memory_space<vmem>> -> memref<16x128xf32, #tpu.memory_space<vmem>>
      tpu.enqueue_dma source(%dma_start3A_987 : memref<16x128xf32, #tpu.memory_space<vmem>>) target(%dma_start3A_983 : memref<16x128xf32, #tpu.memory_space<hbm>>) target_semaphore(%arg18 : memref<!tpu.dma_semaphore, #tpu.memory_space<semaphore_mem>>)
    } else {
    }
    %dma_wait3A_517 = arith.constant 10 : i32
    %dma_wait3A_518 = arith.constant 0 : i32
    %dma_wait3A_519 = arith.constant 0 : i32
    %dma_wait3A_520 = tpu.memref_slice %arg13[%dma_wait3A_517, %dma_wait3A_518, %dma_wait3A_519] : memref<20x16x128xf32, #tpu.memory_space<vmem>> -> memref<1x16x128xf32, #tpu.memory_space<vmem>>
    %dma_wait3A_521 = tpu.memref_squeeze %dma_wait3A_520 : memref<1x16x128xf32, #tpu.memory_space<vmem>> -> memref<16x128xf32, #tpu.memory_space<vmem>>
    %dma_wait3A_522 = tpu.memref_slice %arg7[%multiple_of3A_173] : memref<10000xi32, #tpu.memory_space<vmem>> -> memref<16xi32, #tpu.memory_space<vmem>>
    %dma_wait3A_523 = arith.constant 0 : i32
    %dma_wait3A_524 = arith.constant 0 : i32
    %dma_wait3A_525 = tpu.memref_slice %arg2[%dma_wait3A_523, %dma_wait3A_524] : memref<10000x128xf32, #tpu.memory_space<hbm>> -> memref<10000x128xf32, #tpu.memory_space<hbm>>
    tpu.wait_indirect_dma semaphore(%arg16 : memref<!tpu.dma_semaphore, #tpu.memory_space<semaphore_mem>>) src(%dma_wait3A_525 : memref<10000x128xf32, #tpu.memory_space<hbm>>) dst(%dma_wait3A_521 : memref<16x128xf32, #tpu.memory_space<vmem>>)
    %mul3A_526 = arith.constant 320 : i32
    %mul3A_527 = arith.muli %add3A, %mul3A_526 : i32
    %add3A_528 = arith.constant 160 : i32
    %add3A_529 = arith.addi %mul3A_527, %add3A_528 : i32
    %multiple_of3A_530 = tpu.assume_multiple %add3A_529, 8 : i32
    %lt3A_531 = arith.constant 10000 : i32
    %lt3A_532 = arith.cmpi slt, %multiple_of3A_530, %lt3A_531 : i32
    %convert_element_type3A_533 = arith.extui %lt3A_532 : i1 to i32
    %cond3A_534 = arith.constant 0 : i32
    %cond3A_535 = arith.cmpi ne, %convert_element_type3A_533, %cond3A_534 : i32
    scf.if %cond3A_535 {
      %dma_start3A_975 = arith.constant 10 : i32
      %dma_start3A_976 = arith.constant 0 : i32
      %dma_start3A_977 = arith.constant 0 : i32
      %dma_start3A_978 = tpu.memref_slice %arg13[%dma_start3A_975, %dma_start3A_976, %dma_start3A_977] : memref<20x16x128xf32, #tpu.memory_space<vmem>> -> memref<1x16x128xf32, #tpu.memory_space<vmem>>
      %dma_start3A_979 = tpu.memref_squeeze %dma_start3A_978 : memref<1x16x128xf32, #tpu.memory_space<vmem>> -> memref<16x128xf32, #tpu.memory_space<vmem>>
      %dma_start3A_980 = arith.constant 0 : i32
      %dma_start3A_981 = tpu.memref_slice %arg5[%multiple_of3A_530, %dma_start3A_980] : memref<10000x128xf32, #tpu.memory_space<hbm>> -> memref<16x128xf32, #tpu.memory_space<hbm>>
      %dma_start3A_982 = arith.constant 0 : i32
      %dma_start3A_983 = tpu.memref_slice %arg5[%multiple_of3A_530, %dma_start3A_982] : memref<10000x128xf32, #tpu.memory_space<hbm>> -> memref<16x128xf32, #tpu.memory_space<hbm>>
      %dma_start3A_984 = arith.constant 0 : i32
      %dma_start3A_985 = arith.constant 0 : i32
      %dma_start3A_986 = tpu.memref_slice %arg13[%dma_start3A_975, %dma_start3A_984, %dma_start3A_985] : memref<20x16x128xf32, #tpu.memory_space<vmem>> -> memref<1x16x128xf32, #tpu.memory_space<vmem>>
      %dma_start3A_987 = tpu.memref_squeeze %dma_start3A_986 : memref<1x16x128xf32, #tpu.memory_space<vmem>> -> memref<16x128xf32, #tpu.memory_space<vmem>>
      tpu.enqueue_dma source(%dma_start3A_987 : memref<16x128xf32, #tpu.memory_space<vmem>>) target(%dma_start3A_983 : memref<16x128xf32, #tpu.memory_space<hbm>>) target_semaphore(%arg18 : memref<!tpu.dma_semaphore, #tpu.memory_space<semaphore_mem>>)
    } else {
    }
    %dma_wait3A_536 = arith.constant 11 : i32
    %dma_wait3A_537 = arith.constant 0 : i32
    %dma_wait3A_538 = arith.constant 0 : i32
    %dma_wait3A_539 = tpu.memref_slice %arg13[%dma_wait3A_536, %dma_wait3A_537, %dma_wait3A_538] : memref<20x16x128xf32, #tpu.memory_space<vmem>> -> memref<1x16x128xf32, #tpu.memory_space<vmem>>
    %dma_wait3A_540 = tpu.memref_squeeze %dma_wait3A_539 : memref<1x16x128xf32, #tpu.memory_space<vmem>> -> memref<16x128xf32, #tpu.memory_space<vmem>>
    %dma_wait3A_541 = tpu.memref_slice %arg7[%multiple_of3A_189] : memref<10000xi32, #tpu.memory_space<vmem>> -> memref<16xi32, #tpu.memory_space<vmem>>
    %dma_wait3A_542 = arith.constant 0 : i32
    %dma_wait3A_543 = arith.constant 0 : i32
    %dma_wait3A_544 = tpu.memref_slice %arg2[%dma_wait3A_542, %dma_wait3A_543] : memref<10000x128xf32, #tpu.memory_space<hbm>> -> memref<10000x128xf32, #tpu.memory_space<hbm>>
    tpu.wait_indirect_dma semaphore(%arg16 : memref<!tpu.dma_semaphore, #tpu.memory_space<semaphore_mem>>) src(%dma_wait3A_544 : memref<10000x128xf32, #tpu.memory_space<hbm>>) dst(%dma_wait3A_540 : memref<16x128xf32, #tpu.memory_space<vmem>>)
    %mul3A_545 = arith.constant 320 : i32
    %mul3A_546 = arith.muli %add3A, %mul3A_545 : i32
    %add3A_547 = arith.constant 176 : i32
    %add3A_548 = arith.addi %mul3A_546, %add3A_547 : i32
    %multiple_of3A_549 = tpu.assume_multiple %add3A_548, 8 : i32
    %lt3A_550 = arith.constant 10000 : i32
    %lt3A_551 = arith.cmpi slt, %multiple_of3A_549, %lt3A_550 : i32
    %convert_element_type3A_552 = arith.extui %lt3A_551 : i1 to i32
    %cond3A_553 = arith.constant 0 : i32
    %cond3A_554 = arith.cmpi ne, %convert_element_type3A_552, %cond3A_553 : i32
    scf.if %cond3A_554 {
      %dma_start3A_975 = arith.constant 11 : i32
      %dma_start3A_976 = arith.constant 0 : i32
      %dma_start3A_977 = arith.constant 0 : i32
      %dma_start3A_978 = tpu.memref_slice %arg13[%dma_start3A_975, %dma_start3A_976, %dma_start3A_977] : memref<20x16x128xf32, #tpu.memory_space<vmem>> -> memref<1x16x128xf32, #tpu.memory_space<vmem>>
      %dma_start3A_979 = tpu.memref_squeeze %dma_start3A_978 : memref<1x16x128xf32, #tpu.memory_space<vmem>> -> memref<16x128xf32, #tpu.memory_space<vmem>>
      %dma_start3A_980 = arith.constant 0 : i32
      %dma_start3A_981 = tpu.memref_slice %arg5[%multiple_of3A_549, %dma_start3A_980] : memref<10000x128xf32, #tpu.memory_space<hbm>> -> memref<16x128xf32, #tpu.memory_space<hbm>>
      %dma_start3A_982 = arith.constant 0 : i32
      %dma_start3A_983 = tpu.memref_slice %arg5[%multiple_of3A_549, %dma_start3A_982] : memref<10000x128xf32, #tpu.memory_space<hbm>> -> memref<16x128xf32, #tpu.memory_space<hbm>>
      %dma_start3A_984 = arith.constant 0 : i32
      %dma_start3A_985 = arith.constant 0 : i32
      %dma_start3A_986 = tpu.memref_slice %arg13[%dma_start3A_975, %dma_start3A_984, %dma_start3A_985] : memref<20x16x128xf32, #tpu.memory_space<vmem>> -> memref<1x16x128xf32, #tpu.memory_space<vmem>>
      %dma_start3A_987 = tpu.memref_squeeze %dma_start3A_986 : memref<1x16x128xf32, #tpu.memory_space<vmem>> -> memref<16x128xf32, #tpu.memory_space<vmem>>
      tpu.enqueue_dma source(%dma_start3A_987 : memref<16x128xf32, #tpu.memory_space<vmem>>) target(%dma_start3A_983 : memref<16x128xf32, #tpu.memory_space<hbm>>) target_semaphore(%arg18 : memref<!tpu.dma_semaphore, #tpu.memory_space<semaphore_mem>>)
    } else {
    }
    %dma_wait3A_555 = arith.constant 12 : i32
    %dma_wait3A_556 = arith.constant 0 : i32
    %dma_wait3A_557 = arith.constant 0 : i32
    %dma_wait3A_558 = tpu.memref_slice %arg13[%dma_wait3A_555, %dma_wait3A_556, %dma_wait3A_557] : memref<20x16x128xf32, #tpu.memory_space<vmem>> -> memref<1x16x128xf32, #tpu.memory_space<vmem>>
    %dma_wait3A_559 = tpu.memref_squeeze %dma_wait3A_558 : memref<1x16x128xf32, #tpu.memory_space<vmem>> -> memref<16x128xf32, #tpu.memory_space<vmem>>
    %dma_wait3A_560 = tpu.memref_slice %arg7[%multiple_of3A_205] : memref<10000xi32, #tpu.memory_space<vmem>> -> memref<16xi32, #tpu.memory_space<vmem>>
    %dma_wait3A_561 = arith.constant 0 : i32
    %dma_wait3A_562 = arith.constant 0 : i32
    %dma_wait3A_563 = tpu.memref_slice %arg2[%dma_wait3A_561, %dma_wait3A_562] : memref<10000x128xf32, #tpu.memory_space<hbm>> -> memref<10000x128xf32, #tpu.memory_space<hbm>>
    tpu.wait_indirect_dma semaphore(%arg16 : memref<!tpu.dma_semaphore, #tpu.memory_space<semaphore_mem>>) src(%dma_wait3A_563 : memref<10000x128xf32, #tpu.memory_space<hbm>>) dst(%dma_wait3A_559 : memref<16x128xf32, #tpu.memory_space<vmem>>)
    %mul3A_564 = arith.constant 320 : i32
    %mul3A_565 = arith.muli %add3A, %mul3A_564 : i32
    %add3A_566 = arith.constant 192 : i32
    %add3A_567 = arith.addi %mul3A_565, %add3A_566 : i32
    %multiple_of3A_568 = tpu.assume_multiple %add3A_567, 8 : i32
    %lt3A_569 = arith.constant 10000 : i32
    %lt3A_570 = arith.cmpi slt, %multiple_of3A_568, %lt3A_569 : i32
    %convert_element_type3A_571 = arith.extui %lt3A_570 : i1 to i32
    %cond3A_572 = arith.constant 0 : i32
    %cond3A_573 = arith.cmpi ne, %convert_element_type3A_571, %cond3A_572 : i32
    scf.if %cond3A_573 {
      %dma_start3A_975 = arith.constant 12 : i32
      %dma_start3A_976 = arith.constant 0 : i32
      %dma_start3A_977 = arith.constant 0 : i32
      %dma_start3A_978 = tpu.memref_slice %arg13[%dma_start3A_975, %dma_start3A_976, %dma_start3A_977] : memref<20x16x128xf32, #tpu.memory_space<vmem>> -> memref<1x16x128xf32, #tpu.memory_space<vmem>>
      %dma_start3A_979 = tpu.memref_squeeze %dma_start3A_978 : memref<1x16x128xf32, #tpu.memory_space<vmem>> -> memref<16x128xf32, #tpu.memory_space<vmem>>
      %dma_start3A_980 = arith.constant 0 : i32
      %dma_start3A_981 = tpu.memref_slice %arg5[%multiple_of3A_568, %dma_start3A_980] : memref<10000x128xf32, #tpu.memory_space<hbm>> -> memref<16x128xf32, #tpu.memory_space<hbm>>
      %dma_start3A_982 = arith.constant 0 : i32
      %dma_start3A_983 = tpu.memref_slice %arg5[%multiple_of3A_568, %dma_start3A_982] : memref<10000x128xf32, #tpu.memory_space<hbm>> -> memref<16x128xf32, #tpu.memory_space<hbm>>
      %dma_start3A_984 = arith.constant 0 : i32
      %dma_start3A_985 = arith.constant 0 : i32
      %dma_start3A_986 = tpu.memref_slice %arg13[%dma_start3A_975, %dma_start3A_984, %dma_start3A_985] : memref<20x16x128xf32, #tpu.memory_space<vmem>> -> memref<1x16x128xf32, #tpu.memory_space<vmem>>
      %dma_start3A_987 = tpu.memref_squeeze %dma_start3A_986 : memref<1x16x128xf32, #tpu.memory_space<vmem>> -> memref<16x128xf32, #tpu.memory_space<vmem>>
      tpu.enqueue_dma source(%dma_start3A_987 : memref<16x128xf32, #tpu.memory_space<vmem>>) target(%dma_start3A_983 : memref<16x128xf32, #tpu.memory_space<hbm>>) target_semaphore(%arg18 : memref<!tpu.dma_semaphore, #tpu.memory_space<semaphore_mem>>)
    } else {
    }
    %dma_wait3A_574 = arith.constant 13 : i32
    %dma_wait3A_575 = arith.constant 0 : i32
    %dma_wait3A_576 = arith.constant 0 : i32
    %dma_wait3A_577 = tpu.memref_slice %arg13[%dma_wait3A_574, %dma_wait3A_575, %dma_wait3A_576] : memref<20x16x128xf32, #tpu.memory_space<vmem>> -> memref<1x16x128xf32, #tpu.memory_space<vmem>>
    %dma_wait3A_578 = tpu.memref_squeeze %dma_wait3A_577 : memref<1x16x128xf32, #tpu.memory_space<vmem>> -> memref<16x128xf32, #tpu.memory_space<vmem>>
    %dma_wait3A_579 = tpu.memref_slice %arg7[%multiple_of3A_221] : memref<10000xi32, #tpu.memory_space<vmem>> -> memref<16xi32, #tpu.memory_space<vmem>>
    %dma_wait3A_580 = arith.constant 0 : i32
    %dma_wait3A_581 = arith.constant 0 : i32
    %dma_wait3A_582 = tpu.memref_slice %arg2[%dma_wait3A_580, %dma_wait3A_581] : memref<10000x128xf32, #tpu.memory_space<hbm>> -> memref<10000x128xf32, #tpu.memory_space<hbm>>
    tpu.wait_indirect_dma semaphore(%arg16 : memref<!tpu.dma_semaphore, #tpu.memory_space<semaphore_mem>>) src(%dma_wait3A_582 : memref<10000x128xf32, #tpu.memory_space<hbm>>) dst(%dma_wait3A_578 : memref<16x128xf32, #tpu.memory_space<vmem>>)
    %mul3A_583 = arith.constant 320 : i32
    %mul3A_584 = arith.muli %add3A, %mul3A_583 : i32
    %add3A_585 = arith.constant 208 : i32
    %add3A_586 = arith.addi %mul3A_584, %add3A_585 : i32
    %multiple_of3A_587 = tpu.assume_multiple %add3A_586, 8 : i32
    %lt3A_588 = arith.constant 10000 : i32
    %lt3A_589 = arith.cmpi slt, %multiple_of3A_587, %lt3A_588 : i32
    %convert_element_type3A_590 = arith.extui %lt3A_589 : i1 to i32
    %cond3A_591 = arith.constant 0 : i32
    %cond3A_592 = arith.cmpi ne, %convert_element_type3A_590, %cond3A_591 : i32
    scf.if %cond3A_592 {
      %dma_start3A_975 = arith.constant 13 : i32
      %dma_start3A_976 = arith.constant 0 : i32
      %dma_start3A_977 = arith.constant 0 : i32
      %dma_start3A_978 = tpu.memref_slice %arg13[%dma_start3A_975, %dma_start3A_976, %dma_start3A_977] : memref<20x16x128xf32, #tpu.memory_space<vmem>> -> memref<1x16x128xf32, #tpu.memory_space<vmem>>
      %dma_start3A_979 = tpu.memref_squeeze %dma_start3A_978 : memref<1x16x128xf32, #tpu.memory_space<vmem>> -> memref<16x128xf32, #tpu.memory_space<vmem>>
      %dma_start3A_980 = arith.constant 0 : i32
      %dma_start3A_981 = tpu.memref_slice %arg5[%multiple_of3A_587, %dma_start3A_980] : memref<10000x128xf32, #tpu.memory_space<hbm>> -> memref<16x128xf32, #tpu.memory_space<hbm>>
      %dma_start3A_982 = arith.constant 0 : i32
      %dma_start3A_983 = tpu.memref_slice %arg5[%multiple_of3A_587, %dma_start3A_982] : memref<10000x128xf32, #tpu.memory_space<hbm>> -> memref<16x128xf32, #tpu.memory_space<hbm>>
      %dma_start3A_984 = arith.constant 0 : i32
      %dma_start3A_985 = arith.constant 0 : i32
      %dma_start3A_986 = tpu.memref_slice %arg13[%dma_start3A_975, %dma_start3A_984, %dma_start3A_985] : memref<20x16x128xf32, #tpu.memory_space<vmem>> -> memref<1x16x128xf32, #tpu.memory_space<vmem>>
      %dma_start3A_987 = tpu.memref_squeeze %dma_start3A_986 : memref<1x16x128xf32, #tpu.memory_space<vmem>> -> memref<16x128xf32, #tpu.memory_space<vmem>>
      tpu.enqueue_dma source(%dma_start3A_987 : memref<16x128xf32, #tpu.memory_space<vmem>>) target(%dma_start3A_983 : memref<16x128xf32, #tpu.memory_space<hbm>>) target_semaphore(%arg18 : memref<!tpu.dma_semaphore, #tpu.memory_space<semaphore_mem>>)
    } else {
    }
    %dma_wait3A_593 = arith.constant 14 : i32
    %dma_wait3A_594 = arith.constant 0 : i32
    %dma_wait3A_595 = arith.constant 0 : i32
    %dma_wait3A_596 = tpu.memref_slice %arg13[%dma_wait3A_593, %dma_wait3A_594, %dma_wait3A_595] : memref<20x16x128xf32, #tpu.memory_space<vmem>> -> memref<1x16x128xf32, #tpu.memory_space<vmem>>
    %dma_wait3A_597 = tpu.memref_squeeze %dma_wait3A_596 : memref<1x16x128xf32, #tpu.memory_space<vmem>> -> memref<16x128xf32, #tpu.memory_space<vmem>>
    %dma_wait3A_598 = tpu.memref_slice %arg7[%multiple_of3A_237] : memref<10000xi32, #tpu.memory_space<vmem>> -> memref<16xi32, #tpu.memory_space<vmem>>
    %dma_wait3A_599 = arith.constant 0 : i32
    %dma_wait3A_600 = arith.constant 0 : i32
    %dma_wait3A_601 = tpu.memref_slice %arg2[%dma_wait3A_599, %dma_wait3A_600] : memref<10000x128xf32, #tpu.memory_space<hbm>> -> memref<10000x128xf32, #tpu.memory_space<hbm>>
    tpu.wait_indirect_dma semaphore(%arg16 : memref<!tpu.dma_semaphore, #tpu.memory_space<semaphore_mem>>) src(%dma_wait3A_601 : memref<10000x128xf32, #tpu.memory_space<hbm>>) dst(%dma_wait3A_597 : memref<16x128xf32, #tpu.memory_space<vmem>>)
    %mul3A_602 = arith.constant 320 : i32
    %mul3A_603 = arith.muli %add3A, %mul3A_602 : i32
    %add3A_604 = arith.constant 224 : i32
    %add3A_605 = arith.addi %mul3A_603, %add3A_604 : i32
    %multiple_of3A_606 = tpu.assume_multiple %add3A_605, 8 : i32
    %lt3A_607 = arith.constant 10000 : i32
    %lt3A_608 = arith.cmpi slt, %multiple_of3A_606, %lt3A_607 : i32
    %convert_element_type3A_609 = arith.extui %lt3A_608 : i1 to i32
    %cond3A_610 = arith.constant 0 : i32
    %cond3A_611 = arith.cmpi ne, %convert_element_type3A_609, %cond3A_610 : i32
    scf.if %cond3A_611 {
      %dma_start3A_975 = arith.constant 14 : i32
      %dma_start3A_976 = arith.constant 0 : i32
      %dma_start3A_977 = arith.constant 0 : i32
      %dma_start3A_978 = tpu.memref_slice %arg13[%dma_start3A_975, %dma_start3A_976, %dma_start3A_977] : memref<20x16x128xf32, #tpu.memory_space<vmem>> -> memref<1x16x128xf32, #tpu.memory_space<vmem>>
      %dma_start3A_979 = tpu.memref_squeeze %dma_start3A_978 : memref<1x16x128xf32, #tpu.memory_space<vmem>> -> memref<16x128xf32, #tpu.memory_space<vmem>>
      %dma_start3A_980 = arith.constant 0 : i32
      %dma_start3A_981 = tpu.memref_slice %arg5[%multiple_of3A_606, %dma_start3A_980] : memref<10000x128xf32, #tpu.memory_space<hbm>> -> memref<16x128xf32, #tpu.memory_space<hbm>>
      %dma_start3A_982 = arith.constant 0 : i32
      %dma_start3A_983 = tpu.memref_slice %arg5[%multiple_of3A_606, %dma_start3A_982] : memref<10000x128xf32, #tpu.memory_space<hbm>> -> memref<16x128xf32, #tpu.memory_space<hbm>>
      %dma_start3A_984 = arith.constant 0 : i32
      %dma_start3A_985 = arith.constant 0 : i32
      %dma_start3A_986 = tpu.memref_slice %arg13[%dma_start3A_975, %dma_start3A_984, %dma_start3A_985] : memref<20x16x128xf32, #tpu.memory_space<vmem>> -> memref<1x16x128xf32, #tpu.memory_space<vmem>>
      %dma_start3A_987 = tpu.memref_squeeze %dma_start3A_986 : memref<1x16x128xf32, #tpu.memory_space<vmem>> -> memref<16x128xf32, #tpu.memory_space<vmem>>
      tpu.enqueue_dma source(%dma_start3A_987 : memref<16x128xf32, #tpu.memory_space<vmem>>) target(%dma_start3A_983 : memref<16x128xf32, #tpu.memory_space<hbm>>) target_semaphore(%arg18 : memref<!tpu.dma_semaphore, #tpu.memory_space<semaphore_mem>>)
    } else {
    }
    %dma_wait3A_612 = arith.constant 15 : i32
    %dma_wait3A_613 = arith.constant 0 : i32
    %dma_wait3A_614 = arith.constant 0 : i32
    %dma_wait3A_615 = tpu.memref_slice %arg13[%dma_wait3A_612, %dma_wait3A_613, %dma_wait3A_614] : memref<20x16x128xf32, #tpu.memory_space<vmem>> -> memref<1x16x128xf32, #tpu.memory_space<vmem>>
    %dma_wait3A_616 = tpu.memref_squeeze %dma_wait3A_615 : memref<1x16x128xf32, #tpu.memory_space<vmem>> -> memref<16x128xf32, #tpu.memory_space<vmem>>
    %dma_wait3A_617 = tpu.memref_slice %arg7[%multiple_of3A_253] : memref<10000xi32, #tpu.memory_space<vmem>> -> memref<16xi32, #tpu.memory_space<vmem>>
    %dma_wait3A_618 = arith.constant 0 : i32
    %dma_wait3A_619 = arith.constant 0 : i32
    %dma_wait3A_620 = tpu.memref_slice %arg2[%dma_wait3A_618, %dma_wait3A_619] : memref<10000x128xf32, #tpu.memory_space<hbm>> -> memref<10000x128xf32, #tpu.memory_space<hbm>>
    tpu.wait_indirect_dma semaphore(%arg16 : memref<!tpu.dma_semaphore, #tpu.memory_space<semaphore_mem>>) src(%dma_wait3A_620 : memref<10000x128xf32, #tpu.memory_space<hbm>>) dst(%dma_wait3A_616 : memref<16x128xf32, #tpu.memory_space<vmem>>)
    %mul3A_621 = arith.constant 320 : i32
    %mul3A_622 = arith.muli %add3A, %mul3A_621 : i32
    %add3A_623 = arith.constant 240 : i32
    %add3A_624 = arith.addi %mul3A_622, %add3A_623 : i32
    %multiple_of3A_625 = tpu.assume_multiple %add3A_624, 8 : i32
    %lt3A_626 = arith.constant 10000 : i32
    %lt3A_627 = arith.cmpi slt, %multiple_of3A_625, %lt3A_626 : i32
    %convert_element_type3A_628 = arith.extui %lt3A_627 : i1 to i32
    %cond3A_629 = arith.constant 0 : i32
    %cond3A_630 = arith.cmpi ne, %convert_element_type3A_628, %cond3A_629 : i32
    scf.if %cond3A_630 {
      %dma_start3A_975 = arith.constant 15 : i32
      %dma_start3A_976 = arith.constant 0 : i32
      %dma_start3A_977 = arith.constant 0 : i32
      %dma_start3A_978 = tpu.memref_slice %arg13[%dma_start3A_975, %dma_start3A_976, %dma_start3A_977] : memref<20x16x128xf32, #tpu.memory_space<vmem>> -> memref<1x16x128xf32, #tpu.memory_space<vmem>>
      %dma_start3A_979 = tpu.memref_squeeze %dma_start3A_978 : memref<1x16x128xf32, #tpu.memory_space<vmem>> -> memref<16x128xf32, #tpu.memory_space<vmem>>
      %dma_start3A_980 = arith.constant 0 : i32
      %dma_start3A_981 = tpu.memref_slice %arg5[%multiple_of3A_625, %dma_start3A_980] : memref<10000x128xf32, #tpu.memory_space<hbm>> -> memref<16x128xf32, #tpu.memory_space<hbm>>
      %dma_start3A_982 = arith.constant 0 : i32
      %dma_start3A_983 = tpu.memref_slice %arg5[%multiple_of3A_625, %dma_start3A_982] : memref<10000x128xf32, #tpu.memory_space<hbm>> -> memref<16x128xf32, #tpu.memory_space<hbm>>
      %dma_start3A_984 = arith.constant 0 : i32
      %dma_start3A_985 = arith.constant 0 : i32
      %dma_start3A_986 = tpu.memref_slice %arg13[%dma_start3A_975, %dma_start3A_984, %dma_start3A_985] : memref<20x16x128xf32, #tpu.memory_space<vmem>> -> memref<1x16x128xf32, #tpu.memory_space<vmem>>
      %dma_start3A_987 = tpu.memref_squeeze %dma_start3A_986 : memref<1x16x128xf32, #tpu.memory_space<vmem>> -> memref<16x128xf32, #tpu.memory_space<vmem>>
      tpu.enqueue_dma source(%dma_start3A_987 : memref<16x128xf32, #tpu.memory_space<vmem>>) target(%dma_start3A_983 : memref<16x128xf32, #tpu.memory_space<hbm>>) target_semaphore(%arg18 : memref<!tpu.dma_semaphore, #tpu.memory_space<semaphore_mem>>)
    } else {
    }
    %dma_wait3A_631 = arith.constant 16 : i32
    %dma_wait3A_632 = arith.constant 0 : i32
    %dma_wait3A_633 = arith.constant 0 : i32
    %dma_wait3A_634 = tpu.memref_slice %arg13[%dma_wait3A_631, %dma_wait3A_632, %dma_wait3A_633] : memref<20x16x128xf32, #tpu.memory_space<vmem>> -> memref<1x16x128xf32, #tpu.memory_space<vmem>>
    %dma_wait3A_635 = tpu.memref_squeeze %dma_wait3A_634 : memref<1x16x128xf32, #tpu.memory_space<vmem>> -> memref<16x128xf32, #tpu.memory_space<vmem>>
    %dma_wait3A_636 = tpu.memref_slice %arg7[%multiple_of3A_269] : memref<10000xi32, #tpu.memory_space<vmem>> -> memref<16xi32, #tpu.memory_space<vmem>>
    %dma_wait3A_637 = arith.constant 0 : i32
    %dma_wait3A_638 = arith.constant 0 : i32
    %dma_wait3A_639 = tpu.memref_slice %arg2[%dma_wait3A_637, %dma_wait3A_638] : memref<10000x128xf32, #tpu.memory_space<hbm>> -> memref<10000x128xf32, #tpu.memory_space<hbm>>
    tpu.wait_indirect_dma semaphore(%arg16 : memref<!tpu.dma_semaphore, #tpu.memory_space<semaphore_mem>>) src(%dma_wait3A_639 : memref<10000x128xf32, #tpu.memory_space<hbm>>) dst(%dma_wait3A_635 : memref<16x128xf32, #tpu.memory_space<vmem>>)
    %mul3A_640 = arith.constant 320 : i32
    %mul3A_641 = arith.muli %add3A, %mul3A_640 : i32
    %add3A_642 = arith.constant 256 : i32
    %add3A_643 = arith.addi %mul3A_641, %add3A_642 : i32
    %multiple_of3A_644 = tpu.assume_multiple %add3A_643, 8 : i32
    %lt3A_645 = arith.constant 10000 : i32
    %lt3A_646 = arith.cmpi slt, %multiple_of3A_644, %lt3A_645 : i32
    %convert_element_type3A_647 = arith.extui %lt3A_646 : i1 to i32
    %cond3A_648 = arith.constant 0 : i32
    %cond3A_649 = arith.cmpi ne, %convert_element_type3A_647, %cond3A_648 : i32
    scf.if %cond3A_649 {
      %dma_start3A_975 = arith.constant 16 : i32
      %dma_start3A_976 = arith.constant 0 : i32
      %dma_start3A_977 = arith.constant 0 : i32
      %dma_start3A_978 = tpu.memref_slice %arg13[%dma_start3A_975, %dma_start3A_976, %dma_start3A_977] : memref<20x16x128xf32, #tpu.memory_space<vmem>> -> memref<1x16x128xf32, #tpu.memory_space<vmem>>
      %dma_start3A_979 = tpu.memref_squeeze %dma_start3A_978 : memref<1x16x128xf32, #tpu.memory_space<vmem>> -> memref<16x128xf32, #tpu.memory_space<vmem>>
      %dma_start3A_980 = arith.constant 0 : i32
      %dma_start3A_981 = tpu.memref_slice %arg5[%multiple_of3A_644, %dma_start3A_980] : memref<10000x128xf32, #tpu.memory_space<hbm>> -> memref<16x128xf32, #tpu.memory_space<hbm>>
      %dma_start3A_982 = arith.constant 0 : i32
      %dma_start3A_983 = tpu.memref_slice %arg5[%multiple_of3A_644, %dma_start3A_982] : memref<10000x128xf32, #tpu.memory_space<hbm>> -> memref<16x128xf32, #tpu.memory_space<hbm>>
      %dma_start3A_984 = arith.constant 0 : i32
      %dma_start3A_985 = arith.constant 0 : i32
      %dma_start3A_986 = tpu.memref_slice %arg13[%dma_start3A_975, %dma_start3A_984, %dma_start3A_985] : memref<20x16x128xf32, #tpu.memory_space<vmem>> -> memref<1x16x128xf32, #tpu.memory_space<vmem>>
      %dma_start3A_987 = tpu.memref_squeeze %dma_start3A_986 : memref<1x16x128xf32, #tpu.memory_space<vmem>> -> memref<16x128xf32, #tpu.memory_space<vmem>>
      tpu.enqueue_dma source(%dma_start3A_987 : memref<16x128xf32, #tpu.memory_space<vmem>>) target(%dma_start3A_983 : memref<16x128xf32, #tpu.memory_space<hbm>>) target_semaphore(%arg18 : memref<!tpu.dma_semaphore, #tpu.memory_space<semaphore_mem>>)
    } else {
    }
    %dma_wait3A_650 = arith.constant 17 : i32
    %dma_wait3A_651 = arith.constant 0 : i32
    %dma_wait3A_652 = arith.constant 0 : i32
    %dma_wait3A_653 = tpu.memref_slice %arg13[%dma_wait3A_650, %dma_wait3A_651, %dma_wait3A_652] : memref<20x16x128xf32, #tpu.memory_space<vmem>> -> memref<1x16x128xf32, #tpu.memory_space<vmem>>
    %dma_wait3A_654 = tpu.memref_squeeze %dma_wait3A_653 : memref<1x16x128xf32, #tpu.memory_space<vmem>> -> memref<16x128xf32, #tpu.memory_space<vmem>>
    %dma_wait3A_655 = tpu.memref_slice %arg7[%multiple_of3A_285] : memref<10000xi32, #tpu.memory_space<vmem>> -> memref<16xi32, #tpu.memory_space<vmem>>
    %dma_wait3A_656 = arith.constant 0 : i32
    %dma_wait3A_657 = arith.constant 0 : i32
    %dma_wait3A_658 = tpu.memref_slice %arg2[%dma_wait3A_656, %dma_wait3A_657] : memref<10000x128xf32, #tpu.memory_space<hbm>> -> memref<10000x128xf32, #tpu.memory_space<hbm>>
    tpu.wait_indirect_dma semaphore(%arg16 : memref<!tpu.dma_semaphore, #tpu.memory_space<semaphore_mem>>) src(%dma_wait3A_658 : memref<10000x128xf32, #tpu.memory_space<hbm>>) dst(%dma_wait3A_654 : memref<16x128xf32, #tpu.memory_space<vmem>>)
    %mul3A_659 = arith.constant 320 : i32
    %mul3A_660 = arith.muli %add3A, %mul3A_659 : i32
    %add3A_661 = arith.constant 272 : i32
    %add3A_662 = arith.addi %mul3A_660, %add3A_661 : i32
    %multiple_of3A_663 = tpu.assume_multiple %add3A_662, 8 : i32
    %lt3A_664 = arith.constant 10000 : i32
    %lt3A_665 = arith.cmpi slt, %multiple_of3A_663, %lt3A_664 : i32
    %convert_element_type3A_666 = arith.extui %lt3A_665 : i1 to i32
    %cond3A_667 = arith.constant 0 : i32
    %cond3A_668 = arith.cmpi ne, %convert_element_type3A_666, %cond3A_667 : i32
    scf.if %cond3A_668 {
      %dma_start3A_975 = arith.constant 17 : i32
      %dma_start3A_976 = arith.constant 0 : i32
      %dma_start3A_977 = arith.constant 0 : i32
      %dma_start3A_978 = tpu.memref_slice %arg13[%dma_start3A_975, %dma_start3A_976, %dma_start3A_977] : memref<20x16x128xf32, #tpu.memory_space<vmem>> -> memref<1x16x128xf32, #tpu.memory_space<vmem>>
      %dma_start3A_979 = tpu.memref_squeeze %dma_start3A_978 : memref<1x16x128xf32, #tpu.memory_space<vmem>> -> memref<16x128xf32, #tpu.memory_space<vmem>>
      %dma_start3A_980 = arith.constant 0 : i32
      %dma_start3A_981 = tpu.memref_slice %arg5[%multiple_of3A_663, %dma_start3A_980] : memref<10000x128xf32, #tpu.memory_space<hbm>> -> memref<16x128xf32, #tpu.memory_space<hbm>>
      %dma_start3A_982 = arith.constant 0 : i32
      %dma_start3A_983 = tpu.memref_slice %arg5[%multiple_of3A_663, %dma_start3A_982] : memref<10000x128xf32, #tpu.memory_space<hbm>> -> memref<16x128xf32, #tpu.memory_space<hbm>>
      %dma_start3A_984 = arith.constant 0 : i32
      %dma_start3A_985 = arith.constant 0 : i32
      %dma_start3A_986 = tpu.memref_slice %arg13[%dma_start3A_975, %dma_start3A_984, %dma_start3A_985] : memref<20x16x128xf32, #tpu.memory_space<vmem>> -> memref<1x16x128xf32, #tpu.memory_space<vmem>>
      %dma_start3A_987 = tpu.memref_squeeze %dma_start3A_986 : memref<1x16x128xf32, #tpu.memory_space<vmem>> -> memref<16x128xf32, #tpu.memory_space<vmem>>
      tpu.enqueue_dma source(%dma_start3A_987 : memref<16x128xf32, #tpu.memory_space<vmem>>) target(%dma_start3A_983 : memref<16x128xf32, #tpu.memory_space<hbm>>) target_semaphore(%arg18 : memref<!tpu.dma_semaphore, #tpu.memory_space<semaphore_mem>>)
    } else {
    }
    %dma_wait3A_669 = arith.constant 18 : i32
    %dma_wait3A_670 = arith.constant 0 : i32
    %dma_wait3A_671 = arith.constant 0 : i32
    %dma_wait3A_672 = tpu.memref_slice %arg13[%dma_wait3A_669, %dma_wait3A_670, %dma_wait3A_671] : memref<20x16x128xf32, #tpu.memory_space<vmem>> -> memref<1x16x128xf32, #tpu.memory_space<vmem>>
    %dma_wait3A_673 = tpu.memref_squeeze %dma_wait3A_672 : memref<1x16x128xf32, #tpu.memory_space<vmem>> -> memref<16x128xf32, #tpu.memory_space<vmem>>
    %dma_wait3A_674 = tpu.memref_slice %arg7[%multiple_of3A_301] : memref<10000xi32, #tpu.memory_space<vmem>> -> memref<16xi32, #tpu.memory_space<vmem>>
    %dma_wait3A_675 = arith.constant 0 : i32
    %dma_wait3A_676 = arith.constant 0 : i32
    %dma_wait3A_677 = tpu.memref_slice %arg2[%dma_wait3A_675, %dma_wait3A_676] : memref<10000x128xf32, #tpu.memory_space<hbm>> -> memref<10000x128xf32, #tpu.memory_space<hbm>>
    tpu.wait_indirect_dma semaphore(%arg16 : memref<!tpu.dma_semaphore, #tpu.memory_space<semaphore_mem>>) src(%dma_wait3A_677 : memref<10000x128xf32, #tpu.memory_space<hbm>>) dst(%dma_wait3A_673 : memref<16x128xf32, #tpu.memory_space<vmem>>)
    %mul3A_678 = arith.constant 320 : i32
    %mul3A_679 = arith.muli %add3A, %mul3A_678 : i32
    %add3A_680 = arith.constant 288 : i32
    %add3A_681 = arith.addi %mul3A_679, %add3A_680 : i32
    %multiple_of3A_682 = tpu.assume_multiple %add3A_681, 8 : i32
    %lt3A_683 = arith.constant 10000 : i32
    %lt3A_684 = arith.cmpi slt, %multiple_of3A_682, %lt3A_683 : i32
    %convert_element_type3A_685 = arith.extui %lt3A_684 : i1 to i32
    %cond3A_686 = arith.constant 0 : i32
    %cond3A_687 = arith.cmpi ne, %convert_element_type3A_685, %cond3A_686 : i32
    scf.if %cond3A_687 {
      %dma_start3A_975 = arith.constant 18 : i32
      %dma_start3A_976 = arith.constant 0 : i32
      %dma_start3A_977 = arith.constant 0 : i32
      %dma_start3A_978 = tpu.memref_slice %arg13[%dma_start3A_975, %dma_start3A_976, %dma_start3A_977] : memref<20x16x128xf32, #tpu.memory_space<vmem>> -> memref<1x16x128xf32, #tpu.memory_space<vmem>>
      %dma_start3A_979 = tpu.memref_squeeze %dma_start3A_978 : memref<1x16x128xf32, #tpu.memory_space<vmem>> -> memref<16x128xf32, #tpu.memory_space<vmem>>
      %dma_start3A_980 = arith.constant 0 : i32
      %dma_start3A_981 = tpu.memref_slice %arg5[%multiple_of3A_682, %dma_start3A_980] : memref<10000x128xf32, #tpu.memory_space<hbm>> -> memref<16x128xf32, #tpu.memory_space<hbm>>
      %dma_start3A_982 = arith.constant 0 : i32
      %dma_start3A_983 = tpu.memref_slice %arg5[%multiple_of3A_682, %dma_start3A_982] : memref<10000x128xf32, #tpu.memory_space<hbm>> -> memref<16x128xf32, #tpu.memory_space<hbm>>
      %dma_start3A_984 = arith.constant 0 : i32
      %dma_start3A_985 = arith.constant 0 : i32
      %dma_start3A_986 = tpu.memref_slice %arg13[%dma_start3A_975, %dma_start3A_984, %dma_start3A_985] : memref<20x16x128xf32, #tpu.memory_space<vmem>> -> memref<1x16x128xf32, #tpu.memory_space<vmem>>
      %dma_start3A_987 = tpu.memref_squeeze %dma_start3A_986 : memref<1x16x128xf32, #tpu.memory_space<vmem>> -> memref<16x128xf32, #tpu.memory_space<vmem>>
      tpu.enqueue_dma source(%dma_start3A_987 : memref<16x128xf32, #tpu.memory_space<vmem>>) target(%dma_start3A_983 : memref<16x128xf32, #tpu.memory_space<hbm>>) target_semaphore(%arg18 : memref<!tpu.dma_semaphore, #tpu.memory_space<semaphore_mem>>)
    } else {
    }
    %dma_wait3A_688 = arith.constant 19 : i32
    %dma_wait3A_689 = arith.constant 0 : i32
    %dma_wait3A_690 = arith.constant 0 : i32
    %dma_wait3A_691 = tpu.memref_slice %arg13[%dma_wait3A_688, %dma_wait3A_689, %dma_wait3A_690] : memref<20x16x128xf32, #tpu.memory_space<vmem>> -> memref<1x16x128xf32, #tpu.memory_space<vmem>>
    %dma_wait3A_692 = tpu.memref_squeeze %dma_wait3A_691 : memref<1x16x128xf32, #tpu.memory_space<vmem>> -> memref<16x128xf32, #tpu.memory_space<vmem>>
    %dma_wait3A_693 = tpu.memref_slice %arg7[%multiple_of3A_317] : memref<10000xi32, #tpu.memory_space<vmem>> -> memref<16xi32, #tpu.memory_space<vmem>>
    %dma_wait3A_694 = arith.constant 0 : i32
    %dma_wait3A_695 = arith.constant 0 : i32
    %dma_wait3A_696 = tpu.memref_slice %arg2[%dma_wait3A_694, %dma_wait3A_695] : memref<10000x128xf32, #tpu.memory_space<hbm>> -> memref<10000x128xf32, #tpu.memory_space<hbm>>
    tpu.wait_indirect_dma semaphore(%arg16 : memref<!tpu.dma_semaphore, #tpu.memory_space<semaphore_mem>>) src(%dma_wait3A_696 : memref<10000x128xf32, #tpu.memory_space<hbm>>) dst(%dma_wait3A_692 : memref<16x128xf32, #tpu.memory_space<vmem>>)
    %mul3A_697 = arith.constant 320 : i32
    %mul3A_698 = arith.muli %add3A, %mul3A_697 : i32
    %add3A_699 = arith.constant 304 : i32
    %add3A_700 = arith.addi %mul3A_698, %add3A_699 : i32
    %multiple_of3A_701 = tpu.assume_multiple %add3A_700, 8 : i32
    %lt3A_702 = arith.constant 10000 : i32
    %lt3A_703 = arith.cmpi slt, %multiple_of3A_701, %lt3A_702 : i32
    %convert_element_type3A_704 = arith.extui %lt3A_703 : i1 to i32
    %cond3A_705 = arith.constant 0 : i32
    %cond3A_706 = arith.cmpi ne, %convert_element_type3A_704, %cond3A_705 : i32
    scf.if %cond3A_706 {
      %dma_start3A_975 = arith.constant 19 : i32
      %dma_start3A_976 = arith.constant 0 : i32
      %dma_start3A_977 = arith.constant 0 : i32
      %dma_start3A_978 = tpu.memref_slice %arg13[%dma_start3A_975, %dma_start3A_976, %dma_start3A_977] : memref<20x16x128xf32, #tpu.memory_space<vmem>> -> memref<1x16x128xf32, #tpu.memory_space<vmem>>
      %dma_start3A_979 = tpu.memref_squeeze %dma_start3A_978 : memref<1x16x128xf32, #tpu.memory_space<vmem>> -> memref<16x128xf32, #tpu.memory_space<vmem>>
      %dma_start3A_980 = arith.constant 0 : i32
      %dma_start3A_981 = tpu.memref_slice %arg5[%multiple_of3A_701, %dma_start3A_980] : memref<10000x128xf32, #tpu.memory_space<hbm>> -> memref<16x128xf32, #tpu.memory_space<hbm>>
      %dma_start3A_982 = arith.constant 0 : i32
      %dma_start3A_983 = tpu.memref_slice %arg5[%multiple_of3A_701, %dma_start3A_982] : memref<10000x128xf32, #tpu.memory_space<hbm>> -> memref<16x128xf32, #tpu.memory_space<hbm>>
      %dma_start3A_984 = arith.constant 0 : i32
      %dma_start3A_985 = arith.constant 0 : i32
      %dma_start3A_986 = tpu.memref_slice %arg13[%dma_start3A_975, %dma_start3A_984, %dma_start3A_985] : memref<20x16x128xf32, #tpu.memory_space<vmem>> -> memref<1x16x128xf32, #tpu.memory_space<vmem>>
      %dma_start3A_987 = tpu.memref_squeeze %dma_start3A_986 : memref<1x16x128xf32, #tpu.memory_space<vmem>> -> memref<16x128xf32, #tpu.memory_space<vmem>>
      tpu.enqueue_dma source(%dma_start3A_987 : memref<16x128xf32, #tpu.memory_space<vmem>>) target(%dma_start3A_983 : memref<16x128xf32, #tpu.memory_space<hbm>>) target_semaphore(%arg18 : memref<!tpu.dma_semaphore, #tpu.memory_space<semaphore_mem>>)
    } else {
    }
    %dma_wait3A_707 = arith.constant 0 : i32
    %dma_wait3A_708 = tpu.memref_slice %arg3[%dma_wait3A_707, %multiple_of3A] : memref<2x320000xi32, #tpu.memory_space<hbm>> -> memref<2x9984xi32, #tpu.memory_space<hbm>>
    %dma_wait3A_709 = arith.constant 0 : i32
    %dma_wait3A_710 = tpu.memref_slice %arg3[%dma_wait3A_709, %multiple_of3A] : memref<2x320000xi32, #tpu.memory_space<hbm>> -> memref<2x9984xi32, #tpu.memory_space<hbm>>
    tpu.wait_dma2 semaphore(%arg15 : memref<!tpu.dma_semaphore, #tpu.memory_space<semaphore_mem>>) src(%dma_wait3A_710 : memref<2x9984xi32, #tpu.memory_space<hbm>>) dst(%arg9 : memref<2x9984xi32, #tpu.memory_space<vmem>>)
    %parallel_loop3A_711 = arith.constant 0 : i32
    %parallel_loop3A_712 = arith.constant 4992 : i32
    %parallel_loop3A_713 = arith.constant 16 : i32
    scf.for %parallel_loop3A_975 = %parallel_loop3A_711 to %parallel_loop3A_712 step %parallel_loop3A_713  : i32 {
      %parallel_loop3A_976 = tpu.assume_multiple %parallel_loop3A_975, 16 : i32
      %parallel_loop3A_977 = arith.constant 0 : i32
      %parallel_loop3A_978 = arith.index_cast %parallel_loop3A_977 : i32 to index
      %parallel_loop3A_979 = arith.index_cast %parallel_loop3A_976 : i32 to index
      %parallel_loop3A_980 = tpu.vector_load %arg9[%parallel_loop3A_978, %parallel_loop3A_979] {strides = array<i32>} : memref<2x9984xi32, #tpu.memory_space<vmem>>, vector<16xi32>,
      %parallel_loop3A_981 = tpu.vector_load_idx %arg8[%parallel_loop3A_980] : memref<10000xi32, #tpu.memory_space<vmem>>[vector<16xi32>], vector<16xi32>,
      %parallel_loop3A_982 = arith.constant 0 : i32
      %parallel_loop3A_983 = arith.index_cast %parallel_loop3A_982 : i32 to index
      %parallel_loop3A_984 = arith.index_cast %parallel_loop3A_976 : i32 to index
      %parallel_loop3A_985 = tpu.vector_load %arg10[%parallel_loop3A_983, %parallel_loop3A_984] {strides = array<i32>} : memref<2x9984xi32, #tpu.memory_space<vmem>>, vector<16xi32>,
      tpu.vector_store %arg10[%parallel_loop3A_983, %parallel_loop3A_984], %parallel_loop3A_981 {strides = array<i32>} : memref<2x9984xi32, #tpu.memory_space<vmem>>, vector<16xi32>,
      %parallel_loop3A_986 = arith.constant 1 : i32
      %parallel_loop3A_987 = arith.index_cast %parallel_loop3A_986 : i32 to index
      %parallel_loop3A_988 = arith.index_cast %parallel_loop3A_976 : i32 to index
      %parallel_loop3A_989 = tpu.vector_load %arg9[%parallel_loop3A_987, %parallel_loop3A_988] {strides = array<i32>} : memref<2x9984xi32, #tpu.memory_space<vmem>>, vector<16xi32>,
      %parallel_loop3A_990 = tpu.vector_load_idx %arg8[%parallel_loop3A_989] : memref<10000xi32, #tpu.memory_space<vmem>>[vector<16xi32>], vector<16xi32>,
      %parallel_loop3A_991 = arith.constant 1 : i32
      %parallel_loop3A_992 = arith.index_cast %parallel_loop3A_991 : i32 to index
      %parallel_loop3A_993 = arith.index_cast %parallel_loop3A_976 : i32 to index
      %parallel_loop3A_994 = tpu.vector_load %arg10[%parallel_loop3A_992, %parallel_loop3A_993] {strides = array<i32>} : memref<2x9984xi32, #tpu.memory_space<vmem>>, vector<16xi32>,
      tpu.vector_store %arg10[%parallel_loop3A_992, %parallel_loop3A_993], %parallel_loop3A_990 {strides = array<i32>} : memref<2x9984xi32, #tpu.memory_space<vmem>>, vector<16xi32>,
    } {sc.loop_unroll_factor = 8 : i64, sc.parallel_access}
    %add3A_714 = arith.constant 0 : i32
    %add3A_715 = arith.addi %multiple_of3A, %add3A_714 : i32
    %dma_start3A_716 = arith.constant 0 : i32
    %dma_start3A_717 = arith.constant 0 : i32
    %dma_start3A_718 = tpu.memref_slice %arg10[%dma_start3A_716, %dma_start3A_717] : memref<2x9984xi32, #tpu.memory_space<vmem>> -> memref<2x4992xi32, #tpu.memory_space<vmem>>
    %dma_start3A_719 = arith.constant 0 : i32
    %dma_start3A_720 = tpu.memref_slice %arg6[%dma_start3A_719, %add3A_715] : memref<2x320000xi32, #tpu.memory_space<hbm>> -> memref<2x4992xi32, #tpu.memory_space<hbm>>
    %dma_start3A_721 = arith.constant 0 : i32
    %dma_start3A_722 = tpu.memref_slice %arg6[%dma_start3A_721, %add3A_715] : memref<2x320000xi32, #tpu.memory_space<hbm>> -> memref<2x4992xi32, #tpu.memory_space<hbm>>
    %dma_start3A_723 = arith.constant 0 : i32
    %dma_start3A_724 = arith.constant 0 : i32
    %dma_start3A_725 = tpu.memref_slice %arg10[%dma_start3A_723, %dma_start3A_724] : memref<2x9984xi32, #tpu.memory_space<vmem>> -> memref<2x4992xi32, #tpu.memory_space<vmem>>
    tpu.enqueue_dma source(%dma_start3A_725 : memref<2x4992xi32, #tpu.memory_space<vmem>>) target(%dma_start3A_722 : memref<2x4992xi32, #tpu.memory_space<hbm>>) target_semaphore(%arg18 : memref<!tpu.dma_semaphore, #tpu.memory_space<semaphore_mem>>)
    %parallel_loop3A_726 = arith.constant 4992 : i32
    %parallel_loop3A_727 = arith.constant 9984 : i32
    %parallel_loop3A_728 = arith.constant 16 : i32
    scf.for %parallel_loop3A_975 = %parallel_loop3A_726 to %parallel_loop3A_727 step %parallel_loop3A_728  : i32 {
      %parallel_loop3A_976 = tpu.assume_multiple %parallel_loop3A_975, 16 : i32
      %parallel_loop3A_977 = arith.constant 0 : i32
      %parallel_loop3A_978 = arith.index_cast %parallel_loop3A_977 : i32 to index
      %parallel_loop3A_979 = arith.index_cast %parallel_loop3A_976 : i32 to index
      %parallel_loop3A_980 = tpu.vector_load %arg9[%parallel_loop3A_978, %parallel_loop3A_979] {strides = array<i32>} : memref<2x9984xi32, #tpu.memory_space<vmem>>, vector<16xi32>,
      %parallel_loop3A_981 = tpu.vector_load_idx %arg8[%parallel_loop3A_980] : memref<10000xi32, #tpu.memory_space<vmem>>[vector<16xi32>], vector<16xi32>,
      %parallel_loop3A_982 = arith.constant 0 : i32
      %parallel_loop3A_983 = arith.index_cast %parallel_loop3A_982 : i32 to index
      %parallel_loop3A_984 = arith.index_cast %parallel_loop3A_976 : i32 to index
      %parallel_loop3A_985 = tpu.vector_load %arg10[%parallel_loop3A_983, %parallel_loop3A_984] {strides = array<i32>} : memref<2x9984xi32, #tpu.memory_space<vmem>>, vector<16xi32>,
      tpu.vector_store %arg10[%parallel_loop3A_983, %parallel_loop3A_984], %parallel_loop3A_981 {strides = array<i32>} : memref<2x9984xi32, #tpu.memory_space<vmem>>, vector<16xi32>,
      %parallel_loop3A_986 = arith.constant 1 : i32
      %parallel_loop3A_987 = arith.index_cast %parallel_loop3A_986 : i32 to index
      %parallel_loop3A_988 = arith.index_cast %parallel_loop3A_976 : i32 to index
      %parallel_loop3A_989 = tpu.vector_load %arg9[%parallel_loop3A_987, %parallel_loop3A_988] {strides = array<i32>} : memref<2x9984xi32, #tpu.memory_space<vmem>>, vector<16xi32>,
      %parallel_loop3A_990 = tpu.vector_load_idx %arg8[%parallel_loop3A_989] : memref<10000xi32, #tpu.memory_space<vmem>>[vector<16xi32>], vector<16xi32>,
      %parallel_loop3A_991 = arith.constant 1 : i32
      %parallel_loop3A_992 = arith.index_cast %parallel_loop3A_991 : i32 to index
      %parallel_loop3A_993 = arith.index_cast %parallel_loop3A_976 : i32 to index
      %parallel_loop3A_994 = tpu.vector_load %arg10[%parallel_loop3A_992, %parallel_loop3A_993] {strides = array<i32>} : memref<2x9984xi32, #tpu.memory_space<vmem>>, vector<16xi32>,
      tpu.vector_store %arg10[%parallel_loop3A_992, %parallel_loop3A_993], %parallel_loop3A_990 {strides = array<i32>} : memref<2x9984xi32, #tpu.memory_space<vmem>>, vector<16xi32>,
    } {sc.loop_unroll_factor = 8 : i64, sc.parallel_access}
    %add3A_729 = arith.constant 4992 : i32
    %add3A_730 = arith.addi %multiple_of3A, %add3A_729 : i32
    %dma_start3A_731 = arith.constant 0 : i32
    %dma_start3A_732 = arith.constant 4992 : i32
    %dma_start3A_733 = tpu.memref_slice %arg10[%dma_start3A_731, %dma_start3A_732] : memref<2x9984xi32, #tpu.memory_space<vmem>> -> memref<2x4992xi32, #tpu.memory_space<vmem>>
    %dma_start3A_734 = arith.constant 0 : i32
    %dma_start3A_735 = tpu.memref_slice %arg6[%dma_start3A_734, %add3A_730] : memref<2x320000xi32, #tpu.memory_space<hbm>> -> memref<2x4992xi32, #tpu.memory_space<hbm>>
    %dma_start3A_736 = arith.constant 0 : i32
    %dma_start3A_737 = tpu.memref_slice %arg6[%dma_start3A_736, %add3A_730] : memref<2x320000xi32, #tpu.memory_space<hbm>> -> memref<2x4992xi32, #tpu.memory_space<hbm>>
    %dma_start3A_738 = arith.constant 0 : i32
    %dma_start3A_739 = arith.constant 4992 : i32
    %dma_start3A_740 = tpu.memref_slice %arg10[%dma_start3A_738, %dma_start3A_739] : memref<2x9984xi32, #tpu.memory_space<vmem>> -> memref<2x4992xi32, #tpu.memory_space<vmem>>
    tpu.enqueue_dma source(%dma_start3A_740 : memref<2x4992xi32, #tpu.memory_space<vmem>>) target(%dma_start3A_737 : memref<2x4992xi32, #tpu.memory_space<hbm>>) target_semaphore(%arg18 : memref<!tpu.dma_semaphore, #tpu.memory_space<semaphore_mem>>)
    %eq3A_741 = arith.constant 1 : i32
    %eq3A_742 = arith.cmpi eq, %add3A, %eq3A_741 : i32
    %convert_element_type3A_743 = arith.extui %eq3A_742 : i1 to i32
    %cond3A_744 = arith.constant 0 : i32
    %cond3A_745 = arith.cmpi ne, %convert_element_type3A_743, %cond3A_744 : i32
    scf.if %cond3A_745 {
      %dma_wait3A_975 = arith.constant 0 : i32
      %dma_wait3A_976 = arith.constant 319488 : i32
      %dma_wait3A_977 = tpu.memref_slice %arg3[%dma_wait3A_975, %dma_wait3A_976] : memref<2x320000xi32, #tpu.memory_space<hbm>> -> memref<2x512xi32, #tpu.memory_space<hbm>>
      %dma_wait3A_978 = arith.constant 0 : i32
      %dma_wait3A_979 = arith.constant 319488 : i32
      %dma_wait3A_980 = tpu.memref_slice %arg3[%dma_wait3A_978, %dma_wait3A_979] : memref<2x320000xi32, #tpu.memory_space<hbm>> -> memref<2x512xi32, #tpu.memory_space<hbm>>
      tpu.wait_dma2 semaphore(%arg17 : memref<!tpu.dma_semaphore, #tpu.memory_space<semaphore_mem>>) src(%dma_wait3A_980 : memref<2x512xi32, #tpu.memory_space<hbm>>) dst(%arg11 : memref<2x512xi32, #tpu.memory_space<vmem>>)
      %parallel_loop3A_981 = arith.constant 0 : i32
      %parallel_loop3A_982 = arith.constant 512 : i32
      %parallel_loop3A_983 = arith.constant 16 : i32
      scf.for %parallel_loop3A_990 = %parallel_loop3A_981 to %parallel_loop3A_982 step %parallel_loop3A_983  : i32 {
        %parallel_loop3A_991 = tpu.assume_multiple %parallel_loop3A_990, 16 : i32
        %parallel_loop3A_992 = arith.constant 0 : i32
        %parallel_loop3A_993 = arith.index_cast %parallel_loop3A_992 : i32 to index
        %parallel_loop3A_994 = arith.index_cast %parallel_loop3A_991 : i32 to index
        %parallel_loop3A_995 = tpu.vector_load %arg11[%parallel_loop3A_993, %parallel_loop3A_994] {strides = array<i32>} : memref<2x512xi32, #tpu.memory_space<vmem>>, vector<16xi32>,
        %parallel_loop3A_996 = tpu.vector_load_idx %arg8[%parallel_loop3A_995] : memref<10000xi32, #tpu.memory_space<vmem>>[vector<16xi32>], vector<16xi32>,
        %parallel_loop3A_997 = arith.constant 0 : i32
        %parallel_loop3A_998 = arith.index_cast %parallel_loop3A_997 : i32 to index
        %parallel_loop3A_999 = arith.index_cast %parallel_loop3A_991 : i32 to index
        %parallel_loop3A_1000 = tpu.vector_load %arg12[%parallel_loop3A_998, %parallel_loop3A_999] {strides = array<i32>} : memref<2x512xi32, #tpu.memory_space<vmem>>, vector<16xi32>,
        tpu.vector_store %arg12[%parallel_loop3A_998, %parallel_loop3A_999], %parallel_loop3A_996 {strides = array<i32>} : memref<2x512xi32, #tpu.memory_space<vmem>>, vector<16xi32>,
        %parallel_loop3A_1001 = arith.constant 1 : i32
        %parallel_loop3A_1002 = arith.index_cast %parallel_loop3A_1001 : i32 to index
        %parallel_loop3A_1003 = arith.index_cast %parallel_loop3A_991 : i32 to index
        %parallel_loop3A_1004 = tpu.vector_load %arg11[%parallel_loop3A_1002, %parallel_loop3A_1003] {strides = array<i32>} : memref<2x512xi32, #tpu.memory_space<vmem>>, vector<16xi32>,
        %parallel_loop3A_1005 = tpu.vector_load_idx %arg8[%parallel_loop3A_1004] : memref<10000xi32, #tpu.memory_space<vmem>>[vector<16xi32>], vector<16xi32>,
        %parallel_loop3A_1006 = arith.constant 1 : i32
        %parallel_loop3A_1007 = arith.index_cast %parallel_loop3A_1006 : i32 to index
        %parallel_loop3A_1008 = arith.index_cast %parallel_loop3A_991 : i32 to index
        %parallel_loop3A_1009 = tpu.vector_load %arg12[%parallel_loop3A_1007, %parallel_loop3A_1008] {strides = array<i32>} : memref<2x512xi32, #tpu.memory_space<vmem>>, vector<16xi32>,
        tpu.vector_store %arg12[%parallel_loop3A_1007, %parallel_loop3A_1008], %parallel_loop3A_1005 {strides = array<i32>} : memref<2x512xi32, #tpu.memory_space<vmem>>, vector<16xi32>,
      } {sc.loop_unroll_factor = 8 : i64, sc.parallel_access}
      %dma_start3A_984 = arith.constant 0 : i32
      %dma_start3A_985 = arith.constant 319488 : i32
      %dma_start3A_986 = tpu.memref_slice %arg6[%dma_start3A_984, %dma_start3A_985] : memref<2x320000xi32, #tpu.memory_space<hbm>> -> memref<2x512xi32, #tpu.memory_space<hbm>>
      %dma_start3A_987 = arith.constant 0 : i32
      %dma_start3A_988 = arith.constant 319488 : i32
      %dma_start3A_989 = tpu.memref_slice %arg6[%dma_start3A_987, %dma_start3A_988] : memref<2x320000xi32, #tpu.memory_space<hbm>> -> memref<2x512xi32, #tpu.memory_space<hbm>>
      tpu.enqueue_dma source(%arg12 : memref<2x512xi32, #tpu.memory_space<vmem>>) target(%dma_start3A_989 : memref<2x512xi32, #tpu.memory_space<hbm>>) target_semaphore(%arg18 : memref<!tpu.dma_semaphore, #tpu.memory_space<semaphore_mem>>)
    } else {
    }
    %mul3A_746 = arith.constant 320 : i32
    %mul3A_747 = arith.muli %add3A, %mul3A_746 : i32
    %add3A_748 = arith.constant 0 : i32
    %add3A_749 = arith.addi %mul3A_747, %add3A_748 : i32
    %multiple_of3A_750 = tpu.assume_multiple %add3A_749, 8 : i32
    %lt3A_751 = arith.constant 10000 : i32
    %lt3A_752 = arith.cmpi slt, %multiple_of3A_750, %lt3A_751 : i32
    %convert_element_type3A_753 = arith.extui %lt3A_752 : i1 to i32
    %cond3A_754 = arith.constant 0 : i32
    %cond3A_755 = arith.cmpi ne, %convert_element_type3A_753, %cond3A_754 : i32
    scf.if %cond3A_755 {
      %dma_wait3A_975 = arith.constant 0 : i32
      %dma_wait3A_976 = arith.constant 0 : i32
      %dma_wait3A_977 = arith.constant 0 : i32
      %dma_wait3A_978 = tpu.memref_slice %arg13[%dma_wait3A_975, %dma_wait3A_976, %dma_wait3A_977] : memref<20x16x128xf32, #tpu.memory_space<vmem>> -> memref<1x16x128xf32, #tpu.memory_space<vmem>>
      %dma_wait3A_979 = tpu.memref_squeeze %dma_wait3A_978 : memref<1x16x128xf32, #tpu.memory_space<vmem>> -> memref<16x128xf32, #tpu.memory_space<vmem>>
      %dma_wait3A_980 = arith.constant 0 : i32
      %dma_wait3A_981 = tpu.memref_slice %arg5[%multiple_of3A_750, %dma_wait3A_980] : memref<10000x128xf32, #tpu.memory_space<hbm>> -> memref<16x128xf32, #tpu.memory_space<hbm>>
      %dma_wait3A_982 = arith.constant 0 : i32
      %dma_wait3A_983 = tpu.memref_slice %arg5[%multiple_of3A_750, %dma_wait3A_982] : memref<10000x128xf32, #tpu.memory_space<hbm>> -> memref<16x128xf32, #tpu.memory_space<hbm>>
      %dma_wait3A_984 = arith.constant 0 : i32
      %dma_wait3A_985 = arith.constant 0 : i32
      %dma_wait3A_986 = tpu.memref_slice %arg13[%dma_wait3A_975, %dma_wait3A_984, %dma_wait3A_985] : memref<20x16x128xf32, #tpu.memory_space<vmem>> -> memref<1x16x128xf32, #tpu.memory_space<vmem>>
      %dma_wait3A_987 = tpu.memref_squeeze %dma_wait3A_986 : memref<1x16x128xf32, #tpu.memory_space<vmem>> -> memref<16x128xf32, #tpu.memory_space<vmem>>
      tpu.wait_dma2 semaphore(%arg18 : memref<!tpu.dma_semaphore, #tpu.memory_space<semaphore_mem>>) src(%dma_wait3A_987 : memref<16x128xf32, #tpu.memory_space<vmem>>) dst(%dma_wait3A_983 : memref<16x128xf32, #tpu.memory_space<hbm>>)
    } else {
    }
    %mul3A_756 = arith.constant 320 : i32
    %mul3A_757 = arith.muli %add3A, %mul3A_756 : i32
    %add3A_758 = arith.constant 16 : i32
    %add3A_759 = arith.addi %mul3A_757, %add3A_758 : i32
    %multiple_of3A_760 = tpu.assume_multiple %add3A_759, 8 : i32
    %lt3A_761 = arith.constant 10000 : i32
    %lt3A_762 = arith.cmpi slt, %multiple_of3A_760, %lt3A_761 : i32
    %convert_element_type3A_763 = arith.extui %lt3A_762 : i1 to i32
    %cond3A_764 = arith.constant 0 : i32
    %cond3A_765 = arith.cmpi ne, %convert_element_type3A_763, %cond3A_764 : i32
    scf.if %cond3A_765 {
      %dma_wait3A_975 = arith.constant 1 : i32
      %dma_wait3A_976 = arith.constant 0 : i32
      %dma_wait3A_977 = arith.constant 0 : i32
      %dma_wait3A_978 = tpu.memref_slice %arg13[%dma_wait3A_975, %dma_wait3A_976, %dma_wait3A_977] : memref<20x16x128xf32, #tpu.memory_space<vmem>> -> memref<1x16x128xf32, #tpu.memory_space<vmem>>
      %dma_wait3A_979 = tpu.memref_squeeze %dma_wait3A_978 : memref<1x16x128xf32, #tpu.memory_space<vmem>> -> memref<16x128xf32, #tpu.memory_space<vmem>>
      %dma_wait3A_980 = arith.constant 0 : i32
      %dma_wait3A_981 = tpu.memref_slice %arg5[%multiple_of3A_760, %dma_wait3A_980] : memref<10000x128xf32, #tpu.memory_space<hbm>> -> memref<16x128xf32, #tpu.memory_space<hbm>>
      %dma_wait3A_982 = arith.constant 0 : i32
      %dma_wait3A_983 = tpu.memref_slice %arg5[%multiple_of3A_760, %dma_wait3A_982] : memref<10000x128xf32, #tpu.memory_space<hbm>> -> memref<16x128xf32, #tpu.memory_space<hbm>>
      %dma_wait3A_984 = arith.constant 0 : i32
      %dma_wait3A_985 = arith.constant 0 : i32
      %dma_wait3A_986 = tpu.memref_slice %arg13[%dma_wait3A_975, %dma_wait3A_984, %dma_wait3A_985] : memref<20x16x128xf32, #tpu.memory_space<vmem>> -> memref<1x16x128xf32, #tpu.memory_space<vmem>>
      %dma_wait3A_987 = tpu.memref_squeeze %dma_wait3A_986 : memref<1x16x128xf32, #tpu.memory_space<vmem>> -> memref<16x128xf32, #tpu.memory_space<vmem>>
      tpu.wait_dma2 semaphore(%arg18 : memref<!tpu.dma_semaphore, #tpu.memory_space<semaphore_mem>>) src(%dma_wait3A_987 : memref<16x128xf32, #tpu.memory_space<vmem>>) dst(%dma_wait3A_983 : memref<16x128xf32, #tpu.memory_space<hbm>>)
    } else {
    }
    %mul3A_766 = arith.constant 320 : i32
    %mul3A_767 = arith.muli %add3A, %mul3A_766 : i32
    %add3A_768 = arith.constant 32 : i32
    %add3A_769 = arith.addi %mul3A_767, %add3A_768 : i32
    %multiple_of3A_770 = tpu.assume_multiple %add3A_769, 8 : i32
    %lt3A_771 = arith.constant 10000 : i32
    %lt3A_772 = arith.cmpi slt, %multiple_of3A_770, %lt3A_771 : i32
    %convert_element_type3A_773 = arith.extui %lt3A_772 : i1 to i32
    %cond3A_774 = arith.constant 0 : i32
    %cond3A_775 = arith.cmpi ne, %convert_element_type3A_773, %cond3A_774 : i32
    scf.if %cond3A_775 {
      %dma_wait3A_975 = arith.constant 2 : i32
      %dma_wait3A_976 = arith.constant 0 : i32
      %dma_wait3A_977 = arith.constant 0 : i32
      %dma_wait3A_978 = tpu.memref_slice %arg13[%dma_wait3A_975, %dma_wait3A_976, %dma_wait3A_977] : memref<20x16x128xf32, #tpu.memory_space<vmem>> -> memref<1x16x128xf32, #tpu.memory_space<vmem>>
      %dma_wait3A_979 = tpu.memref_squeeze %dma_wait3A_978 : memref<1x16x128xf32, #tpu.memory_space<vmem>> -> memref<16x128xf32, #tpu.memory_space<vmem>>
      %dma_wait3A_980 = arith.constant 0 : i32
      %dma_wait3A_981 = tpu.memref_slice %arg5[%multiple_of3A_770, %dma_wait3A_980] : memref<10000x128xf32, #tpu.memory_space<hbm>> -> memref<16x128xf32, #tpu.memory_space<hbm>>
      %dma_wait3A_982 = arith.constant 0 : i32
      %dma_wait3A_983 = tpu.memref_slice %arg5[%multiple_of3A_770, %dma_wait3A_982] : memref<10000x128xf32, #tpu.memory_space<hbm>> -> memref<16x128xf32, #tpu.memory_space<hbm>>
      %dma_wait3A_984 = arith.constant 0 : i32
      %dma_wait3A_985 = arith.constant 0 : i32
      %dma_wait3A_986 = tpu.memref_slice %arg13[%dma_wait3A_975, %dma_wait3A_984, %dma_wait3A_985] : memref<20x16x128xf32, #tpu.memory_space<vmem>> -> memref<1x16x128xf32, #tpu.memory_space<vmem>>
      %dma_wait3A_987 = tpu.memref_squeeze %dma_wait3A_986 : memref<1x16x128xf32, #tpu.memory_space<vmem>> -> memref<16x128xf32, #tpu.memory_space<vmem>>
      tpu.wait_dma2 semaphore(%arg18 : memref<!tpu.dma_semaphore, #tpu.memory_space<semaphore_mem>>) src(%dma_wait3A_987 : memref<16x128xf32, #tpu.memory_space<vmem>>) dst(%dma_wait3A_983 : memref<16x128xf32, #tpu.memory_space<hbm>>)
    } else {
    }
    %mul3A_776 = arith.constant 320 : i32
    %mul3A_777 = arith.muli %add3A, %mul3A_776 : i32
    %add3A_778 = arith.constant 48 : i32
    %add3A_779 = arith.addi %mul3A_777, %add3A_778 : i32
    %multiple_of3A_780 = tpu.assume_multiple %add3A_779, 8 : i32
    %lt3A_781 = arith.constant 10000 : i32
    %lt3A_782 = arith.cmpi slt, %multiple_of3A_780, %lt3A_781 : i32
    %convert_element_type3A_783 = arith.extui %lt3A_782 : i1 to i32
    %cond3A_784 = arith.constant 0 : i32
    %cond3A_785 = arith.cmpi ne, %convert_element_type3A_783, %cond3A_784 : i32
    scf.if %cond3A_785 {
      %dma_wait3A_975 = arith.constant 3 : i32
      %dma_wait3A_976 = arith.constant 0 : i32
      %dma_wait3A_977 = arith.constant 0 : i32
      %dma_wait3A_978 = tpu.memref_slice %arg13[%dma_wait3A_975, %dma_wait3A_976, %dma_wait3A_977] : memref<20x16x128xf32, #tpu.memory_space<vmem>> -> memref<1x16x128xf32, #tpu.memory_space<vmem>>
      %dma_wait3A_979 = tpu.memref_squeeze %dma_wait3A_978 : memref<1x16x128xf32, #tpu.memory_space<vmem>> -> memref<16x128xf32, #tpu.memory_space<vmem>>
      %dma_wait3A_980 = arith.constant 0 : i32
      %dma_wait3A_981 = tpu.memref_slice %arg5[%multiple_of3A_780, %dma_wait3A_980] : memref<10000x128xf32, #tpu.memory_space<hbm>> -> memref<16x128xf32, #tpu.memory_space<hbm>>
      %dma_wait3A_982 = arith.constant 0 : i32
      %dma_wait3A_983 = tpu.memref_slice %arg5[%multiple_of3A_780, %dma_wait3A_982] : memref<10000x128xf32, #tpu.memory_space<hbm>> -> memref<16x128xf32, #tpu.memory_space<hbm>>
      %dma_wait3A_984 = arith.constant 0 : i32
      %dma_wait3A_985 = arith.constant 0 : i32
      %dma_wait3A_986 = tpu.memref_slice %arg13[%dma_wait3A_975, %dma_wait3A_984, %dma_wait3A_985] : memref<20x16x128xf32, #tpu.memory_space<vmem>> -> memref<1x16x128xf32, #tpu.memory_space<vmem>>
      %dma_wait3A_987 = tpu.memref_squeeze %dma_wait3A_986 : memref<1x16x128xf32, #tpu.memory_space<vmem>> -> memref<16x128xf32, #tpu.memory_space<vmem>>
      tpu.wait_dma2 semaphore(%arg18 : memref<!tpu.dma_semaphore, #tpu.memory_space<semaphore_mem>>) src(%dma_wait3A_987 : memref<16x128xf32, #tpu.memory_space<vmem>>) dst(%dma_wait3A_983 : memref<16x128xf32, #tpu.memory_space<hbm>>)
    } else {
    }
    %mul3A_786 = arith.constant 320 : i32
    %mul3A_787 = arith.muli %add3A, %mul3A_786 : i32
    %add3A_788 = arith.constant 64 : i32
    %add3A_789 = arith.addi %mul3A_787, %add3A_788 : i32
    %multiple_of3A_790 = tpu.assume_multiple %add3A_789, 8 : i32
    %lt3A_791 = arith.constant 10000 : i32
    %lt3A_792 = arith.cmpi slt, %multiple_of3A_790, %lt3A_791 : i32
    %convert_element_type3A_793 = arith.extui %lt3A_792 : i1 to i32
    %cond3A_794 = arith.constant 0 : i32
    %cond3A_795 = arith.cmpi ne, %convert_element_type3A_793, %cond3A_794 : i32
    scf.if %cond3A_795 {
      %dma_wait3A_975 = arith.constant 4 : i32
      %dma_wait3A_976 = arith.constant 0 : i32
      %dma_wait3A_977 = arith.constant 0 : i32
      %dma_wait3A_978 = tpu.memref_slice %arg13[%dma_wait3A_975, %dma_wait3A_976, %dma_wait3A_977] : memref<20x16x128xf32, #tpu.memory_space<vmem>> -> memref<1x16x128xf32, #tpu.memory_space<vmem>>
      %dma_wait3A_979 = tpu.memref_squeeze %dma_wait3A_978 : memref<1x16x128xf32, #tpu.memory_space<vmem>> -> memref<16x128xf32, #tpu.memory_space<vmem>>
      %dma_wait3A_980 = arith.constant 0 : i32
      %dma_wait3A_981 = tpu.memref_slice %arg5[%multiple_of3A_790, %dma_wait3A_980] : memref<10000x128xf32, #tpu.memory_space<hbm>> -> memref<16x128xf32, #tpu.memory_space<hbm>>
      %dma_wait3A_982 = arith.constant 0 : i32
      %dma_wait3A_983 = tpu.memref_slice %arg5[%multiple_of3A_790, %dma_wait3A_982] : memref<10000x128xf32, #tpu.memory_space<hbm>> -> memref<16x128xf32, #tpu.memory_space<hbm>>
      %dma_wait3A_984 = arith.constant 0 : i32
      %dma_wait3A_985 = arith.constant 0 : i32
      %dma_wait3A_986 = tpu.memref_slice %arg13[%dma_wait3A_975, %dma_wait3A_984, %dma_wait3A_985] : memref<20x16x128xf32, #tpu.memory_space<vmem>> -> memref<1x16x128xf32, #tpu.memory_space<vmem>>
      %dma_wait3A_987 = tpu.memref_squeeze %dma_wait3A_986 : memref<1x16x128xf32, #tpu.memory_space<vmem>> -> memref<16x128xf32, #tpu.memory_space<vmem>>
      tpu.wait_dma2 semaphore(%arg18 : memref<!tpu.dma_semaphore, #tpu.memory_space<semaphore_mem>>) src(%dma_wait3A_987 : memref<16x128xf32, #tpu.memory_space<vmem>>) dst(%dma_wait3A_983 : memref<16x128xf32, #tpu.memory_space<hbm>>)
    } else {
    }
    %mul3A_796 = arith.constant 320 : i32
    %mul3A_797 = arith.muli %add3A, %mul3A_796 : i32
    %add3A_798 = arith.constant 80 : i32
    %add3A_799 = arith.addi %mul3A_797, %add3A_798 : i32
    %multiple_of3A_800 = tpu.assume_multiple %add3A_799, 8 : i32
    %lt3A_801 = arith.constant 10000 : i32
    %lt3A_802 = arith.cmpi slt, %multiple_of3A_800, %lt3A_801 : i32
    %convert_element_type3A_803 = arith.extui %lt3A_802 : i1 to i32
    %cond3A_804 = arith.constant 0 : i32
    %cond3A_805 = arith.cmpi ne, %convert_element_type3A_803, %cond3A_804 : i32
    scf.if %cond3A_805 {
      %dma_wait3A_975 = arith.constant 5 : i32
      %dma_wait3A_976 = arith.constant 0 : i32
      %dma_wait3A_977 = arith.constant 0 : i32
      %dma_wait3A_978 = tpu.memref_slice %arg13[%dma_wait3A_975, %dma_wait3A_976, %dma_wait3A_977] : memref<20x16x128xf32, #tpu.memory_space<vmem>> -> memref<1x16x128xf32, #tpu.memory_space<vmem>>
      %dma_wait3A_979 = tpu.memref_squeeze %dma_wait3A_978 : memref<1x16x128xf32, #tpu.memory_space<vmem>> -> memref<16x128xf32, #tpu.memory_space<vmem>>
      %dma_wait3A_980 = arith.constant 0 : i32
      %dma_wait3A_981 = tpu.memref_slice %arg5[%multiple_of3A_800, %dma_wait3A_980] : memref<10000x128xf32, #tpu.memory_space<hbm>> -> memref<16x128xf32, #tpu.memory_space<hbm>>
      %dma_wait3A_982 = arith.constant 0 : i32
      %dma_wait3A_983 = tpu.memref_slice %arg5[%multiple_of3A_800, %dma_wait3A_982] : memref<10000x128xf32, #tpu.memory_space<hbm>> -> memref<16x128xf32, #tpu.memory_space<hbm>>
      %dma_wait3A_984 = arith.constant 0 : i32
      %dma_wait3A_985 = arith.constant 0 : i32
      %dma_wait3A_986 = tpu.memref_slice %arg13[%dma_wait3A_975, %dma_wait3A_984, %dma_wait3A_985] : memref<20x16x128xf32, #tpu.memory_space<vmem>> -> memref<1x16x128xf32, #tpu.memory_space<vmem>>
      %dma_wait3A_987 = tpu.memref_squeeze %dma_wait3A_986 : memref<1x16x128xf32, #tpu.memory_space<vmem>> -> memref<16x128xf32, #tpu.memory_space<vmem>>
      tpu.wait_dma2 semaphore(%arg18 : memref<!tpu.dma_semaphore, #tpu.memory_space<semaphore_mem>>) src(%dma_wait3A_987 : memref<16x128xf32, #tpu.memory_space<vmem>>) dst(%dma_wait3A_983 : memref<16x128xf32, #tpu.memory_space<hbm>>)
    } else {
    }
    %mul3A_806 = arith.constant 320 : i32
    %mul3A_807 = arith.muli %add3A, %mul3A_806 : i32
    %add3A_808 = arith.constant 96 : i32
    %add3A_809 = arith.addi %mul3A_807, %add3A_808 : i32
    %multiple_of3A_810 = tpu.assume_multiple %add3A_809, 8 : i32
    %lt3A_811 = arith.constant 10000 : i32
    %lt3A_812 = arith.cmpi slt, %multiple_of3A_810, %lt3A_811 : i32
    %convert_element_type3A_813 = arith.extui %lt3A_812 : i1 to i32
    %cond3A_814 = arith.constant 0 : i32
    %cond3A_815 = arith.cmpi ne, %convert_element_type3A_813, %cond3A_814 : i32
    scf.if %cond3A_815 {
      %dma_wait3A_975 = arith.constant 6 : i32
      %dma_wait3A_976 = arith.constant 0 : i32
      %dma_wait3A_977 = arith.constant 0 : i32
      %dma_wait3A_978 = tpu.memref_slice %arg13[%dma_wait3A_975, %dma_wait3A_976, %dma_wait3A_977] : memref<20x16x128xf32, #tpu.memory_space<vmem>> -> memref<1x16x128xf32, #tpu.memory_space<vmem>>
      %dma_wait3A_979 = tpu.memref_squeeze %dma_wait3A_978 : memref<1x16x128xf32, #tpu.memory_space<vmem>> -> memref<16x128xf32, #tpu.memory_space<vmem>>
      %dma_wait3A_980 = arith.constant 0 : i32
      %dma_wait3A_981 = tpu.memref_slice %arg5[%multiple_of3A_810, %dma_wait3A_980] : memref<10000x128xf32, #tpu.memory_space<hbm>> -> memref<16x128xf32, #tpu.memory_space<hbm>>
      %dma_wait3A_982 = arith.constant 0 : i32
      %dma_wait3A_983 = tpu.memref_slice %arg5[%multiple_of3A_810, %dma_wait3A_982] : memref<10000x128xf32, #tpu.memory_space<hbm>> -> memref<16x128xf32, #tpu.memory_space<hbm>>
      %dma_wait3A_984 = arith.constant 0 : i32
      %dma_wait3A_985 = arith.constant 0 : i32
      %dma_wait3A_986 = tpu.memref_slice %arg13[%dma_wait3A_975, %dma_wait3A_984, %dma_wait3A_985] : memref<20x16x128xf32, #tpu.memory_space<vmem>> -> memref<1x16x128xf32, #tpu.memory_space<vmem>>
      %dma_wait3A_987 = tpu.memref_squeeze %dma_wait3A_986 : memref<1x16x128xf32, #tpu.memory_space<vmem>> -> memref<16x128xf32, #tpu.memory_space<vmem>>
      tpu.wait_dma2 semaphore(%arg18 : memref<!tpu.dma_semaphore, #tpu.memory_space<semaphore_mem>>) src(%dma_wait3A_987 : memref<16x128xf32, #tpu.memory_space<vmem>>) dst(%dma_wait3A_983 : memref<16x128xf32, #tpu.memory_space<hbm>>)
    } else {
    }
    %mul3A_816 = arith.constant 320 : i32
    %mul3A_817 = arith.muli %add3A, %mul3A_816 : i32
    %add3A_818 = arith.constant 112 : i32
    %add3A_819 = arith.addi %mul3A_817, %add3A_818 : i32
    %multiple_of3A_820 = tpu.assume_multiple %add3A_819, 8 : i32
    %lt3A_821 = arith.constant 10000 : i32
    %lt3A_822 = arith.cmpi slt, %multiple_of3A_820, %lt3A_821 : i32
    %convert_element_type3A_823 = arith.extui %lt3A_822 : i1 to i32
    %cond3A_824 = arith.constant 0 : i32
    %cond3A_825 = arith.cmpi ne, %convert_element_type3A_823, %cond3A_824 : i32
    scf.if %cond3A_825 {
      %dma_wait3A_975 = arith.constant 7 : i32
      %dma_wait3A_976 = arith.constant 0 : i32
      %dma_wait3A_977 = arith.constant 0 : i32
      %dma_wait3A_978 = tpu.memref_slice %arg13[%dma_wait3A_975, %dma_wait3A_976, %dma_wait3A_977] : memref<20x16x128xf32, #tpu.memory_space<vmem>> -> memref<1x16x128xf32, #tpu.memory_space<vmem>>
      %dma_wait3A_979 = tpu.memref_squeeze %dma_wait3A_978 : memref<1x16x128xf32, #tpu.memory_space<vmem>> -> memref<16x128xf32, #tpu.memory_space<vmem>>
      %dma_wait3A_980 = arith.constant 0 : i32
      %dma_wait3A_981 = tpu.memref_slice %arg5[%multiple_of3A_820, %dma_wait3A_980] : memref<10000x128xf32, #tpu.memory_space<hbm>> -> memref<16x128xf32, #tpu.memory_space<hbm>>
      %dma_wait3A_982 = arith.constant 0 : i32
      %dma_wait3A_983 = tpu.memref_slice %arg5[%multiple_of3A_820, %dma_wait3A_982] : memref<10000x128xf32, #tpu.memory_space<hbm>> -> memref<16x128xf32, #tpu.memory_space<hbm>>
      %dma_wait3A_984 = arith.constant 0 : i32
      %dma_wait3A_985 = arith.constant 0 : i32
      %dma_wait3A_986 = tpu.memref_slice %arg13[%dma_wait3A_975, %dma_wait3A_984, %dma_wait3A_985] : memref<20x16x128xf32, #tpu.memory_space<vmem>> -> memref<1x16x128xf32, #tpu.memory_space<vmem>>
      %dma_wait3A_987 = tpu.memref_squeeze %dma_wait3A_986 : memref<1x16x128xf32, #tpu.memory_space<vmem>> -> memref<16x128xf32, #tpu.memory_space<vmem>>
      tpu.wait_dma2 semaphore(%arg18 : memref<!tpu.dma_semaphore, #tpu.memory_space<semaphore_mem>>) src(%dma_wait3A_987 : memref<16x128xf32, #tpu.memory_space<vmem>>) dst(%dma_wait3A_983 : memref<16x128xf32, #tpu.memory_space<hbm>>)
    } else {
    }
    %mul3A_826 = arith.constant 320 : i32
    %mul3A_827 = arith.muli %add3A, %mul3A_826 : i32
    %add3A_828 = arith.constant 128 : i32
    %add3A_829 = arith.addi %mul3A_827, %add3A_828 : i32
    %multiple_of3A_830 = tpu.assume_multiple %add3A_829, 8 : i32
    %lt3A_831 = arith.constant 10000 : i32
    %lt3A_832 = arith.cmpi slt, %multiple_of3A_830, %lt3A_831 : i32
    %convert_element_type3A_833 = arith.extui %lt3A_832 : i1 to i32
    %cond3A_834 = arith.constant 0 : i32
    %cond3A_835 = arith.cmpi ne, %convert_element_type3A_833, %cond3A_834 : i32
    scf.if %cond3A_835 {
      %dma_wait3A_975 = arith.constant 8 : i32
      %dma_wait3A_976 = arith.constant 0 : i32
      %dma_wait3A_977 = arith.constant 0 : i32
      %dma_wait3A_978 = tpu.memref_slice %arg13[%dma_wait3A_975, %dma_wait3A_976, %dma_wait3A_977] : memref<20x16x128xf32, #tpu.memory_space<vmem>> -> memref<1x16x128xf32, #tpu.memory_space<vmem>>
      %dma_wait3A_979 = tpu.memref_squeeze %dma_wait3A_978 : memref<1x16x128xf32, #tpu.memory_space<vmem>> -> memref<16x128xf32, #tpu.memory_space<vmem>>
      %dma_wait3A_980 = arith.constant 0 : i32
      %dma_wait3A_981 = tpu.memref_slice %arg5[%multiple_of3A_830, %dma_wait3A_980] : memref<10000x128xf32, #tpu.memory_space<hbm>> -> memref<16x128xf32, #tpu.memory_space<hbm>>
      %dma_wait3A_982 = arith.constant 0 : i32
      %dma_wait3A_983 = tpu.memref_slice %arg5[%multiple_of3A_830, %dma_wait3A_982] : memref<10000x128xf32, #tpu.memory_space<hbm>> -> memref<16x128xf32, #tpu.memory_space<hbm>>
      %dma_wait3A_984 = arith.constant 0 : i32
      %dma_wait3A_985 = arith.constant 0 : i32
      %dma_wait3A_986 = tpu.memref_slice %arg13[%dma_wait3A_975, %dma_wait3A_984, %dma_wait3A_985] : memref<20x16x128xf32, #tpu.memory_space<vmem>> -> memref<1x16x128xf32, #tpu.memory_space<vmem>>
      %dma_wait3A_987 = tpu.memref_squeeze %dma_wait3A_986 : memref<1x16x128xf32, #tpu.memory_space<vmem>> -> memref<16x128xf32, #tpu.memory_space<vmem>>
      tpu.wait_dma2 semaphore(%arg18 : memref<!tpu.dma_semaphore, #tpu.memory_space<semaphore_mem>>) src(%dma_wait3A_987 : memref<16x128xf32, #tpu.memory_space<vmem>>) dst(%dma_wait3A_983 : memref<16x128xf32, #tpu.memory_space<hbm>>)
    } else {
    }
    %mul3A_836 = arith.constant 320 : i32
    %mul3A_837 = arith.muli %add3A, %mul3A_836 : i32
    %add3A_838 = arith.constant 144 : i32
    %add3A_839 = arith.addi %mul3A_837, %add3A_838 : i32
    %multiple_of3A_840 = tpu.assume_multiple %add3A_839, 8 : i32
    %lt3A_841 = arith.constant 10000 : i32
    %lt3A_842 = arith.cmpi slt, %multiple_of3A_840, %lt3A_841 : i32
    %convert_element_type3A_843 = arith.extui %lt3A_842 : i1 to i32
    %cond3A_844 = arith.constant 0 : i32
    %cond3A_845 = arith.cmpi ne, %convert_element_type3A_843, %cond3A_844 : i32
    scf.if %cond3A_845 {
      %dma_wait3A_975 = arith.constant 9 : i32
      %dma_wait3A_976 = arith.constant 0 : i32
      %dma_wait3A_977 = arith.constant 0 : i32
      %dma_wait3A_978 = tpu.memref_slice %arg13[%dma_wait3A_975, %dma_wait3A_976, %dma_wait3A_977] : memref<20x16x128xf32, #tpu.memory_space<vmem>> -> memref<1x16x128xf32, #tpu.memory_space<vmem>>
      %dma_wait3A_979 = tpu.memref_squeeze %dma_wait3A_978 : memref<1x16x128xf32, #tpu.memory_space<vmem>> -> memref<16x128xf32, #tpu.memory_space<vmem>>
      %dma_wait3A_980 = arith.constant 0 : i32
      %dma_wait3A_981 = tpu.memref_slice %arg5[%multiple_of3A_840, %dma_wait3A_980] : memref<10000x128xf32, #tpu.memory_space<hbm>> -> memref<16x128xf32, #tpu.memory_space<hbm>>
      %dma_wait3A_982 = arith.constant 0 : i32
      %dma_wait3A_983 = tpu.memref_slice %arg5[%multiple_of3A_840, %dma_wait3A_982] : memref<10000x128xf32, #tpu.memory_space<hbm>> -> memref<16x128xf32, #tpu.memory_space<hbm>>
      %dma_wait3A_984 = arith.constant 0 : i32
      %dma_wait3A_985 = arith.constant 0 : i32
      %dma_wait3A_986 = tpu.memref_slice %arg13[%dma_wait3A_975, %dma_wait3A_984, %dma_wait3A_985] : memref<20x16x128xf32, #tpu.memory_space<vmem>> -> memref<1x16x128xf32, #tpu.memory_space<vmem>>
      %dma_wait3A_987 = tpu.memref_squeeze %dma_wait3A_986 : memref<1x16x128xf32, #tpu.memory_space<vmem>> -> memref<16x128xf32, #tpu.memory_space<vmem>>
      tpu.wait_dma2 semaphore(%arg18 : memref<!tpu.dma_semaphore, #tpu.memory_space<semaphore_mem>>) src(%dma_wait3A_987 : memref<16x128xf32, #tpu.memory_space<vmem>>) dst(%dma_wait3A_983 : memref<16x128xf32, #tpu.memory_space<hbm>>)
    } else {
    }
    %mul3A_846 = arith.constant 320 : i32
    %mul3A_847 = arith.muli %add3A, %mul3A_846 : i32
    %add3A_848 = arith.constant 160 : i32
    %add3A_849 = arith.addi %mul3A_847, %add3A_848 : i32
    %multiple_of3A_850 = tpu.assume_multiple %add3A_849, 8 : i32
    %lt3A_851 = arith.constant 10000 : i32
    %lt3A_852 = arith.cmpi slt, %multiple_of3A_850, %lt3A_851 : i32
    %convert_element_type3A_853 = arith.extui %lt3A_852 : i1 to i32
    %cond3A_854 = arith.constant 0 : i32
    %cond3A_855 = arith.cmpi ne, %convert_element_type3A_853, %cond3A_854 : i32
    scf.if %cond3A_855 {
      %dma_wait3A_975 = arith.constant 10 : i32
      %dma_wait3A_976 = arith.constant 0 : i32
      %dma_wait3A_977 = arith.constant 0 : i32
      %dma_wait3A_978 = tpu.memref_slice %arg13[%dma_wait3A_975, %dma_wait3A_976, %dma_wait3A_977] : memref<20x16x128xf32, #tpu.memory_space<vmem>> -> memref<1x16x128xf32, #tpu.memory_space<vmem>>
      %dma_wait3A_979 = tpu.memref_squeeze %dma_wait3A_978 : memref<1x16x128xf32, #tpu.memory_space<vmem>> -> memref<16x128xf32, #tpu.memory_space<vmem>>
      %dma_wait3A_980 = arith.constant 0 : i32
      %dma_wait3A_981 = tpu.memref_slice %arg5[%multiple_of3A_850, %dma_wait3A_980] : memref<10000x128xf32, #tpu.memory_space<hbm>> -> memref<16x128xf32, #tpu.memory_space<hbm>>
      %dma_wait3A_982 = arith.constant 0 : i32
      %dma_wait3A_983 = tpu.memref_slice %arg5[%multiple_of3A_850, %dma_wait3A_982] : memref<10000x128xf32, #tpu.memory_space<hbm>> -> memref<16x128xf32, #tpu.memory_space<hbm>>
      %dma_wait3A_984 = arith.constant 0 : i32
      %dma_wait3A_985 = arith.constant 0 : i32
      %dma_wait3A_986 = tpu.memref_slice %arg13[%dma_wait3A_975, %dma_wait3A_984, %dma_wait3A_985] : memref<20x16x128xf32, #tpu.memory_space<vmem>> -> memref<1x16x128xf32, #tpu.memory_space<vmem>>
      %dma_wait3A_987 = tpu.memref_squeeze %dma_wait3A_986 : memref<1x16x128xf32, #tpu.memory_space<vmem>> -> memref<16x128xf32, #tpu.memory_space<vmem>>
      tpu.wait_dma2 semaphore(%arg18 : memref<!tpu.dma_semaphore, #tpu.memory_space<semaphore_mem>>) src(%dma_wait3A_987 : memref<16x128xf32, #tpu.memory_space<vmem>>) dst(%dma_wait3A_983 : memref<16x128xf32, #tpu.memory_space<hbm>>)
    } else {
    }
    %mul3A_856 = arith.constant 320 : i32
    %mul3A_857 = arith.muli %add3A, %mul3A_856 : i32
    %add3A_858 = arith.constant 176 : i32
    %add3A_859 = arith.addi %mul3A_857, %add3A_858 : i32
    %multiple_of3A_860 = tpu.assume_multiple %add3A_859, 8 : i32
    %lt3A_861 = arith.constant 10000 : i32
    %lt3A_862 = arith.cmpi slt, %multiple_of3A_860, %lt3A_861 : i32
    %convert_element_type3A_863 = arith.extui %lt3A_862 : i1 to i32
    %cond3A_864 = arith.constant 0 : i32
    %cond3A_865 = arith.cmpi ne, %convert_element_type3A_863, %cond3A_864 : i32
    scf.if %cond3A_865 {
      %dma_wait3A_975 = arith.constant 11 : i32
      %dma_wait3A_976 = arith.constant 0 : i32
      %dma_wait3A_977 = arith.constant 0 : i32
      %dma_wait3A_978 = tpu.memref_slice %arg13[%dma_wait3A_975, %dma_wait3A_976, %dma_wait3A_977] : memref<20x16x128xf32, #tpu.memory_space<vmem>> -> memref<1x16x128xf32, #tpu.memory_space<vmem>>
      %dma_wait3A_979 = tpu.memref_squeeze %dma_wait3A_978 : memref<1x16x128xf32, #tpu.memory_space<vmem>> -> memref<16x128xf32, #tpu.memory_space<vmem>>
      %dma_wait3A_980 = arith.constant 0 : i32
      %dma_wait3A_981 = tpu.memref_slice %arg5[%multiple_of3A_860, %dma_wait3A_980] : memref<10000x128xf32, #tpu.memory_space<hbm>> -> memref<16x128xf32, #tpu.memory_space<hbm>>
      %dma_wait3A_982 = arith.constant 0 : i32
      %dma_wait3A_983 = tpu.memref_slice %arg5[%multiple_of3A_860, %dma_wait3A_982] : memref<10000x128xf32, #tpu.memory_space<hbm>> -> memref<16x128xf32, #tpu.memory_space<hbm>>
      %dma_wait3A_984 = arith.constant 0 : i32
      %dma_wait3A_985 = arith.constant 0 : i32
      %dma_wait3A_986 = tpu.memref_slice %arg13[%dma_wait3A_975, %dma_wait3A_984, %dma_wait3A_985] : memref<20x16x128xf32, #tpu.memory_space<vmem>> -> memref<1x16x128xf32, #tpu.memory_space<vmem>>
      %dma_wait3A_987 = tpu.memref_squeeze %dma_wait3A_986 : memref<1x16x128xf32, #tpu.memory_space<vmem>> -> memref<16x128xf32, #tpu.memory_space<vmem>>
      tpu.wait_dma2 semaphore(%arg18 : memref<!tpu.dma_semaphore, #tpu.memory_space<semaphore_mem>>) src(%dma_wait3A_987 : memref<16x128xf32, #tpu.memory_space<vmem>>) dst(%dma_wait3A_983 : memref<16x128xf32, #tpu.memory_space<hbm>>)
    } else {
    }
    %mul3A_866 = arith.constant 320 : i32
    %mul3A_867 = arith.muli %add3A, %mul3A_866 : i32
    %add3A_868 = arith.constant 192 : i32
    %add3A_869 = arith.addi %mul3A_867, %add3A_868 : i32
    %multiple_of3A_870 = tpu.assume_multiple %add3A_869, 8 : i32
    %lt3A_871 = arith.constant 10000 : i32
    %lt3A_872 = arith.cmpi slt, %multiple_of3A_870, %lt3A_871 : i32
    %convert_element_type3A_873 = arith.extui %lt3A_872 : i1 to i32
    %cond3A_874 = arith.constant 0 : i32
    %cond3A_875 = arith.cmpi ne, %convert_element_type3A_873, %cond3A_874 : i32
    scf.if %cond3A_875 {
      %dma_wait3A_975 = arith.constant 12 : i32
      %dma_wait3A_976 = arith.constant 0 : i32
      %dma_wait3A_977 = arith.constant 0 : i32
      %dma_wait3A_978 = tpu.memref_slice %arg13[%dma_wait3A_975, %dma_wait3A_976, %dma_wait3A_977] : memref<20x16x128xf32, #tpu.memory_space<vmem>> -> memref<1x16x128xf32, #tpu.memory_space<vmem>>
      %dma_wait3A_979 = tpu.memref_squeeze %dma_wait3A_978 : memref<1x16x128xf32, #tpu.memory_space<vmem>> -> memref<16x128xf32, #tpu.memory_space<vmem>>
      %dma_wait3A_980 = arith.constant 0 : i32
      %dma_wait3A_981 = tpu.memref_slice %arg5[%multiple_of3A_870, %dma_wait3A_980] : memref<10000x128xf32, #tpu.memory_space<hbm>> -> memref<16x128xf32, #tpu.memory_space<hbm>>
      %dma_wait3A_982 = arith.constant 0 : i32
      %dma_wait3A_983 = tpu.memref_slice %arg5[%multiple_of3A_870, %dma_wait3A_982] : memref<10000x128xf32, #tpu.memory_space<hbm>> -> memref<16x128xf32, #tpu.memory_space<hbm>>
      %dma_wait3A_984 = arith.constant 0 : i32
      %dma_wait3A_985 = arith.constant 0 : i32
      %dma_wait3A_986 = tpu.memref_slice %arg13[%dma_wait3A_975, %dma_wait3A_984, %dma_wait3A_985] : memref<20x16x128xf32, #tpu.memory_space<vmem>> -> memref<1x16x128xf32, #tpu.memory_space<vmem>>
      %dma_wait3A_987 = tpu.memref_squeeze %dma_wait3A_986 : memref<1x16x128xf32, #tpu.memory_space<vmem>> -> memref<16x128xf32, #tpu.memory_space<vmem>>
      tpu.wait_dma2 semaphore(%arg18 : memref<!tpu.dma_semaphore, #tpu.memory_space<semaphore_mem>>) src(%dma_wait3A_987 : memref<16x128xf32, #tpu.memory_space<vmem>>) dst(%dma_wait3A_983 : memref<16x128xf32, #tpu.memory_space<hbm>>)
    } else {
    }
    %mul3A_876 = arith.constant 320 : i32
    %mul3A_877 = arith.muli %add3A, %mul3A_876 : i32
    %add3A_878 = arith.constant 208 : i32
    %add3A_879 = arith.addi %mul3A_877, %add3A_878 : i32
    %multiple_of3A_880 = tpu.assume_multiple %add3A_879, 8 : i32
    %lt3A_881 = arith.constant 10000 : i32
    %lt3A_882 = arith.cmpi slt, %multiple_of3A_880, %lt3A_881 : i32
    %convert_element_type3A_883 = arith.extui %lt3A_882 : i1 to i32
    %cond3A_884 = arith.constant 0 : i32
    %cond3A_885 = arith.cmpi ne, %convert_element_type3A_883, %cond3A_884 : i32
    scf.if %cond3A_885 {
      %dma_wait3A_975 = arith.constant 13 : i32
      %dma_wait3A_976 = arith.constant 0 : i32
      %dma_wait3A_977 = arith.constant 0 : i32
      %dma_wait3A_978 = tpu.memref_slice %arg13[%dma_wait3A_975, %dma_wait3A_976, %dma_wait3A_977] : memref<20x16x128xf32, #tpu.memory_space<vmem>> -> memref<1x16x128xf32, #tpu.memory_space<vmem>>
      %dma_wait3A_979 = tpu.memref_squeeze %dma_wait3A_978 : memref<1x16x128xf32, #tpu.memory_space<vmem>> -> memref<16x128xf32, #tpu.memory_space<vmem>>
      %dma_wait3A_980 = arith.constant 0 : i32
      %dma_wait3A_981 = tpu.memref_slice %arg5[%multiple_of3A_880, %dma_wait3A_980] : memref<10000x128xf32, #tpu.memory_space<hbm>> -> memref<16x128xf32, #tpu.memory_space<hbm>>
      %dma_wait3A_982 = arith.constant 0 : i32
      %dma_wait3A_983 = tpu.memref_slice %arg5[%multiple_of3A_880, %dma_wait3A_982] : memref<10000x128xf32, #tpu.memory_space<hbm>> -> memref<16x128xf32, #tpu.memory_space<hbm>>
      %dma_wait3A_984 = arith.constant 0 : i32
      %dma_wait3A_985 = arith.constant 0 : i32
      %dma_wait3A_986 = tpu.memref_slice %arg13[%dma_wait3A_975, %dma_wait3A_984, %dma_wait3A_985] : memref<20x16x128xf32, #tpu.memory_space<vmem>> -> memref<1x16x128xf32, #tpu.memory_space<vmem>>
      %dma_wait3A_987 = tpu.memref_squeeze %dma_wait3A_986 : memref<1x16x128xf32, #tpu.memory_space<vmem>> -> memref<16x128xf32, #tpu.memory_space<vmem>>
      tpu.wait_dma2 semaphore(%arg18 : memref<!tpu.dma_semaphore, #tpu.memory_space<semaphore_mem>>) src(%dma_wait3A_987 : memref<16x128xf32, #tpu.memory_space<vmem>>) dst(%dma_wait3A_983 : memref<16x128xf32, #tpu.memory_space<hbm>>)
    } else {
    }
    %mul3A_886 = arith.constant 320 : i32
    %mul3A_887 = arith.muli %add3A, %mul3A_886 : i32
    %add3A_888 = arith.constant 224 : i32
    %add3A_889 = arith.addi %mul3A_887, %add3A_888 : i32
    %multiple_of3A_890 = tpu.assume_multiple %add3A_889, 8 : i32
    %lt3A_891 = arith.constant 10000 : i32
    %lt3A_892 = arith.cmpi slt, %multiple_of3A_890, %lt3A_891 : i32
    %convert_element_type3A_893 = arith.extui %lt3A_892 : i1 to i32
    %cond3A_894 = arith.constant 0 : i32
    %cond3A_895 = arith.cmpi ne, %convert_element_type3A_893, %cond3A_894 : i32
    scf.if %cond3A_895 {
      %dma_wait3A_975 = arith.constant 14 : i32
      %dma_wait3A_976 = arith.constant 0 : i32
      %dma_wait3A_977 = arith.constant 0 : i32
      %dma_wait3A_978 = tpu.memref_slice %arg13[%dma_wait3A_975, %dma_wait3A_976, %dma_wait3A_977] : memref<20x16x128xf32, #tpu.memory_space<vmem>> -> memref<1x16x128xf32, #tpu.memory_space<vmem>>
      %dma_wait3A_979 = tpu.memref_squeeze %dma_wait3A_978 : memref<1x16x128xf32, #tpu.memory_space<vmem>> -> memref<16x128xf32, #tpu.memory_space<vmem>>
      %dma_wait3A_980 = arith.constant 0 : i32
      %dma_wait3A_981 = tpu.memref_slice %arg5[%multiple_of3A_890, %dma_wait3A_980] : memref<10000x128xf32, #tpu.memory_space<hbm>> -> memref<16x128xf32, #tpu.memory_space<hbm>>
      %dma_wait3A_982 = arith.constant 0 : i32
      %dma_wait3A_983 = tpu.memref_slice %arg5[%multiple_of3A_890, %dma_wait3A_982] : memref<10000x128xf32, #tpu.memory_space<hbm>> -> memref<16x128xf32, #tpu.memory_space<hbm>>
      %dma_wait3A_984 = arith.constant 0 : i32
      %dma_wait3A_985 = arith.constant 0 : i32
      %dma_wait3A_986 = tpu.memref_slice %arg13[%dma_wait3A_975, %dma_wait3A_984, %dma_wait3A_985] : memref<20x16x128xf32, #tpu.memory_space<vmem>> -> memref<1x16x128xf32, #tpu.memory_space<vmem>>
      %dma_wait3A_987 = tpu.memref_squeeze %dma_wait3A_986 : memref<1x16x128xf32, #tpu.memory_space<vmem>> -> memref<16x128xf32, #tpu.memory_space<vmem>>
      tpu.wait_dma2 semaphore(%arg18 : memref<!tpu.dma_semaphore, #tpu.memory_space<semaphore_mem>>) src(%dma_wait3A_987 : memref<16x128xf32, #tpu.memory_space<vmem>>) dst(%dma_wait3A_983 : memref<16x128xf32, #tpu.memory_space<hbm>>)
    } else {
    }
    %mul3A_896 = arith.constant 320 : i32
    %mul3A_897 = arith.muli %add3A, %mul3A_896 : i32
    %add3A_898 = arith.constant 240 : i32
    %add3A_899 = arith.addi %mul3A_897, %add3A_898 : i32
    %multiple_of3A_900 = tpu.assume_multiple %add3A_899, 8 : i32
    %lt3A_901 = arith.constant 10000 : i32
    %lt3A_902 = arith.cmpi slt, %multiple_of3A_900, %lt3A_901 : i32
    %convert_element_type3A_903 = arith.extui %lt3A_902 : i1 to i32
    %cond3A_904 = arith.constant 0 : i32
    %cond3A_905 = arith.cmpi ne, %convert_element_type3A_903, %cond3A_904 : i32
    scf.if %cond3A_905 {
      %dma_wait3A_975 = arith.constant 15 : i32
      %dma_wait3A_976 = arith.constant 0 : i32
      %dma_wait3A_977 = arith.constant 0 : i32
      %dma_wait3A_978 = tpu.memref_slice %arg13[%dma_wait3A_975, %dma_wait3A_976, %dma_wait3A_977] : memref<20x16x128xf32, #tpu.memory_space<vmem>> -> memref<1x16x128xf32, #tpu.memory_space<vmem>>
      %dma_wait3A_979 = tpu.memref_squeeze %dma_wait3A_978 : memref<1x16x128xf32, #tpu.memory_space<vmem>> -> memref<16x128xf32, #tpu.memory_space<vmem>>
      %dma_wait3A_980 = arith.constant 0 : i32
      %dma_wait3A_981 = tpu.memref_slice %arg5[%multiple_of3A_900, %dma_wait3A_980] : memref<10000x128xf32, #tpu.memory_space<hbm>> -> memref<16x128xf32, #tpu.memory_space<hbm>>
      %dma_wait3A_982 = arith.constant 0 : i32
      %dma_wait3A_983 = tpu.memref_slice %arg5[%multiple_of3A_900, %dma_wait3A_982] : memref<10000x128xf32, #tpu.memory_space<hbm>> -> memref<16x128xf32, #tpu.memory_space<hbm>>
      %dma_wait3A_984 = arith.constant 0 : i32
      %dma_wait3A_985 = arith.constant 0 : i32
      %dma_wait3A_986 = tpu.memref_slice %arg13[%dma_wait3A_975, %dma_wait3A_984, %dma_wait3A_985] : memref<20x16x128xf32, #tpu.memory_space<vmem>> -> memref<1x16x128xf32, #tpu.memory_space<vmem>>
      %dma_wait3A_987 = tpu.memref_squeeze %dma_wait3A_986 : memref<1x16x128xf32, #tpu.memory_space<vmem>> -> memref<16x128xf32, #tpu.memory_space<vmem>>
      tpu.wait_dma2 semaphore(%arg18 : memref<!tpu.dma_semaphore, #tpu.memory_space<semaphore_mem>>) src(%dma_wait3A_987 : memref<16x128xf32, #tpu.memory_space<vmem>>) dst(%dma_wait3A_983 : memref<16x128xf32, #tpu.memory_space<hbm>>)
    } else {
    }
    %mul3A_906 = arith.constant 320 : i32
    %mul3A_907 = arith.muli %add3A, %mul3A_906 : i32
    %add3A_908 = arith.constant 256 : i32
    %add3A_909 = arith.addi %mul3A_907, %add3A_908 : i32
    %multiple_of3A_910 = tpu.assume_multiple %add3A_909, 8 : i32
    %lt3A_911 = arith.constant 10000 : i32
    %lt3A_912 = arith.cmpi slt, %multiple_of3A_910, %lt3A_911 : i32
    %convert_element_type3A_913 = arith.extui %lt3A_912 : i1 to i32
    %cond3A_914 = arith.constant 0 : i32
    %cond3A_915 = arith.cmpi ne, %convert_element_type3A_913, %cond3A_914 : i32
    scf.if %cond3A_915 {
      %dma_wait3A_975 = arith.constant 16 : i32
      %dma_wait3A_976 = arith.constant 0 : i32
      %dma_wait3A_977 = arith.constant 0 : i32
      %dma_wait3A_978 = tpu.memref_slice %arg13[%dma_wait3A_975, %dma_wait3A_976, %dma_wait3A_977] : memref<20x16x128xf32, #tpu.memory_space<vmem>> -> memref<1x16x128xf32, #tpu.memory_space<vmem>>
      %dma_wait3A_979 = tpu.memref_squeeze %dma_wait3A_978 : memref<1x16x128xf32, #tpu.memory_space<vmem>> -> memref<16x128xf32, #tpu.memory_space<vmem>>
      %dma_wait3A_980 = arith.constant 0 : i32
      %dma_wait3A_981 = tpu.memref_slice %arg5[%multiple_of3A_910, %dma_wait3A_980] : memref<10000x128xf32, #tpu.memory_space<hbm>> -> memref<16x128xf32, #tpu.memory_space<hbm>>
      %dma_wait3A_982 = arith.constant 0 : i32
      %dma_wait3A_983 = tpu.memref_slice %arg5[%multiple_of3A_910, %dma_wait3A_982] : memref<10000x128xf32, #tpu.memory_space<hbm>> -> memref<16x128xf32, #tpu.memory_space<hbm>>
      %dma_wait3A_984 = arith.constant 0 : i32
      %dma_wait3A_985 = arith.constant 0 : i32
      %dma_wait3A_986 = tpu.memref_slice %arg13[%dma_wait3A_975, %dma_wait3A_984, %dma_wait3A_985] : memref<20x16x128xf32, #tpu.memory_space<vmem>> -> memref<1x16x128xf32, #tpu.memory_space<vmem>>
      %dma_wait3A_987 = tpu.memref_squeeze %dma_wait3A_986 : memref<1x16x128xf32, #tpu.memory_space<vmem>> -> memref<16x128xf32, #tpu.memory_space<vmem>>
      tpu.wait_dma2 semaphore(%arg18 : memref<!tpu.dma_semaphore, #tpu.memory_space<semaphore_mem>>) src(%dma_wait3A_987 : memref<16x128xf32, #tpu.memory_space<vmem>>) dst(%dma_wait3A_983 : memref<16x128xf32, #tpu.memory_space<hbm>>)
    } else {
    }
    %mul3A_916 = arith.constant 320 : i32
    %mul3A_917 = arith.muli %add3A, %mul3A_916 : i32
    %add3A_918 = arith.constant 272 : i32
    %add3A_919 = arith.addi %mul3A_917, %add3A_918 : i32
    %multiple_of3A_920 = tpu.assume_multiple %add3A_919, 8 : i32
    %lt3A_921 = arith.constant 10000 : i32
    %lt3A_922 = arith.cmpi slt, %multiple_of3A_920, %lt3A_921 : i32
    %convert_element_type3A_923 = arith.extui %lt3A_922 : i1 to i32
    %cond3A_924 = arith.constant 0 : i32
    %cond3A_925 = arith.cmpi ne, %convert_element_type3A_923, %cond3A_924 : i32
    scf.if %cond3A_925 {
      %dma_wait3A_975 = arith.constant 17 : i32
      %dma_wait3A_976 = arith.constant 0 : i32
      %dma_wait3A_977 = arith.constant 0 : i32
      %dma_wait3A_978 = tpu.memref_slice %arg13[%dma_wait3A_975, %dma_wait3A_976, %dma_wait3A_977] : memref<20x16x128xf32, #tpu.memory_space<vmem>> -> memref<1x16x128xf32, #tpu.memory_space<vmem>>
      %dma_wait3A_979 = tpu.memref_squeeze %dma_wait3A_978 : memref<1x16x128xf32, #tpu.memory_space<vmem>> -> memref<16x128xf32, #tpu.memory_space<vmem>>
      %dma_wait3A_980 = arith.constant 0 : i32
      %dma_wait3A_981 = tpu.memref_slice %arg5[%multiple_of3A_920, %dma_wait3A_980] : memref<10000x128xf32, #tpu.memory_space<hbm>> -> memref<16x128xf32, #tpu.memory_space<hbm>>
      %dma_wait3A_982 = arith.constant 0 : i32
      %dma_wait3A_983 = tpu.memref_slice %arg5[%multiple_of3A_920, %dma_wait3A_982] : memref<10000x128xf32, #tpu.memory_space<hbm>> -> memref<16x128xf32, #tpu.memory_space<hbm>>
      %dma_wait3A_984 = arith.constant 0 : i32
      %dma_wait3A_985 = arith.constant 0 : i32
      %dma_wait3A_986 = tpu.memref_slice %arg13[%dma_wait3A_975, %dma_wait3A_984, %dma_wait3A_985] : memref<20x16x128xf32, #tpu.memory_space<vmem>> -> memref<1x16x128xf32, #tpu.memory_space<vmem>>
      %dma_wait3A_987 = tpu.memref_squeeze %dma_wait3A_986 : memref<1x16x128xf32, #tpu.memory_space<vmem>> -> memref<16x128xf32, #tpu.memory_space<vmem>>
      tpu.wait_dma2 semaphore(%arg18 : memref<!tpu.dma_semaphore, #tpu.memory_space<semaphore_mem>>) src(%dma_wait3A_987 : memref<16x128xf32, #tpu.memory_space<vmem>>) dst(%dma_wait3A_983 : memref<16x128xf32, #tpu.memory_space<hbm>>)
    } else {
    }
    %mul3A_926 = arith.constant 320 : i32
    %mul3A_927 = arith.muli %add3A, %mul3A_926 : i32
    %add3A_928 = arith.constant 288 : i32
    %add3A_929 = arith.addi %mul3A_927, %add3A_928 : i32
    %multiple_of3A_930 = tpu.assume_multiple %add3A_929, 8 : i32
    %lt3A_931 = arith.constant 10000 : i32
    %lt3A_932 = arith.cmpi slt, %multiple_of3A_930, %lt3A_931 : i32
    %convert_element_type3A_933 = arith.extui %lt3A_932 : i1 to i32
    %cond3A_934 = arith.constant 0 : i32
    %cond3A_935 = arith.cmpi ne, %convert_element_type3A_933, %cond3A_934 : i32
    scf.if %cond3A_935 {
      %dma_wait3A_975 = arith.constant 18 : i32
      %dma_wait3A_976 = arith.constant 0 : i32
      %dma_wait3A_977 = arith.constant 0 : i32
      %dma_wait3A_978 = tpu.memref_slice %arg13[%dma_wait3A_975, %dma_wait3A_976, %dma_wait3A_977] : memref<20x16x128xf32, #tpu.memory_space<vmem>> -> memref<1x16x128xf32, #tpu.memory_space<vmem>>
      %dma_wait3A_979 = tpu.memref_squeeze %dma_wait3A_978 : memref<1x16x128xf32, #tpu.memory_space<vmem>> -> memref<16x128xf32, #tpu.memory_space<vmem>>
      %dma_wait3A_980 = arith.constant 0 : i32
      %dma_wait3A_981 = tpu.memref_slice %arg5[%multiple_of3A_930, %dma_wait3A_980] : memref<10000x128xf32, #tpu.memory_space<hbm>> -> memref<16x128xf32, #tpu.memory_space<hbm>>
      %dma_wait3A_982 = arith.constant 0 : i32
      %dma_wait3A_983 = tpu.memref_slice %arg5[%multiple_of3A_930, %dma_wait3A_982] : memref<10000x128xf32, #tpu.memory_space<hbm>> -> memref<16x128xf32, #tpu.memory_space<hbm>>
      %dma_wait3A_984 = arith.constant 0 : i32
      %dma_wait3A_985 = arith.constant 0 : i32
      %dma_wait3A_986 = tpu.memref_slice %arg13[%dma_wait3A_975, %dma_wait3A_984, %dma_wait3A_985] : memref<20x16x128xf32, #tpu.memory_space<vmem>> -> memref<1x16x128xf32, #tpu.memory_space<vmem>>
      %dma_wait3A_987 = tpu.memref_squeeze %dma_wait3A_986 : memref<1x16x128xf32, #tpu.memory_space<vmem>> -> memref<16x128xf32, #tpu.memory_space<vmem>>
      tpu.wait_dma2 semaphore(%arg18 : memref<!tpu.dma_semaphore, #tpu.memory_space<semaphore_mem>>) src(%dma_wait3A_987 : memref<16x128xf32, #tpu.memory_space<vmem>>) dst(%dma_wait3A_983 : memref<16x128xf32, #tpu.memory_space<hbm>>)
    } else {
    }
    %mul3A_936 = arith.constant 320 : i32
    %mul3A_937 = arith.muli %add3A, %mul3A_936 : i32
    %add3A_938 = arith.constant 304 : i32
    %add3A_939 = arith.addi %mul3A_937, %add3A_938 : i32
    %multiple_of3A_940 = tpu.assume_multiple %add3A_939, 8 : i32
    %lt3A_941 = arith.constant 10000 : i32
    %lt3A_942 = arith.cmpi slt, %multiple_of3A_940, %lt3A_941 : i32
    %convert_element_type3A_943 = arith.extui %lt3A_942 : i1 to i32
    %cond3A_944 = arith.constant 0 : i32
    %cond3A_945 = arith.cmpi ne, %convert_element_type3A_943, %cond3A_944 : i32
    scf.if %cond3A_945 {
      %dma_wait3A_975 = arith.constant 19 : i32
      %dma_wait3A_976 = arith.constant 0 : i32
      %dma_wait3A_977 = arith.constant 0 : i32
      %dma_wait3A_978 = tpu.memref_slice %arg13[%dma_wait3A_975, %dma_wait3A_976, %dma_wait3A_977] : memref<20x16x128xf32, #tpu.memory_space<vmem>> -> memref<1x16x128xf32, #tpu.memory_space<vmem>>
      %dma_wait3A_979 = tpu.memref_squeeze %dma_wait3A_978 : memref<1x16x128xf32, #tpu.memory_space<vmem>> -> memref<16x128xf32, #tpu.memory_space<vmem>>
      %dma_wait3A_980 = arith.constant 0 : i32
      %dma_wait3A_981 = tpu.memref_slice %arg5[%multiple_of3A_940, %dma_wait3A_980] : memref<10000x128xf32, #tpu.memory_space<hbm>> -> memref<16x128xf32, #tpu.memory_space<hbm>>
      %dma_wait3A_982 = arith.constant 0 : i32
      %dma_wait3A_983 = tpu.memref_slice %arg5[%multiple_of3A_940, %dma_wait3A_982] : memref<10000x128xf32, #tpu.memory_space<hbm>> -> memref<16x128xf32, #tpu.memory_space<hbm>>
      %dma_wait3A_984 = arith.constant 0 : i32
      %dma_wait3A_985 = arith.constant 0 : i32
      %dma_wait3A_986 = tpu.memref_slice %arg13[%dma_wait3A_975, %dma_wait3A_984, %dma_wait3A_985] : memref<20x16x128xf32, #tpu.memory_space<vmem>> -> memref<1x16x128xf32, #tpu.memory_space<vmem>>
      %dma_wait3A_987 = tpu.memref_squeeze %dma_wait3A_986 : memref<1x16x128xf32, #tpu.memory_space<vmem>> -> memref<16x128xf32, #tpu.memory_space<vmem>>
      tpu.wait_dma2 semaphore(%arg18 : memref<!tpu.dma_semaphore, #tpu.memory_space<semaphore_mem>>) src(%dma_wait3A_987 : memref<16x128xf32, #tpu.memory_space<vmem>>) dst(%dma_wait3A_983 : memref<16x128xf32, #tpu.memory_space<hbm>>)
    } else {
    }
    %add3A_946 = arith.constant 0 : i32
    %add3A_947 = arith.addi %multiple_of3A, %add3A_946 : i32
    %dma_wait3A_948 = arith.constant 0 : i32
    %dma_wait3A_949 = arith.constant 0 : i32
    %dma_wait3A_950 = tpu.memref_slice %arg10[%dma_wait3A_948, %dma_wait3A_949] : memref<2x9984xi32, #tpu.memory_space<vmem>> -> memref<2x4992xi32, #tpu.memory_space<vmem>>
    %dma_wait3A_951 = arith.constant 0 : i32
    %dma_wait3A_952 = tpu.memref_slice %arg6[%dma_wait3A_951, %add3A_947] : memref<2x320000xi32, #tpu.memory_space<hbm>> -> memref<2x4992xi32, #tpu.memory_space<hbm>>
    %dma_wait3A_953 = arith.constant 0 : i32
    %dma_wait3A_954 = tpu.memref_slice %arg6[%dma_wait3A_953, %add3A_947] : memref<2x320000xi32, #tpu.memory_space<hbm>> -> memref<2x4992xi32, #tpu.memory_space<hbm>>
    %dma_wait3A_955 = arith.constant 0 : i32
    %dma_wait3A_956 = arith.constant 0 : i32
    %dma_wait3A_957 = tpu.memref_slice %arg10[%dma_wait3A_955, %dma_wait3A_956] : memref<2x9984xi32, #tpu.memory_space<vmem>> -> memref<2x4992xi32, #tpu.memory_space<vmem>>
    tpu.wait_dma2 semaphore(%arg18 : memref<!tpu.dma_semaphore, #tpu.memory_space<semaphore_mem>>) src(%dma_wait3A_957 : memref<2x4992xi32, #tpu.memory_space<vmem>>) dst(%dma_wait3A_954 : memref<2x4992xi32, #tpu.memory_space<hbm>>)
    %add3A_958 = arith.constant 4992 : i32
    %add3A_959 = arith.addi %multiple_of3A, %add3A_958 : i32
    %dma_wait3A_960 = arith.constant 0 : i32
    %dma_wait3A_961 = arith.constant 4992 : i32
    %dma_wait3A_962 = tpu.memref_slice %arg10[%dma_wait3A_960, %dma_wait3A_961] : memref<2x9984xi32, #tpu.memory_space<vmem>> -> memref<2x4992xi32, #tpu.memory_space<vmem>>
    %dma_wait3A_963 = arith.constant 0 : i32
    %dma_wait3A_964 = tpu.memref_slice %arg6[%dma_wait3A_963, %add3A_959] : memref<2x320000xi32, #tpu.memory_space<hbm>> -> memref<2x4992xi32, #tpu.memory_space<hbm>>
    %dma_wait3A_965 = arith.constant 0 : i32
    %dma_wait3A_966 = tpu.memref_slice %arg6[%dma_wait3A_965, %add3A_959] : memref<2x320000xi32, #tpu.memory_space<hbm>> -> memref<2x4992xi32, #tpu.memory_space<hbm>>
    %dma_wait3A_967 = arith.constant 0 : i32
    %dma_wait3A_968 = arith.constant 4992 : i32
    %dma_wait3A_969 = tpu.memref_slice %arg10[%dma_wait3A_967, %dma_wait3A_968] : memref<2x9984xi32, #tpu.memory_space<vmem>> -> memref<2x4992xi32, #tpu.memory_space<vmem>>
    tpu.wait_dma2 semaphore(%arg18 : memref<!tpu.dma_semaphore, #tpu.memory_space<semaphore_mem>>) src(%dma_wait3A_969 : memref<2x4992xi32, #tpu.memory_space<vmem>>) dst(%dma_wait3A_966 : memref<2x4992xi32, #tpu.memory_space<hbm>>)
    %eq3A_970 = arith.constant 1 : i32
    %eq3A_971 = arith.cmpi eq, %add3A, %eq3A_970 : i32
    %convert_element_type3A_972 = arith.extui %eq3A_971 : i1 to i32
    %cond3A_973 = arith.constant 0 : i32
    %cond3A_974 = arith.cmpi ne, %convert_element_type3A_972, %cond3A_973 : i32
    scf.if %cond3A_974 {
      %dma_wait3A_975 = arith.constant 0 : i32
      %dma_wait3A_976 = arith.constant 319488 : i32
      %dma_wait3A_977 = tpu.memref_slice %arg6[%dma_wait3A_975, %dma_wait3A_976] : memref<2x320000xi32, #tpu.memory_space<hbm>> -> memref<2x512xi32, #tpu.memory_space<hbm>>
      %dma_wait3A_978 = arith.constant 0 : i32
      %dma_wait3A_979 = arith.constant 319488 : i32
      %dma_wait3A_980 = tpu.memref_slice %arg6[%dma_wait3A_978, %dma_wait3A_979] : memref<2x320000xi32, #tpu.memory_space<hbm>> -> memref<2x512xi32, #tpu.memory_space<hbm>>
      tpu.wait_dma2 semaphore(%arg18 : memref<!tpu.dma_semaphore, #tpu.memory_space<semaphore_mem>>) src(%arg12 : memref<2x512xi32, #tpu.memory_space<vmem>>) dst(%dma_wait3A_980 : memref<2x512xi32, #tpu.memory_space<hbm>>)
    } else {
    }
    return
  }
}

</mosaic_0001>

<sc_bundles>
// kernel: kernel.3.cloned.1.call-start
scs
__scs_entry_jumppad:
0x0: {  	(pc) =	sbr.rel $0x88, $3  }
0x1: {  	(tag) =	ssettag $0x0;
	lr =	simm.s32 $0x1  }
0x2: {  	[smem:$0x3F9E] =	sst lr;
	_ =	strace $0xD0000000  }
0x3: {  	_ = 	snop  }
0x4: {  	_ = 	snop  }
0x5: {  	_ = 	snop  }
0x6: {  	_ = 	snop  }
0x7: {  	_ = 	snop  }
__scs_overlays_trampoline_lowered:
0x8: {  	[smem:$0x3FAD] =	sst s0  }
0x9: {  	[smem:$0x3FAE] =	sst s1  }
0xa: {  	[smem:$0x3FAF] =	sst s2  }
0xb: {  	[smem:$0x3FB0] =	sst s3  }
0xc: {  	[smem:$0x3FB1] =	sst s4  }
0xd: {  	[smem:$0x3FB2] =	sst s5  }
0xe: {  	[smem:$0x3FB3] =	sst s6  }
0xf: {  	[smem:$0x3FB4] =	sst s7  }
0x10: {  	[smem:$0x3FB5] =	sst s8  }
0x11: {  	[smem:$0x3FB6] =	sst s9;
	s0 =	simm.s32 @!p0 $0x0  }
0x12: {  	s1 =	sld [smem:$0x3F9C];
	s0 =	simm.s32 @p0 $0x1  }
0x13: {  	[smem:$0x3FB7] =	sst s0;
	s0 =	simm.s32 @!p1 $0x0  }
0x14: {  	s2 =	sld [smem:$0x3F9B];
	s0 =	simm.s32 @p1 $0x1  }
0x15: {  	[smem:$0x3FB8] =	sst s0;
	s0 =	simm.s32 @!p2 $0x0  }
0x16: {  	s3 =	sld [smem:$0x3FDB];
	s0 =	simm.s32 @p2 $0x1  }
0x17: {  	s4 =	simm.s32 $0x1BF5;
	[smem:$0x3FBA] =	sst s0  }
0x18: {  	s0 =	sld [smem:$0x3F9D];
	_ =	swait.ge [sflag:s4], $0x0  }
0x19: {  	s7 =	sld [smem:$0x3F9E]  }
0x1a: {  	s8 =	sadd.s32 $0xFFFFE003, lr  }
0x1b: {  	s9 =	sadd.s32 $0xFFFFFEF7, lr;
	s5 =	simm.s32 $0xFFFFFFFF;
	p2 =	slt.u32 s8, $0xFFFFF086  }
0x1c: {  	p1 =	slt.u32 s9, $0xF7A;
	s5 =	simm.s32 @!p2 $0x0  }
0x1d: {  	s5 =	simm.s32 @p1 $0x1;
	p0 =	seq.s32 s7, s2  }
0x1e: {  	s7 =	smul.u32 @!p0 $0xF7A, s2;
	p2 =	seq.s32 @!p0 s5, $0x0  }
0x1f: {  	s9 =	smul.u32 $0xF7A, s1;
	s8 =	simm.s32 @!p0 $0x1BF5;
	p2 =	por !p2, p0  }
0x20: {  	[sflag:s8] =	ssyncset.s32 @!p0 $0xFFFFF086;
	s6 =	sadd.s32 @!p0 s3, s7;
	s7 =	simm.s32 @!p0 $0x108  }
0x21: {  	s3 =	sadd.s32 s3, s9;
	s6 =	sadd.s32 @!p0 $0x88, s6;
	s7 =	simm.s32 @p2 $0x1082  }
0x22: {  	[simem:s7], [sflag:s8] =	dma.local @!p0 [hbm:s6], $0xF7A  }
0x23: {  	s9 =	sor.u32 $0xD0000000, s2;
	s6 =	simm.s32 $0x108;
	_ =	swait.ge @!p0 [sflag:s8], $0x0  }
0x24: {  	s3 =	sadd.s32 $0x88, s3;
	s6 =	simm.s32 @!p1 $0x1082;
	[sflag:s4] =	ssyncset.s32 $0xFFFFF086  }
0x25: {  	[simem:s6], [sflag:s4] =	dma.local [hbm:s3], $0xF7A  }
0x26: {  	[smem:$0x3F9E] =	sst s1;
	(tag) =	ssettag s2;
	_ =	strace s9  }
0x27: {  	s1 =	sld [smem:$0x3FAE]  }
0x28: {  	s2 =	sld [smem:$0x3FAF]  }
0x29: {  	s4 =	sld [smem:$0x3FB1]  }
0x2a: {  	p0 =	seq.s32 s5, $0x0;
	s5 =	sld [smem:$0x3FB2]  }
0x2b: {  	s6 =	sld [smem:$0x3FB3]  }
0x2c: {  	s7 =	sld [smem:$0x3FB4]  }
0x2d: {  	s3 =	simm.s32 $0x108;
	s8 =	sld [smem:$0x3FB5]  }
0x2e: {  	s3 =	simm.s32 @!p0 $0x1082;
	s9 =	sld [smem:$0x3FB6]  }
0x2f: {  	lr =	sadd.s32 s0, s3;
	s0 =	sld [smem:$0x3FAD]  }
0x30: {  	s3 =	sld [smem:$0x3FB0]  }
0x31: {  	[smem:$0x3FB9] =	sst s10  }
0x32: {  	s10 =	sld [smem:$0x3FB7];
	_ =	sdelay $0x3  }
0x33: {  	p0 =	seq.s32 s10, $0x1;
	s10 =	sld [smem:$0x3FB9];
	_ =	sdelay $0x3  }
0x34: {  	[smem:$0x3FB9] =	sst s10  }
0x35: {  	s10 =	sld [smem:$0x3FB8];
	_ =	sdelay $0x3  }
0x36: {  	p1 =	seq.s32 s10, $0x1;
	s10 =	sld [smem:$0x3FB9];
	_ =	sdelay $0x3  }
0x37: {  	[smem:$0x3FB9] =	sst s10  }
0x38: {  	s10 =	sld [smem:$0x3FBA]  }
0x39: {  	_ = 	snop;
	(pc) =	sbr.ind lr, $3  }
0x3a: {  	_ = 	snop  }
0x3b: {  	_ = 	snop  }
0x3c: {  	p2 =	seq.s32 s10, $0x1;
	s10 =	sld [smem:$0x3FB9]  }
0x3d: {  	_ =	shalt  }
0x3e: {  	_ =	shalt  }
0x3f: {  	_ =	shalt  }
0x40: {  	_ =	shalt  }
0x41: {  	_ =	shalt  }
0x42: {  	_ =	shalt  }
0x43: {  	_ =	shalt  }
0x44: {  	_ =	shalt  }
0x45: {  	_ =	shalt  }
0x46: {  	_ =	shalt  }
0x47: {  	_ =	shalt  }
0x48: {  	_ =	shalt  }
0x49: {  	_ =	shalt  }
0x4a: {  	_ =	shalt  }
0x4b: {  	_ =	shalt  }
0x4c: {  	_ =	shalt  }
0x4d: {  	_ =	shalt  }
0x4e: {  	_ =	shalt  }
0x4f: {  	_ =	shalt  }
0x50: {  	_ =	shalt  }
0x51: {  	_ =	shalt  }
0x52: {  	_ =	shalt  }
0x53: {  	_ =	shalt  }
0x54: {  	_ =	shalt  }
0x55: {  	_ =	shalt  }
0x56: {  	_ =	shalt  }
0x57: {  	_ =	shalt  }
0x58: {  	_ =	shalt  }
0x59: {  	_ =	shalt  }
0x5a: {  	_ =	shalt  }
0x5b: {  	_ =	shalt  }
0x5c: {  	_ =	shalt  }
0x5d: {  	_ =	shalt  }
0x5e: {  	_ =	shalt  }
0x5f: {  	_ =	shalt  }
0x60: {  	_ =	shalt  }
0x61: {  	_ =	shalt  }
0x62: {  	_ =	shalt  }
0x63: {  	_ =	shalt  }
0x64: {  	_ =	shalt  }
0x65: {  	_ =	shalt  }
0x66: {  	_ =	shalt  }
0x67: {  	_ =	shalt  }
0x68: {  	_ =	shalt  }
0x69: {  	_ =	shalt  }
0x6a: {  	_ =	shalt  }
0x6b: {  	_ =	shalt  }
0x6c: {  	_ =	shalt  }
0x6d: {  	_ =	shalt  }
0x6e: {  	_ =	shalt  }
0x6f: {  	_ =	shalt  }
0x70: {  	_ =	shalt  }
0x71: {  	_ =	shalt  }
0x72: {  	_ =	shalt  }
0x73: {  	_ =	shalt  }
0x74: {  	_ =	shalt  }
0x75: {  	_ =	shalt  }
0x76: {  	_ =	shalt  }
0x77: {  	_ =	shalt  }
0x78: {  	_ =	shalt  }
0x79: {  	_ =	shalt  }
0x7a: {  	_ =	shalt  }
0x7b: {  	_ =	shalt  }
0x7c: {  	_ =	shalt  }
0x7d: {  	_ =	shalt  }
0x7e: {  	_ =	shalt  }
0x7f: {  	_ =	shalt  }
0x80: {  	_ =	shalt  }
0x81: {  	_ =	shalt  }
0x82: {  	_ =	shalt  }
0x83: {  	_ =	shalt  }
0x84: {  	_ =	shalt  }
0x85: {  	_ =	shalt  }
0x86: {  	_ =	shalt  }
0x87: {  	_ =	shalt  }
.Lfunc_end0:
.L_simem_size_0:
called_computation_lowered:
.L_overlay_start_0:
0x88: {  	s2 =	sld [smem:$0x3FD9]  }
0x89: {  	s3 =	sld [smem:$0x3FFE];
	_ =	sdelay $0x1  }
0x8a: {  	s1 =	srdreg.scid  }
0x8b: {  	s0 =	sand.u32 $0x1, s1  }
0x8c: {  	s15 =	sshll.u32 s0, $0xA;
	s2 =	sadd.s32 s3, s2  }
0x8d: {  	s2 =	sadd.s32 s2, s15  }
0x8e: {  	[smem:$0x3FC5] =	sst s2  }
0x8f: {  	_ = 	snop  }
0x90: {  	s2 =	sld [smem:$0x3FD0]  }
0x91: {  	s16 =	sld [smem:$0x3FC9]  }
0x92: {  	s4 =	sld [smem:$0x3FC8]  }
0x93: {  	s6 =	simm.s32 $0xA;
	s7 =	simm.s32 $0x10;
	s5 =	sld [smem:$0x3FC7]  }
0x94: {  	[smem:s7], [sflag:s6] =	dma.local [hbm:s2], $0x1  }
0x95: {  	_ =	swait.eq [sflag:s6], $0x1  }
0x96: {  	[sflag:s6] =	ssyncset.done $0x0  }
0x97: {  	s17 =	sld [smem:$0x10];
	[sflag:s6] =	ssyncadd.s32 $0xFFFFFFFF  }
0x98: {  	s18 =	sld [smem:$0x11];
	(tm) =	ssettm $0x1  }
0x99: {  	s19 =	sld [smem:$0x3FFB];
	_ =	sdelay $0x3  }
0x9a: {  	_ =	strace s19  }
0x9b: {  	s7 =	sld [smem:$0x3FFC];
	_ =	sdelay $0x3  }
0x9c: {  	_ =	strace s7  }
0x9d: {  	s7 =	sld [smem:$0x3FFD];
	_ =	sdelay $0x3  }
0x9e: {  	_ =	strace s7  }
0x9f: {  	_ =	strace $0x8FFFFFFF  }
0xa0: {  	s20 =	sld [smem:$0x3FDB];
	_ =	sdelay $0x1  }
0xa1: {  	s8 =	simm.s32 $_scs_section_size  }
0xa2: {  	s9 =	simm.s32 $_size__tile_overlayer_lowered;
	s10 =	simm.s32 $_tile_overlayer_lowered  }
0xa3: {  	s23 =	simm.s32 $0x1BFF;
	s22 =	sshll.u32 s10, $0x1;
	s7 =	sadd.s32 s8, s20  }
0xa4: {  	s11 =	simm.s32 $0x0;
	s21 =	sshll.u32 s9, $0x1;
	s9 =	sadd.s32 s22, s7  }
0xa5: {  	[timem:s11], [sflag:s23] =	dma.local [hbm:s9], s21  }
0xa6: {  	_ =	swait.ge [sflag:s23], s21  }
0xa7: {  	s8 =	ssub.s32 $0x0, s21;
	[sflag:s23] =	ssyncset.done $0x0  }
0xa8: {  	[sflag:s23] =	ssyncadd.s32 s8;
	_ =	sdelay $0x1  }
0xa9: {  	s24 =	simm.s32 $0x1B8B  }
0xaa: {  	_ =	swait.ge [sflag:s24], $0x1  }
0xab: {  	[sflag:s24] =	ssyncset.done $0x0  }
0xac: {  	s25 =	simm.s32 $0x1B8E;
	[sflag:s24] =	ssyncadd.s32 $0xFFFFFFFF  }
0xad: {  	s26 =	simm.s32 $execute0_lowered;
	[smem:$0x3FD2] =	sst s25  }
0xae: {  	s8 =	sshll.u32 s26, $0x1;
	_ =	strace $0x80000046;
	[dreg:$0x1] =	wrdreg $0xFFFFFFFF  }
0xaf: {  	s28 =	simm.s32 $_size_execute0_lowered;
	s7 =	sadd.s32 s7, s8;
	[dreg:$0x0] =	wrdreg $0x0  }
0xb0: {  	s8 =	sshll.u32 s28, $0x1;
	[dreg:$0x2] =	wrdreg s7  }
0xb1: {  	[dreg:$0x3] =	wrdreg s8  }
0xb2: {  	[dreg:$0x4] =	wrdreg $0xC0  }
0xb3: {  	_ =	task [dreg:s11], $0x5FFFF  }
0xb4: {  	[dreg:$0x1] =	wrdreg $0xFFFFFFFF  }
0xb5: {  	[dreg:$0x0] =	wrdreg $0x60  }
0xb6: {  	[dreg:$0x2] =	wrdreg s16  }
0xb7: {  	[dreg:$0x3] =	wrdreg s4  }
0xb8: {  	[dreg:$0x4] =	wrdreg s5  }
0xb9: {  	[dreg:$0x5] =	wrdreg s17  }
0xba: {  	[dreg:$0x6] =	wrdreg s18  }
0xbb: {  	[dreg:$0x7] =	wrdreg $0x9  }
0xbc: {  	_ =	task.clear_ibuf [dreg:s11], $0x8FFFF;
	_ =	strace $0x90000046  }
0xbd: {  	s29 =	simm.s32 $0x9;
	_ =	strace $0x80000048  }
0xbe: {  	_ =	swait.ge [sflag:s29], $0x1  }
0xbf: {  	[sflag:s29] =	ssyncadd.s32 $0xFFFFFFFF  }
0xc0: {  	_ =	strace $0x90000048  }
0xc1: {  	_ =	sfence  }
0xc2: {  	s30 =	sld [smem:$0x0];
	_ =	sdelay $0x2  }
0xc3: {  	s31 =	sshll.u32 s1, $0xD;
	s1 =	sshrl.u32 s1, $0x2  }
0xc4: {  	s3 =	sand.u32 $0x4000, s31;
	s1 =	sadd.s32 s1, s30  }
0xc5: {  	s0 =	sor.u32 s3, s0;
	s1 =	sshll.u32 s1, $0x11  }
0xc6: {  	s0 =	sor.u32 s1, s0  }
0xc7: {  	s0 =	sadd.s32 $0x8F2B, s0  }
0xc8: {  	[sflag:s0] =	ssyncadd.remote.s32 $0x1  }
0xc9: {  	_ =	sfence.sel $0xFFFF  }
0xca: {  	[dreg:$0x0] =	wrdreg $0xFFFFFFFF;
	(pc) =	sbr.abs _section_cstart, $3  }
0xcb: {  	[dreg:$0x1] =	wrdreg $0xFFFFFFFF  }
0xcc: {  	_ =	task.clear_ibuf [dreg:s11], $0x2FFFF;
	_ =	strace $0x9FFFFFFF  }
0xcd: {  	(tm) =	ssettm $0x7FFFFFFF  }
tec
execute0_lowered:
.L_overlay_start_1:
0x0: {  	(tag) =	ssettag $0x1  }
0x1: {  	s0 =	srdreg.scid;
	s1 =	stileid.u32  }
0x2: {  	s0 =	sand.u32 $0x1, s0;
	s1 =	sshll.u32 s1, $0x1  }
0x3: {  	s4 =	rddreg [dreg:$0x3];
	s31 =	simm.s32 $0x3;
	s3 =	sor.u32 s0, s1  }
0x4: {  	s1 =	simm.s32 $0x0;
	s0 =	ssub.s32 $0x2, s0;
	s2 =	smul.u32 $0x140, s3  }
0x5: {  	[smem:$0x7FF] =	sst s1;
	s5 =	sshrl.u32 s0, $0x1;
	s11 =	smul.u32 $0x1400, s3  }
0x6: {  	s28 =	smul.u32 $0x9C0, s3;
	p0 =	sne.s32 s3, $0x1;
	p1 =	sne.s32 s3, $0x1F  }
0x7: {  	p2 =	seq.s32 s3, $0x1F;
	s3 =	smul.u32 $0x4E00, s3;
	s0 =	ssub.s32 s0, s5  }
0x8: {  	s12 =	sor.u32 $0x10, s2;
	s13 =	sor.u32 $0x20, s2;
	s14 =	sor.u32 $0x30, s2  }
0x9: {  	s15 =	sadd.s32 $0x40, s2;
	s5 =	sadd.s32 $0x50, s2;
	s11 =	sadd.s32 s4, s11  }
0xa: {  	s6 =	sadd.s32 $0x60, s2;
	s7 =	sadd.s32 $0x70, s2;
	[dreg:$0xa] =	wrdreg s11  }
0xb: {  	s8 =	sadd.s32 $0x80, s2;
	s9 =	sadd.s32 $0x90, s2;
	[dreg:$0x6] =	wrdreg s12  }
0xc: {  	s10 =	sadd.s32 $0xA0, s2;
	s3 =	sshrl.u32 s3, $0x3;
	[dreg:$0x7] =	wrdreg s13  }
0xd: {  	s21 =	sshll.u32 s12, $0x4;
	s22 =	sshll.u32 s13, $0x4;
	[dreg:$0x8] =	wrdreg s14  }
0xe: {  	s24 =	sshll.u32 s14, $0x4;
	[dreg:$0x9] =	wrdreg s15;
	s25 =	sshll.u32 s15, $0x4  }
0xf: {  	s26 =	sshll.u32 s5, $0x4;
	s14 =	sshll.u32 s6, $0x4;
	s11 =	sadd.s32 s4, s21  }
0x10: {  	s15 =	sshll.u32 s7, $0x4;
	s23 =	sadd.s32 s4, s22;
	[dreg:$0xb] =	wrdreg s11  }
0x11: {  	s16 =	sshll.u32 s8, $0x4;
	s13 =	sadd.s32 s4, s26;
	[dreg:$0xc] =	wrdreg s23  }
0x12: {  	s12 =	sadd.s32 $0xC0, s2;
	s17 =	sadd.s32 s4, s16;
	[dreg:$0xf] =	wrdreg s13  }
0x13: {  	s19 =	sshll.u32 s10, $0x4;
	s11 =	sadd.s32 s4, s24;
	[dreg:$0x12] =	wrdreg s17  }
0x14: {  	s21 =	sshll.u32 s12, $0x4;
	s13 =	sadd.s32 s4, s19;
	[dreg:$0xd] =	wrdreg s11  }
0x15: {  	s18 =	sshll.u32 s9, $0x4;
	s23 =	sadd.s32 s4, s21;
	[dreg:$0x14] =	wrdreg s13  }
0x16: {  	s5 =	smin.u32 s5, $0x2700;
	s6 =	smin.u32 s6, $0x2700;
	[dreg:$0x16] =	wrdreg s23  }
0x17: {  	s7 =	smin.u32 s7, $0x2700;
	s11 =	sadd.s32 s4, s25;
	s23 =	rddreg [dreg:$0x0]  }
0x18: {  	s13 =	sadd.s32 $0xD0, s2;
	[dreg:$0xe] =	wrdreg s11;
	s11 =	sadd.s32 s4, s14  }
0x19: {  	s16 =	sshll.u32 s13, $0x4;
	[dreg:$0x10] =	wrdreg s11;
	s11 =	sadd.s32 s4, s15  }
0x1a: {  	s14 =	sadd.s32 $0xE0, s2;
	s16 =	sadd.s32 s4, s16;
	[dreg:$0x11] =	wrdreg s11  }
0x1b: {  	s15 =	sadd.s32 $0xF0, s2;
	s17 =	sshll.u32 s14, $0x4;
	[dreg:$0x17] =	wrdreg s16  }
0x1c: {  	s11 =	sadd.s32 s4, s18;
	s24 =	sadd.s32 s4, s17;
	s17 =	rddreg [dreg:$0x1]  }
0x1d: {  	s18 =	sshll.u32 s15, $0x4;
	s16 =	sadd.s32 $0x100, s2;
	[dreg:$0x13] =	wrdreg s11  }
0x1e: {  	s11 =	sadd.s32 $0xB0, s2;
	[dreg:$0x18] =	wrdreg s24;
	s25 =	sadd.s32 s4, s18  }
0x1f: {  	s26 =	sshll.u32 s16, $0x4;
	s24 =	sadd.s32 $0x120, s2;
	[dreg:$0x19] =	wrdreg s25  }
0x20: {  	s20 =	sshll.u32 s11, $0x4;
	s18 =	sadd.s32 s4, s26;
	s26 =	rddreg [dreg:$0x4]  }
0x21: {  	s25 =	sadd.s32 $0x130, s2;
	s22 =	sadd.s32 s4, s20;
	[dreg:$0x1a] =	wrdreg s18  }
0x22: {  	s20 =	sshll.u32 s24, $0x4;
	[dreg:$0x15] =	wrdreg s22;
	s22 =	sadd.s32 $0x110, s2  }
0x23: {  	s21 =	sshll.u32 s25, $0x4;
	s18 =	sadd.s32 s4, s20;
	s19 =	sshll.u32 s22, $0x4  }
0x24: {  	s24 =	smin.u32 s24, $0x2700;
	[dreg:$0x1c] =	wrdreg s18;
	s19 =	sadd.s32 s4, s19  }
0x25: {  	s25 =	smin.u32 s25, $0x2700;
	s4 =	sadd.s32 s4, s21;
	[dreg:$0x1b] =	wrdreg s19  }
0x26: {  	s3 =	sadd.s32 s26, s3;
	s20 =	sadd.s32 s17, s28;
	[dreg:$0x1d] =	wrdreg s4  }
0x27: {  	s21 =	sadd.s32 $0x13800, s17;
	_ =	strace $0x80000047;
	[dreg:$0x1e] =	wrdreg s20  }
0x28: {  	s29 =	sadd.s32 s26, s28;
	s26 =	sadd.s32 $0x13800, s26;
	[dreg:$0x1f] =	wrdreg s21  }
0x29: {  	s30 =	sadd.s32 $0x4E0, s3;
	s3 =	simm.s32 $0x10300;
	[smem:$0x7F5] =	sst s5  }
0x2a: {  	s28 =	simm.s32 $0x2;
	s18 =	smin.u32 s9, $0x2700;
	[smem:$0x7F6] =	sst s6  }
0x2b: {  	s22 =	smin.u32 s22, $0x2700;
	s17 =	smin.u32 s8, $0x2700;
	[smem:$0x7F7] =	sst s7  }
0x2c: {  	s9 =	simm.s32 $0x10;
	s8 =	simm.s32 $0x1;
	[smem:$0x7F8] =	sst s17  }
0x2d: {  	s19 =	smin.u32 s10, $0x2700;
	s10 =	simm.s32 $0xF300;
	[smem:$0x7F9] =	sst s18  }
0x2e: {  	s4 =	simm.s32 $0x10B00;
	[smem:$0x7FA] =	sst s19;
	s20 =	smin.u32 s11, $0x2700  }
.Ltmp0:
0x2f: {  	s21 =	smin.u32 s12, $0x2700;
	s18 =	smin.u32 s13, $0x2700;
	(pc) =	sbr.rel .LBB2_1-.Ltmp0, $4  }
0x30: {  	s19 =	smin.u32 s14, $0x2700;
	[smem:$0x7FD] =	sst s26;
	s7 =	smax.u32 s0, $0x1  }
0x31: {  	s11 =	simm.s32 $0xFB00;
	s5 =	simm.s32 $0x11300;
	s6 =	simm.s32 $0x2780  }
0x32: {  	v0 =	vlaneseq.u32;
	s0 =	simm.s32 $0x5;
	s12 =	simm.s32 $0x0;
	[smem:$0x7FB] =	sst s20  }
0x33: {  	v1 =	vor.u32 $0x2700, v0;
	[smem:$0x7FC] =	sst s21;
	s20 =	smin.u32 s15, $0x2700;
	s21 =	smin.u32 s16, $0x2700  }
.LBB2_13:
0x34: {  	_ =	sdelay $0x2  }
0x35: {  	[tilespmem:s13+$0x10] =	vst v8  }
0x36: {  	[tilespmem:s13+$0x20] =	vst v7;
	v2 =	vld.idx.msk [tilespmem:v2+s6+$0x0], $0xffff  }
0x37: {  	[tilespmem:s13+$0x30] =	vst v4  }
0x38: {  	[tilespmem:s13+$0x40] =	vst v3  }
0x39: {  	[tilespmem:s13+$0x50] =	vst v5  }
0x3a: {  	[tilespmem:s13+$0x60] =	vst v6  }
0x3b: {  	[tilespmem:s14+$0x0] =	vst v2  }
0x3c: {  	s13 =	sld [smem:$0x7FD];
	_ =	sdelay $0x1  }
0x3d: {  	s26 =	simm.s32 $0xEF00  }
0x3e: {  	[hbm4b:s13+s1] =	stream.linear.scatter [tilespmem:s26], [sflag:$0x5], $0x400, $0x38;
	[tilespmem:$0x19300] =	vst v63  }
.LBB2_14:
0x3f: {  	_ =	swait.ge [sflag:s0], $0x800  }
0x40: {  	[sflag:s0] =	ssyncset.done $0x0  }
0x41: {  	[sflag:s0] =	ssyncadd.s32 $0xFFFFF800  }
0x42: {  	_ =	swait.ge [sflag:s0], $0x800  }
0x43: {  	[sflag:s0] =	ssyncset.done $0x0  }
0x44: {  	[sflag:s0] =	ssyncadd.s32 $0xFFFFF800  }
0x45: {  	_ =	swait.ge [sflag:s0], $0x800  }
0x46: {  	[sflag:s0] =	ssyncset.done $0x0  }
0x47: {  	[sflag:s0] =	ssyncadd.s32 $0xFFFFF800  }
0x48: {  	_ =	swait.ge [sflag:s0], $0x800  }
0x49: {  	[sflag:s0] =	ssyncset.done $0x0  }
0x4a: {  	[sflag:s0] =	ssyncadd.s32 $0xFFFFF800  }
0x4b: {  	_ =	swait.ge [sflag:s0], $0x800  }
0x4c: {  	[sflag:s0] =	ssyncset.done $0x0  }
0x4d: {  	s13 =	simm.s32 @!p2 $0x5;
	[sflag:s0] =	ssyncadd.s32 $0xFFFFF800  }
0x4e: {  	_ =	swait.ge @!p2 [sflag:s13], $0x800  }
0x4f: {  	[sflag:s13] =	ssyncset.done @!p2 $0x0  }
0x50: {  	[sflag:s13] =	ssyncadd.s32 @!p2 $0xFFFFF800  }
0x51: {  	_ =	swait.ge @!p2 [sflag:s13], $0x800  }
0x52: {  	[sflag:s13] =	ssyncset.done @!p2 $0x0  }
0x53: {  	[sflag:s13] =	ssyncadd.s32 @!p2 $0xFFFFF800  }
0x54: {  	_ =	swait.ge @!p2 [sflag:s13], $0x800  }
0x55: {  	[sflag:s13] =	ssyncset.done @!p2 $0x0  }
0x56: {  	[sflag:s13] =	ssyncadd.s32 @!p2 $0xFFFFF800  }
0x57: {  	_ =	swait.ge @!p2 [sflag:s13], $0x800  }
0x58: {  	[sflag:s13] =	ssyncset.done @!p2 $0x0  }
0x59: {  	[sflag:s13] =	ssyncadd.s32 @!p2 $0xFFFFF800  }
0x5a: {  	_ =	swait.ge @!p2 [sflag:s13], $0x800  }
0x5b: {  	[sflag:s13] =	ssyncset.done @!p2 $0x0  }
0x5c: {  	[sflag:s13] =	ssyncadd.s32 @!p2 $0xFFFFF800  }
0x5d: {  	_ =	swait.ge @!p2 [sflag:s13], $0x800  }
0x5e: {  	[sflag:s13] =	ssyncset.done @!p2 $0x0  }
0x5f: {  	[sflag:s13] =	ssyncadd.s32 @!p2 $0xFFFFF800  }
0x60: {  	_ =	swait.ge @!p2 [sflag:s13], $0x800  }
0x61: {  	[sflag:s13] =	ssyncset.done @!p2 $0x0  }
0x62: {  	[sflag:s13] =	ssyncadd.s32 @!p2 $0xFFFFF800  }
0x63: {  	_ =	swait.ge @!p2 [sflag:s13], $0x800  }
0x64: {  	[sflag:s13] =	ssyncset.done @!p2 $0x0  }
0x65: {  	[sflag:s13] =	ssyncadd.s32 @!p2 $0xFFFFF800  }
0x66: {  	_ =	swait.ge @!p2 [sflag:s13], $0x800  }
0x67: {  	[sflag:s13] =	ssyncset.done @!p2 $0x0  }
0x68: {  	[sflag:s13] =	ssyncadd.s32 @!p2 $0xFFFFF800  }
0x69: {  	_ =	swait.ge @!p2 [sflag:s13], $0x800  }
0x6a: {  	[sflag:s13] =	ssyncset.done @!p2 $0x0  }
0x6b: {  	[sflag:s13] =	ssyncadd.s32 @!p2 $0xFFFFF800  }
0x6c: {  	_ =	swait.ge @!p2 [sflag:s13], $0x800  }
0x6d: {  	[sflag:s13] =	ssyncset.done @!p2 $0x0  }
0x6e: {  	[sflag:s13] =	ssyncadd.s32 @!p2 $0xFFFFF800  }
0x6f: {  	_ =	swait.ge @!p2 [sflag:s13], $0x800  }
0x70: {  	[sflag:s13] =	ssyncset.done @!p2 $0x0  }
0x71: {  	[sflag:s13] =	ssyncadd.s32 @!p2 $0xFFFFF800  }
0x72: {  	_ =	swait.ge @!p2 [sflag:s13], $0x800  }
0x73: {  	[sflag:s13] =	ssyncset.done @!p2 $0x0  }
0x74: {  	[sflag:s13] =	ssyncadd.s32 @!p2 $0xFFFFF800  }
0x75: {  	_ =	swait.ge @!p2 [sflag:s13], $0x800  }
0x76: {  	[sflag:s13] =	ssyncset.done @!p2 $0x0  }
0x77: {  	[sflag:s13] =	ssyncadd.s32 @!p2 $0xFFFFF800  }
0x78: {  	_ =	swait.ge @!p2 [sflag:s13], $0x800  }
0x79: {  	[sflag:s13] =	ssyncset.done @!p2 $0x0  }
0x7a: {  	[sflag:s13] =	ssyncadd.s32 @!p2 $0xFFFFF800  }
0x7b: {  	_ =	swait.ge [sflag:s0], $0x2700  }
0x7c: {  	[sflag:s0] =	ssyncset.done $0x0  }
0x7d: {  	s12 =	sadd.s32 $0x1, s12;
	[sflag:s0] =	ssyncadd.s32 $0xFFFFD900  }
0x7e: {  	p3 =	sne.s32 s12, s7;
	_ =	swait.ge [sflag:s0], $0x2700  }
.Ltmp1:
0x7f: {  	[sflag:s0] =	ssyncset.done $0x0;
	(pc) =	sbr.rel @!p3 .LBB2_15-.Ltmp1, $4  }
0x80: {  	s13 =	simm.s32 @!p0 $0x5;
	[sflag:s0] =	ssyncadd.s32 $0xFFFFD900  }
0x81: {  	_ =	swait.ge @!p0 [sflag:s13], $0x400  }
0x82: {  	[sflag:s13] =	ssyncset.done @!p0 $0x0  }
0x83: {  	[sflag:s13] =	ssyncadd.s32 @!p0 $0xFFFFFC00  }
.LBB2_1:
0x84: {  	s13 =	rddreg [dreg:$0x2]  }
0x85: {  	[tilespmem:s1], [sflag:$0x1] =	stream.linear.gather [hbm4b:s13+s1], $0x2780, $0x38;
	[tilespmem:$0x19300] =	vst v63  }
0x86: {  	s15 =	rddreg [dreg:$0x1e];
	s14 =	simm.s32 $0x4F00  }
0x87: {  	[tilespmem:s14], [sflag:$0x2] =	stream.linear.gather [hbm4b:s15+s1], $0x4E00, $0x38;
	[tilespmem:$0x19300] =	vst v63  }
0x88: {  	s13 =	simm.s32 @!p0 $0x0;
	s14 =	simm.s32 @!p0 $0xEB00;
	s15 =	rddreg [dreg:$0x1f]  }
0x89: {  	[tilespmem:s14], [sflag:$0x4] =	stream.linear.gather @!p0 [hbm4b:s15+s13], $0x400, $0x38;
	[tilespmem:$0x19300] =	vst v63  }
0x8a: {  	_ =	swait.ge [sflag:s8], $0x2780  }
0x8b: {  	[sflag:s8] =	ssyncset.done $0x0  }
0x8c: {  	s16 =	rddreg [dreg:$0x6];
	[sflag:s8] =	ssyncadd.s32 $0xFFFFD880  }
0x8d: {  	[tilespmem:s10], [sflag:$0x3] =	stream.indirect.gather [hbm4b:s23+s9], $0x80, s2, s9, $0xb8;
	[tilespmem:$0x19300] =	vst v63  }
0x8e: {  	s17 =	rddreg [dreg:$0x7]  }
0x8f: {  	[tilespmem:s11], [sflag:$0x3] =	stream.indirect.gather [hbm4b:s23+s9], $0x80, s16, s9, $0xb8;
	[tilespmem:$0x19300] =	vst v63  }
0x90: {  	s26 =	rddreg [dreg:$0x8]  }
0x91: {  	[tilespmem:s3], [sflag:$0x3] =	stream.indirect.gather [hbm4b:s23+s9], $0x80, s17, s9, $0xb8;
	[tilespmem:$0x19300] =	vst v63  }
0x92: {  	s14 =	rddreg [dreg:$0x9]  }
0x93: {  	[tilespmem:s4], [sflag:$0x3] =	stream.indirect.gather [hbm4b:s23+s9], $0x80, s26, s9, $0xb8;
	[tilespmem:$0x19300] =	vst v63  }
0x94: {  	s15 =	sld [smem:$0x7F5]  }
0x95: {  	[tilespmem:s5], [sflag:$0x3] =	stream.indirect.gather [hbm4b:s23+s9], $0x80, s14, s9, $0xb8;
	[tilespmem:$0x19300] =	vst v63  }
0x96: {  	s16 =	simm.s32 $0x11B00;
	s17 =	sld [smem:$0x7F6]  }
0x97: {  	[tilespmem:s16], [sflag:$0x3] =	stream.indirect.gather [hbm4b:s23+s9], $0x80, s15, s9, $0xb8;
	[tilespmem:$0x19300] =	vst v63  }
0x98: {  	s26 =	simm.s32 $0x12300;
	s15 =	sld [smem:$0x7F7]  }
0x99: {  	[tilespmem:s26], [sflag:$0x3] =	stream.indirect.gather [hbm4b:s23+s9], $0x80, s17, s9, $0xb8;
	[tilespmem:$0x19300] =	vst v63  }
0x9a: {  	s16 =	simm.s32 $0x12B00;
	s17 =	sld [smem:$0x7F8]  }
0x9b: {  	[tilespmem:s16], [sflag:$0x3] =	stream.indirect.gather [hbm4b:s23+s9], $0x80, s15, s9, $0xb8;
	[tilespmem:$0x19300] =	vst v63  }
0x9c: {  	s26 =	simm.s32 $0x13300;
	s15 =	sld [smem:$0x7F9]  }
0x9d: {  	[tilespmem:s26], [sflag:$0x3] =	stream.indirect.gather [hbm4b:s23+s9], $0x80, s17, s9, $0xb8;
	[tilespmem:$0x19300] =	vst v63  }
0x9e: {  	s16 =	simm.s32 $0x13B00;
	s17 =	sld [smem:$0x7FA]  }
0x9f: {  	[tilespmem:s16], [sflag:$0x3] =	stream.indirect.gather [hbm4b:s23+s9], $0x80, s15, s9, $0xb8;
	[tilespmem:$0x19300] =	vst v63  }
0xa0: {  	s26 =	simm.s32 $0x14300;
	s15 =	sld [smem:$0x7FB]  }
0xa1: {  	[tilespmem:s26], [sflag:$0x3] =	stream.indirect.gather [hbm4b:s23+s9], $0x80, s17, s9, $0xb8;
	[tilespmem:$0x19300] =	vst v63  }
0xa2: {  	s16 =	simm.s32 $0x14B00;
	s17 =	sld [smem:$0x7FC]  }
0xa3: {  	[tilespmem:s16], [sflag:$0x3] =	stream.indirect.gather [hbm4b:s23+s9], $0x80, s15, s9, $0xb8;
	[tilespmem:$0x19300] =	vst v63  }
0xa4: {  	s26 =	simm.s32 $0x15300  }
0xa5: {  	[tilespmem:s26], [sflag:$0x3] =	stream.indirect.gather [hbm4b:s23+s9], $0x80, s17, s9, $0xb8;
	[tilespmem:$0x19300] =	vst v63  }
0xa6: {  	s15 =	simm.s32 $0x15B00  }
0xa7: {  	[tilespmem:s15], [sflag:$0x3] =	stream.indirect.gather [hbm4b:s23+s9], $0x80, s18, s9, $0xb8;
	[tilespmem:$0x19300] =	vst v63  }
0xa8: {  	s16 =	simm.s32 $0x16300  }
0xa9: {  	[tilespmem:s16], [sflag:$0x3] =	stream.indirect.gather [hbm4b:s23+s9], $0x80, s19, s9, $0xb8;
	[tilespmem:$0x19300] =	vst v63  }
0xaa: {  	s17 =	simm.s32 $0x16B00  }
0xab: {  	[tilespmem:s17], [sflag:$0x3] =	stream.indirect.gather [hbm4b:s23+s9], $0x80, s20, s9, $0xb8;
	[tilespmem:$0x19300] =	vst v63  }
0xac: {  	s26 =	simm.s32 $0x17300  }
0xad: {  	[tilespmem:s26], [sflag:$0x3] =	stream.indirect.gather [hbm4b:s23+s9], $0x80, s21, s9, $0xb8;
	[tilespmem:$0x19300] =	vst v63  }
0xae: {  	s14 =	simm.s32 $0x17B00  }
0xaf: {  	[tilespmem:s14], [sflag:$0x3] =	stream.indirect.gather [hbm4b:s23+s9], $0x80, s22, s9, $0xb8;
	[tilespmem:$0x19300] =	vst v63  }
0xb0: {  	s15 =	simm.s32 $0x18300  }
0xb1: {  	[tilespmem:s15], [sflag:$0x3] =	stream.indirect.gather [hbm4b:s23+s9], $0x80, s24, s9, $0xb8;
	[tilespmem:$0x19300] =	vst v63  }
0xb2: {  	s16 =	simm.s32 $0x18B00;
	s17 =	simm.s32 $0x40  }
0xb3: {  	[tilespmem:s16], [sflag:$0x3] =	stream.indirect.gather [hbm4b:s23+s9], $0x80, s25, s9, $0xb8;
	[tilespmem:$0x19300] =	vst v63  }
0xb4: {  	v11 =	vld [tilespmem:s17+$0x30]  }
0xb5: {  	v9 =	vld [tilespmem:s17+$0xFFFFFFD0]  }
0xb6: {  	v8 =	vld [tilespmem:s17+$0xFFFFFFE0]  }
0xb7: {  	v7 =	vld [tilespmem:s17+$0xFFFFFFF0]  }
0xb8: {  	v6 =	vld [tilespmem:s17+$0x0]  }
0xb9: {  	v5 =	vld [tilespmem:s17+$0x10]  }
0xba: {  	s26 =	simm.s32 $0x70;
	v3 =	vld [tilespmem:s17+$0x20]  }
0xbb: {  	s13 =	simm.s32 $0x80;
	v12 =	vor.u32 s26, v0;
	s14 =	simm.s32 $0xC0;
	s16 =	simm.s32 $0x10;
	v2 =	vld [tilespmem:s17+$0xFFFFFFC0]  }
0xbc: {  	s26 =	simm.s32 $0x100;
	s15 =	simm.s32 $0x0;
	v4 =	vld [tilespmem:s14+$0x30];
	v10 =	vor.u32 s16, v0;
	s16 =	simm.s32 $0x20;
	[tilespmem:v11+s6+$0x0] =	vst.idx.msk $0xffff, v12  }
.LBB2_2:
0xbd: {  	p3 =	slt.u32 s26, $0x2680;
	[tilespmem:v9+s6+$0x0] =	vst.idx.msk $0xffff, v10;
	v9 =	vld [tilespmem:s14+$0xFFFFFFD0];
	v10 =	vor.u32 s16, v0;
	s16 =	sadd.s32 $0x30, s15  }
0xbe: {  	[tilespmem:v8+s6+$0x0] =	vst.idx.msk $0xffff, v10;
	v8 =	vld [tilespmem:s14+$0xFFFFFFE0];
	v10 =	vor.u32 s16, v0;
	s16 =	sadd.s32 $0x40, s15  }
0xbf: {  	[tilespmem:v7+s6+$0x0] =	vst.idx.msk $0xffff, v10;
	v7 =	vld [tilespmem:s14+$0xFFFFFFF0];
	v10 =	vor.u32 s16, v0;
	s16 =	sadd.s32 $0x50, s15  }
.Ltmp2:
0xc0: {  	[tilespmem:v6+s6+$0x0] =	vst.idx.msk $0xffff, v10;
	v6 =	vld [tilespmem:s14+$0x0];
	v10 =	vor.u32 s16, v0;
	s16 =	sadd.s32 $0x60, s15;
	(pc) =	sbr.rel @p3 .LBB2_2-.Ltmp2, $4  }
0xc1: {  	[tilespmem:v5+s6+$0x0] =	vst.idx.msk $0xffff, v10;
	v5 =	vld [tilespmem:s14+$0x10];
	v10 =	vor.u32 s16, v0  }
0xc2: {  	v11 =	vor.u32 s15, v0;
	s15 =	smov.u32 s13;
	s16 =	sadd.s32 $0x70, s13;
	s13 =	smov.u32 s26;
	[tilespmem:v3+s6+$0x0] =	vst.idx.msk $0xffff, v10;
	v3 =	vld [tilespmem:s14+$0x20]  }
0xc3: {  	s17 =	sadd.s32 $0x10, s15;
	v12 =	vor.u32 s16, v0;
	[tilespmem:v2+s6+$0x0] =	vst.idx.msk $0xffff, v11;
	v2 =	vld [tilespmem:s14+$0xFFFFFFC0];
	s14 =	sadd.s32 $0x80, s14  }
0xc4: {  	s26 =	sadd.s32 $0x80, s26;
	v10 =	vor.u32 s17, v0;
	s16 =	sadd.s32 $0x20, s15;
	[tilespmem:v4+s6+$0x0] =	vst.idx.msk $0xffff, v12;
	v4 =	vld [tilespmem:s14+$0x30]  }
0xc5: {  	_ =	sdelay $0x3  }
0xc6: {  	v11 =	vld [tilespmem:s14+$0xFFFFFFD0];
	[tilespmem:v9+s6+$0x0] =	vst.idx.msk $0xffff, v10;
	v52 =	vor.u32 s16, v0;
	s26 =	sadd.s32 $0x30, s15  }
0xc7: {  	v53 =	vld [tilespmem:s14+$0xFFFFFFE0];
	s17 =	sadd.s32 $0x40, s15;
	[tilespmem:v8+s6+$0x0] =	vst.idx.msk $0xffff, v52;
	v54 =	vor.u32 s26, v0  }
0xc8: {  	v55 =	vld [tilespmem:s14+$0xFFFFFFF0];
	v56 =	vor.u32 s17, v0;
	s17 =	sadd.s32 $0x60, s15;
	[tilespmem:v7+s6+$0x0] =	vst.idx.msk $0xffff, v54  }
0xc9: {  	v57 =	vld [tilespmem:s14+$0x0];
	s26 =	sadd.s32 $0x50, s15;
	[tilespmem:v6+s6+$0x0] =	vst.idx.msk $0xffff, v56;
	v60 =	vor.u32 s17, v0  }
0xca: {  	v58 =	vor.u32 s26, v0;
	[tilespmem:v3+s6+$0x0] =	vst.idx.msk $0xffff, v60;
	v3 =	vld [tilespmem:s14+$0xFFFFFFC0]  }
0xcb: {  	v59 =	vld [tilespmem:s14+$0x10];
	v12 =	vor.u32 s15, v0;
	s26 =	sadd.s32 $0x70, s13;
	[tilespmem:v5+s6+$0x0] =	vst.idx.msk $0xffff, v58  }
0xcc: {  	v61 =	vld [tilespmem:s14+$0x20];
	s17 =	sadd.s32 $0x10, s13;
	v62 =	vor.u32 s26, v0;
	[tilespmem:v2+s6+$0x0] =	vst.idx.msk $0xffff, v12  }
0xcd: {  	v2 =	vor.u32 s17, v0;
	s26 =	sadd.s32 $0x20, s13;
	[tilespmem:v4+s6+$0x0] =	vst.idx.msk $0xffff, v62  }
0xce: {  	s15 =	sadd.s32 $0x30, s13;
	[tilespmem:v11+s6+$0x0] =	vst.idx.msk $0xffff, v2;
	v2 =	vor.u32 s26, v0  }
0xcf: {  	s16 =	sadd.s32 $0x40, s13;
	[tilespmem:v53+s6+$0x0] =	vst.idx.msk $0xffff, v2;
	v2 =	vor.u32 s15, v0  }
0xd0: {  	[tilespmem:v55+s6+$0x0] =	vst.idx.msk $0xffff, v2;
	v2 =	vor.u32 s16, v0  }
0xd1: {  	v63 =	vor.u32 s13, v0;
	s17 =	sadd.s32 $0x50, s13;
	[tilespmem:v57+s6+$0x0] =	vst.idx.msk $0xffff, v2  }
0xd2: {  	s26 =	sadd.s32 $0x60, s13;
	v2 =	vor.u32 s17, v0;
	[tilespmem:v3+s6+$0x0] =	vst.idx.msk $0xffff, v63  }
0xd3: {  	[tilespmem:v59+s6+$0x0] =	vst.idx.msk $0xffff, v2;
	v2 =	vor.u32 s26, v0  }
0xd4: {  	[tilespmem:v61+s6+$0x0] =	vst.idx.msk $0xffff, v2  }
0xd5: {  	v2 =	vld [tilespmem:$0x2700];
	_ =	sdelay $0x7  }
0xd6: {  	[tilespmem:v2+s6+$0x0] =	vst.idx.msk $0xffff, v1  }
0xd7: {  	_ =	swait.ge [sflag:s31], $0x800  }
0xd8: {  	[sflag:s31] =	ssyncset.done $0x0  }
0xd9: {  	s14 =	rddreg [dreg:$0xa];
	[sflag:s31] =	ssyncadd.s32 $0xFFFFF800  }
0xda: {  	[hbm4b:s14+s1] =	stream.linear.scatter [tilespmem:s10], [sflag:$0x5], $0x800, $0x38;
	[tilespmem:$0x19300] =	vst v63  }
0xdb: {  	_ =	swait.ge [sflag:s31], $0x800  }
0xdc: {  	[sflag:s31] =	ssyncset.done $0x0  }
0xdd: {  	s15 =	rddreg [dreg:$0xb];
	[sflag:s31] =	ssyncadd.s32 $0xFFFFF800  }
0xde: {  	[hbm4b:s15+s1] =	stream.linear.scatter [tilespmem:s11], [sflag:$0x5], $0x800, $0x38;
	[tilespmem:$0x19300] =	vst v63  }
0xdf: {  	_ =	swait.ge [sflag:s31], $0x800  }
0xe0: {  	[sflag:s31] =	ssyncset.done $0x0  }
0xe1: {  	s16 =	rddreg [dreg:$0xc];
	[sflag:s31] =	ssyncadd.s32 $0xFFFFF800  }
0xe2: {  	[hbm4b:s16+s1] =	stream.linear.scatter [tilespmem:s3], [sflag:$0x5], $0x800, $0x38;
	[tilespmem:$0x19300] =	vst v63  }
0xe3: {  	_ =	swait.ge [sflag:s31], $0x800  }
0xe4: {  	[sflag:s31] =	ssyncset.done $0x0  }
0xe5: {  	s17 =	rddreg [dreg:$0xd];
	[sflag:s31] =	ssyncadd.s32 $0xFFFFF800  }
0xe6: {  	[hbm4b:s17+s1] =	stream.linear.scatter [tilespmem:s4], [sflag:$0x5], $0x800, $0x38;
	[tilespmem:$0x19300] =	vst v63  }
0xe7: {  	_ =	swait.ge [sflag:s31], $0x800  }
0xe8: {  	[sflag:s31] =	ssyncset.done $0x0  }
.Ltmp3:
0xe9: {  	s26 =	rddreg [dreg:$0xe];
	[sflag:s31] =	ssyncadd.s32 $0xFFFFF800;
	(pc) =	sbr.rel @p1 .LBB2_5-.Ltmp3, $4  }
0xea: {  	[hbm4b:s26+s1] =	stream.linear.scatter [tilespmem:s5], [sflag:$0x5], $0x800, $0x38;
	[tilespmem:$0x19300] =	vst v63  }
0xeb: {  	_ =	swait.ge [sflag:s31], $0x800  }
0xec: {  	[sflag:s31] =	ssyncset.done $0x0  }
0xed: {  	[sflag:s31] =	ssyncadd.s32 $0xFFFFF800  }
0xee: {  	_ =	swait.ge [sflag:s31], $0x800  }
0xef: {  	[sflag:s31] =	ssyncset.done $0x0  }
0xf0: {  	[sflag:s31] =	ssyncadd.s32 $0xFFFFF800  }
0xf1: {  	_ =	swait.ge [sflag:s31], $0x800  }
0xf2: {  	[sflag:s31] =	ssyncset.done $0x0  }
0xf3: {  	[sflag:s31] =	ssyncadd.s32 $0xFFFFF800  }
0xf4: {  	_ =	swait.ge [sflag:s31], $0x800  }
0xf5: {  	[sflag:s31] =	ssyncset.done $0x0  }
0xf6: {  	[sflag:s31] =	ssyncadd.s32 $0xFFFFF800  }
0xf7: {  	_ =	swait.ge [sflag:s31], $0x800  }
0xf8: {  	[sflag:s31] =	ssyncset.done $0x0  }
0xf9: {  	[sflag:s31] =	ssyncadd.s32 $0xFFFFF800  }
0xfa: {  	_ =	swait.ge [sflag:s31], $0x800  }
0xfb: {  	[sflag:s31] =	ssyncset.done $0x0  }
0xfc: {  	[sflag:s31] =	ssyncadd.s32 $0xFFFFF800  }
0xfd: {  	_ =	swait.ge [sflag:s31], $0x800  }
0xfe: {  	[sflag:s31] =	ssyncset.done $0x0  }
0xff: {  	[sflag:s31] =	ssyncadd.s32 $0xFFFFF800  }
0x100: {  	_ =	swait.ge [sflag:s31], $0x800  }
0x101: {  	[sflag:s31] =	ssyncset.done $0x0  }
0x102: {  	[sflag:s31] =	ssyncadd.s32 $0xFFFFF800  }
0x103: {  	_ =	swait.ge [sflag:s31], $0x800  }
0x104: {  	[sflag:s31] =	ssyncset.done $0x0  }
0x105: {  	[sflag:s31] =	ssyncadd.s32 $0xFFFFF800  }
0x106: {  	_ =	swait.ge [sflag:s31], $0x800  }
0x107: {  	[sflag:s31] =	ssyncset.done $0x0  }
0x108: {  	[sflag:s31] =	ssyncadd.s32 $0xFFFFF800  }
0x109: {  	_ =	swait.ge [sflag:s31], $0x800  }
0x10a: {  	[sflag:s31] =	ssyncset.done $0x0  }
0x10b: {  	[sflag:s31] =	ssyncadd.s32 $0xFFFFF800  }
0x10c: {  	_ =	swait.ge [sflag:s31], $0x800  }
0x10d: {  	[sflag:s31] =	ssyncset.done $0x0  }
0x10e: {  	[sflag:s31] =	ssyncadd.s32 $0xFFFFF800  }
0x10f: {  	_ =	swait.ge [sflag:s31], $0x800  }
0x110: {  	[sflag:s31] =	ssyncset.done $0x0  }
0x111: {  	[sflag:s31] =	ssyncadd.s32 $0xFFFFF800  }
0x112: {  	_ =	swait.ge [sflag:s31], $0x800  }
.Ltmp4:
0x113: {  	[sflag:s31] =	ssyncset.done $0x0;
	(pc) =	sbr.rel .LBB2_6-.Ltmp4, $4  }
0x114: {  	[sflag:s31] =	ssyncadd.s32 $0xFFFFF800  }
0x115: {  	_ =	swait.ge [sflag:s31], $0x800  }
0x116: {  	[sflag:s31] =	ssyncset.done $0x0  }
0x117: {  	[sflag:s31] =	ssyncadd.s32 $0xFFFFF800  }
.LBB2_5:
0x118: {  	s13 =	rddreg [dreg:$0xf];
	s14 =	simm.s32 $0x11B00  }
0x119: {  	[hbm4b:s13+s1] =	stream.linear.scatter [tilespmem:s14], [sflag:$0x5], $0x800, $0x38;
	[tilespmem:$0x19300] =	vst v63  }
0x11a: {  	_ =	swait.ge [sflag:s31], $0x800  }
0x11b: {  	[sflag:s31] =	ssyncset.done $0x0  }
0x11c: {  	s16 =	simm.s32 $0x12300;
	s15 =	rddreg [dreg:$0x10];
	[sflag:s31] =	ssyncadd.s32 $0xFFFFF800  }
0x11d: {  	[hbm4b:s15+s1] =	stream.linear.scatter [tilespmem:s16], [sflag:$0x5], $0x800, $0x38;
	[tilespmem:$0x19300] =	vst v63  }
0x11e: {  	_ =	swait.ge [sflag:s31], $0x800  }
0x11f: {  	[sflag:s31] =	ssyncset.done $0x0  }
0x120: {  	s26 =	simm.s32 $0x12B00;
	s17 =	rddreg [dreg:$0x11];
	[sflag:s31] =	ssyncadd.s32 $0xFFFFF800  }
0x121: {  	[hbm4b:s17+s1] =	stream.linear.scatter [tilespmem:s26], [sflag:$0x5], $0x800, $0x38;
	[tilespmem:$0x19300] =	vst v63  }
0x122: {  	_ =	swait.ge [sflag:s31], $0x800  }
0x123: {  	[sflag:s31] =	ssyncset.done $0x0  }
0x124: {  	s16 =	simm.s32 $0x13300;
	s15 =	rddreg [dreg:$0x12];
	[sflag:s31] =	ssyncadd.s32 $0xFFFFF800  }
0x125: {  	[hbm4b:s15+s1] =	stream.linear.scatter [tilespmem:s16], [sflag:$0x5], $0x800, $0x38;
	[tilespmem:$0x19300] =	vst v63  }
0x126: {  	_ =	swait.ge [sflag:s31], $0x800  }
0x127: {  	[sflag:s31] =	ssyncset.done $0x0  }
0x128: {  	s26 =	simm.s32 $0x13B00;
	s17 =	rddreg [dreg:$0x13];
	[sflag:s31] =	ssyncadd.s32 $0xFFFFF800  }
0x129: {  	[hbm4b:s17+s1] =	stream.linear.scatter [tilespmem:s26], [sflag:$0x5], $0x800, $0x38;
	[tilespmem:$0x19300] =	vst v63  }
0x12a: {  	_ =	swait.ge [sflag:s31], $0x800  }
0x12b: {  	[sflag:s31] =	ssyncset.done $0x0  }
0x12c: {  	s16 =	simm.s32 $0x14300;
	s15 =	rddreg [dreg:$0x14];
	[sflag:s31] =	ssyncadd.s32 $0xFFFFF800  }
0x12d: {  	[hbm4b:s15+s1] =	stream.linear.scatter [tilespmem:s16], [sflag:$0x5], $0x800, $0x38;
	[tilespmem:$0x19300] =	vst v63  }
0x12e: {  	_ =	swait.ge [sflag:s31], $0x800  }
0x12f: {  	[sflag:s31] =	ssyncset.done $0x0  }
0x130: {  	s26 =	simm.s32 $0x14B00;
	s17 =	rddreg [dreg:$0x15];
	[sflag:s31] =	ssyncadd.s32 $0xFFFFF800  }
0x131: {  	[hbm4b:s17+s1] =	stream.linear.scatter [tilespmem:s26], [sflag:$0x5], $0x800, $0x38;
	[tilespmem:$0x19300] =	vst v63  }
0x132: {  	_ =	swait.ge [sflag:s31], $0x800  }
0x133: {  	[sflag:s31] =	ssyncset.done $0x0  }
0x134: {  	s16 =	simm.s32 $0x15300;
	s15 =	rddreg [dreg:$0x16];
	[sflag:s31] =	ssyncadd.s32 $0xFFFFF800  }
0x135: {  	[hbm4b:s15+s1] =	stream.linear.scatter [tilespmem:s16], [sflag:$0x5], $0x800, $0x38;
	[tilespmem:$0x19300] =	vst v63  }
0x136: {  	_ =	swait.ge [sflag:s31], $0x800  }
0x137: {  	[sflag:s31] =	ssyncset.done $0x0  }
0x138: {  	s26 =	simm.s32 $0x15B00;
	s17 =	rddreg [dreg:$0x17];
	[sflag:s31] =	ssyncadd.s32 $0xFFFFF800  }
0x139: {  	[hbm4b:s17+s1] =	stream.linear.scatter [tilespmem:s26], [sflag:$0x5], $0x800, $0x38;
	[tilespmem:$0x19300] =	vst v63  }
0x13a: {  	_ =	swait.ge [sflag:s31], $0x800  }
0x13b: {  	[sflag:s31] =	ssyncset.done $0x0  }
0x13c: {  	s16 =	simm.s32 $0x16300;
	s15 =	rddreg [dreg:$0x18];
	[sflag:s31] =	ssyncadd.s32 $0xFFFFF800  }
0x13d: {  	[hbm4b:s15+s1] =	stream.linear.scatter [tilespmem:s16], [sflag:$0x5], $0x800, $0x38;
	[tilespmem:$0x19300] =	vst v63  }
0x13e: {  	_ =	swait.ge [sflag:s31], $0x800  }
0x13f: {  	[sflag:s31] =	ssyncset.done $0x0  }
0x140: {  	s26 =	simm.s32 $0x16B00;
	s17 =	rddreg [dreg:$0x19];
	[sflag:s31] =	ssyncadd.s32 $0xFFFFF800  }
0x141: {  	[hbm4b:s17+s1] =	stream.linear.scatter [tilespmem:s26], [sflag:$0x5], $0x800, $0x38;
	[tilespmem:$0x19300] =	vst v63  }
0x142: {  	_ =	swait.ge [sflag:s31], $0x800  }
0x143: {  	[sflag:s31] =	ssyncset.done $0x0  }
0x144: {  	s16 =	simm.s32 $0x17300;
	s15 =	rddreg [dreg:$0x1a];
	[sflag:s31] =	ssyncadd.s32 $0xFFFFF800  }
0x145: {  	[hbm4b:s15+s1] =	stream.linear.scatter [tilespmem:s16], [sflag:$0x5], $0x800, $0x38;
	[tilespmem:$0x19300] =	vst v63  }
0x146: {  	_ =	swait.ge [sflag:s31], $0x800  }
0x147: {  	[sflag:s31] =	ssyncset.done $0x0  }
0x148: {  	s26 =	simm.s32 $0x17B00;
	s17 =	rddreg [dreg:$0x1b];
	[sflag:s31] =	ssyncadd.s32 $0xFFFFF800  }
0x149: {  	[hbm4b:s17+s1] =	stream.linear.scatter [tilespmem:s26], [sflag:$0x5], $0x800, $0x38;
	[tilespmem:$0x19300] =	vst v63  }
0x14a: {  	_ =	swait.ge [sflag:s31], $0x800  }
0x14b: {  	[sflag:s31] =	ssyncset.done $0x0  }
0x14c: {  	s16 =	simm.s32 $0x18300;
	s15 =	rddreg [dreg:$0x1c];
	[sflag:s31] =	ssyncadd.s32 $0xFFFFF800  }
0x14d: {  	[hbm4b:s15+s1] =	stream.linear.scatter [tilespmem:s16], [sflag:$0x5], $0x800, $0x38;
	[tilespmem:$0x19300] =	vst v63  }
0x14e: {  	_ =	swait.ge [sflag:s31], $0x800  }
0x14f: {  	[sflag:s31] =	ssyncset.done $0x0  }
0x150: {  	s26 =	simm.s32 $0x18B00;
	s17 =	rddreg [dreg:$0x1d];
	[sflag:s31] =	ssyncadd.s32 $0xFFFFF800  }
0x151: {  	[hbm4b:s17+s1] =	stream.linear.scatter [tilespmem:s26], [sflag:$0x5], $0x800, $0x38;
	[tilespmem:$0x19300] =	vst v63  }
.LBB2_6:
0x152: {  	_ =	swait.ge [sflag:s28], $0x4E00  }
0x153: {  	[sflag:s28] =	ssyncset.done $0x0  }
0x154: {  	s14 =	simm.s32 $0x4F80;
	[sflag:s28] =	ssyncadd.s32 $0xFFFFB200  }
0x155: {  	v2 =	vld [tilespmem:s14+$0xFFFFFFF0]  }
0x156: {  	v3 =	vld [tilespmem:s14+$0xFFFFFF90]  }
0x157: {  	v4 =	vld [tilespmem:s14+$0xFFFFFFA0]  }
0x158: {  	v5 =	vld [tilespmem:s14+$0xFFFFFFB0]  }
0x159: {  	v6 =	vld [tilespmem:s14+$0xFFFFFFC0]  }
0x15a: {  	v7 =	vld [tilespmem:s14+$0xFFFFFFD0]  }
0x15b: {  	v8 =	vld [tilespmem:s14+$0xFFFFFFE0]  }
0x15c: {  	v9 =	vld [tilespmem:s14+$0xFFFFFF80]  }
0x15d: {  	v2 =	vld.idx.msk [tilespmem:v2+s6+$0x0], $0xffff  }
0x15e: {  	v3 =	vld.idx.msk [tilespmem:v3+s6+$0x0], $0xffff  }
0x15f: {  	v4 =	vld.idx.msk [tilespmem:v4+s6+$0x0], $0xffff  }
0x160: {  	v5 =	vld.idx.msk [tilespmem:v5+s6+$0x0], $0xffff  }
0x161: {  	v6 =	vld.idx.msk [tilespmem:v6+s6+$0x0], $0xffff  }
0x162: {  	s13 =	simm.s32 $0x9D80;
	v7 =	vld.idx.msk [tilespmem:v7+s6+$0x0], $0xffff  }
0x163: {  	v8 =	vld.idx.msk [tilespmem:v8+s6+$0x0], $0xffff;
	[tilespmem:s13+$0xFFFFFFF0] =	vst v2  }
0x164: {  	v2 =	vld [tilespmem:s14+$0x70]  }
0x165: {  	[tilespmem:s13+$0xFFFFFF90] =	vst v3;
	v3 =	vld.idx.msk [tilespmem:v9+s6+$0x0], $0xffff  }
0x166: {  	[tilespmem:s13+$0xFFFFFFA0] =	vst v4;
	v4 =	vld [tilespmem:s14+$0x10]  }
0x167: {  	[tilespmem:s13+$0xFFFFFFB0] =	vst v5;
	v5 =	vld [tilespmem:s14+$0x20]  }
0x168: {  	[tilespmem:s13+$0xFFFFFFC0] =	vst v6;
	v6 =	vld [tilespmem:s14+$0x30]  }
0x169: {  	[tilespmem:s13+$0xFFFFFFD0] =	vst v7;
	v9 =	vld [tilespmem:s14+$0x40]  }
0x16a: {  	[tilespmem:s13+$0xFFFFFFE0] =	vst v8;
	v10 =	vld [tilespmem:s14+$0x50]  }
0x16b: {  	v11 =	vld [tilespmem:s14+$0x60]  }
0x16c: {  	[tilespmem:s13+$0xFFFFFF80] =	vst v3;
	v12 =	vld.idx.msk [tilespmem:v2+s6+$0x0], $0xffff  }
0x16d: {  	v2 =	vld [tilespmem:s14+$0x0]  }
0x16e: {  	v8 =	vld.idx.msk [tilespmem:v4+s6+$0x0], $0xffff  }
0x16f: {  	v7 =	vld.idx.msk [tilespmem:v5+s6+$0x0], $0xffff  }
0x170: {  	v4 =	vld.idx.msk [tilespmem:v6+s6+$0x0], $0xffff  }
0x171: {  	v3 =	vld.idx.msk [tilespmem:v9+s6+$0x0], $0xffff  }
0x172: {  	v5 =	vld.idx.msk [tilespmem:v10+s6+$0x0], $0xffff  }
0x173: {  	s15 =	simm.s32 $0x0;
	s26 =	simm.s32 $0x5080;
	v6 =	vld.idx.msk [tilespmem:v11+s6+$0x0], $0xffff;
	s14 =	simm.s32 $0x9D80;
	[tilespmem:s13+$0x70] =	vst v12  }
.LBB2_7:
0x174: {  	v9 =	vld [tilespmem:s26+$0xFFFFFFF0];
	s15 =	sadd.s32 $0x80, s15;
	[tilespmem:s13+$0x10] =	vst v8  }
0x175: {  	v8 =	vld [tilespmem:s26+$0xFFFFFF90];
	p3 =	slt.u32 s15, $0x1300;
	[tilespmem:s13+$0x20] =	vst v7  }
0x176: {  	v7 =	vld [tilespmem:s26+$0xFFFFFFA0];
	[tilespmem:s13+$0x30] =	vst v4  }
0x177: {  	v4 =	vld [tilespmem:s26+$0xFFFFFFB0];
	[tilespmem:s13+$0x40] =	vst v3  }
0x178: {  	v3 =	vld [tilespmem:s26+$0xFFFFFFC0];
	[tilespmem:s13+$0x50] =	vst v5  }
0x179: {  	v5 =	vld [tilespmem:s26+$0xFFFFFFD0];
	[tilespmem:s13+$0x60] =	vst v6  }
0x17a: {  	v6 =	vld [tilespmem:s26+$0xFFFFFFE0]  }
0x17b: {  	v10 =	vld [tilespmem:s26+$0xFFFFFF80]  }
0x17c: {  	v9 =	vld.idx.msk [tilespmem:v9+s6+$0x0], $0xffff  }
0x17d: {  	v8 =	vld.idx.msk [tilespmem:v8+s6+$0x0], $0xffff  }
0x17e: {  	v7 =	vld.idx.msk [tilespmem:v7+s6+$0x0], $0xffff  }
0x17f: {  	v4 =	vld.idx.msk [tilespmem:v4+s6+$0x0], $0xffff  }
0x180: {  	v3 =	vld.idx.msk [tilespmem:v3+s6+$0x0], $0xffff  }
0x181: {  	s13 =	sadd.s32 $0x100, s13;
	v5 =	vld.idx.msk [tilespmem:v5+s6+$0x0], $0xffff  }
0x182: {  	v6 =	vld.idx.msk [tilespmem:v6+s6+$0x0], $0xffff;
	[tilespmem:s13+$0xFFFFFFF0] =	vst v9  }
0x183: {  	[tilespmem:s13+$0xFFFFFF90] =	vst v8;
	v8 =	vld [tilespmem:s26+$0x70]  }
0x184: {  	v9 =	vld.idx.msk [tilespmem:v10+s6+$0x0], $0xffff;
	[tilespmem:s13+$0xFFFFFFA0] =	vst v7  }
0x185: {  	v7 =	vld [tilespmem:s26+$0x10];
	[tilespmem:s13+$0xFFFFFFB0] =	vst v4  }
0x186: {  	v4 =	vld [tilespmem:s26+$0x20];
	[tilespmem:s13+$0xFFFFFFC0] =	vst v3  }
0x187: {  	v3 =	vld [tilespmem:s26+$0x30];
	[tilespmem:s13+$0xFFFFFFD0] =	vst v5  }
0x188: {  	v5 =	vld [tilespmem:s26+$0x40];
	[tilespmem:s13+$0xFFFFFFE0] =	vst v6  }
0x189: {  	v6 =	vld [tilespmem:s26+$0x50]  }
0x18a: {  	[tilespmem:s13+$0xFFFFFF80] =	vst v9;
	v9 =	vld [tilespmem:s26+$0x60]  }
0x18b: {  	v10 =	vld.idx.msk [tilespmem:v8+s6+$0x0], $0xffff  }
0x18c: {  	v11 =	vld [tilespmem:s26+$0x0]  }
0x18d: {  	v12 =	vld.idx.msk [tilespmem:v2+s6+$0x0], $0xffff  }
0x18e: {  	v8 =	vld.idx.msk [tilespmem:v7+s6+$0x0], $0xffff  }
.Ltmp5:
0x18f: {  	v7 =	vld.idx.msk [tilespmem:v4+s6+$0x0], $0xffff;
	(pc) =	sbr.rel @p3 .LBB2_7-.Ltmp5, $4  }
0x190: {  	v4 =	vld.idx.msk [tilespmem:v3+s6+$0x0], $0xffff  }
0x191: {  	v3 =	vld.idx.msk [tilespmem:v5+s6+$0x0], $0xffff;
	[tilespmem:s13+$0x70] =	vst v10;
	v2 =	vmov v11  }
0x192: {  	v5 =	vld.idx.msk [tilespmem:v6+s6+$0x0], $0xffff  }
0x193: {  	s26 =	sadd.s32 $0x100, s26;
	v6 =	vld.idx.msk [tilespmem:v9+s6+$0x0], $0xffff;
	[tilespmem:s14+$0x0] =	vst v12;
	s14 =	smov.u32 s13  }
0x194: {  	_ =	sdelay $0x2  }
0x195: {  	[tilespmem:s13+$0x10] =	vst v8  }
0x196: {  	[tilespmem:s13+$0x20] =	vst v7;
	v2 =	vld.idx.msk [tilespmem:v2+s6+$0x0], $0xffff  }
0x197: {  	[tilespmem:s13+$0x30] =	vst v4  }
0x198: {  	[tilespmem:s13+$0x40] =	vst v3  }
0x199: {  	[tilespmem:s13+$0x50] =	vst v5  }
0x19a: {  	[tilespmem:s13+$0x60] =	vst v6  }
0x19b: {  	s17 =	simm.s32 $0x9D00;
	s26 =	simm.s32 $0x76F0;
	[tilespmem:s14+$0x0] =	vst v2  }
0x19c: {  	[hbm4b:s29+s1] =	stream.linear.scatter [tilespmem:s17], [sflag:$0x5], $0x2700, $0x38;
	[tilespmem:$0x19300] =	vst v63  }
0x19d: {  	v2 =	vld [tilespmem:s26+$0xFFFFFF80]  }
0x19e: {  	v3 =	vld [tilespmem:s26+$0xFFFFFF20]  }
0x19f: {  	v4 =	vld [tilespmem:s26+$0xFFFFFF30]  }
0x1a0: {  	v5 =	vld [tilespmem:s26+$0xFFFFFF40]  }
0x1a1: {  	v6 =	vld [tilespmem:s26+$0xFFFFFF50]  }
0x1a2: {  	v7 =	vld [tilespmem:s26+$0xFFFFFF60]  }
0x1a3: {  	v8 =	vld [tilespmem:s26+$0xFFFFFF70]  }
0x1a4: {  	v9 =	vld [tilespmem:s26+$0xFFFFFF10]  }
0x1a5: {  	v2 =	vld.idx.msk [tilespmem:v2+s6+$0x0], $0xffff  }
0x1a6: {  	v3 =	vld.idx.msk [tilespmem:v3+s6+$0x0], $0xffff  }
0x1a7: {  	v4 =	vld.idx.msk [tilespmem:v4+s6+$0x0], $0xffff  }
0x1a8: {  	v5 =	vld.idx.msk [tilespmem:v5+s6+$0x0], $0xffff  }
0x1a9: {  	v6 =	vld.idx.msk [tilespmem:v6+s6+$0x0], $0xffff  }
0x1aa: {  	s13 =	simm.s32 $0xC4F0;
	v7 =	vld.idx.msk [tilespmem:v7+s6+$0x0], $0xffff  }
0x1ab: {  	v8 =	vld.idx.msk [tilespmem:v8+s6+$0x0], $0xffff;
	[tilespmem:s13+$0xFFFFFF80] =	vst v2  }
0x1ac: {  	v2 =	vld [tilespmem:s26+$0x0]  }
0x1ad: {  	[tilespmem:s13+$0xFFFFFF20] =	vst v3;
	v3 =	vld.idx.msk [tilespmem:v9+s6+$0x0], $0xffff  }
0x1ae: {  	[tilespmem:s13+$0xFFFFFF30] =	vst v4;
	v4 =	vld [tilespmem:s26+$0xFFFFFFA0]  }
0x1af: {  	[tilespmem:s13+$0xFFFFFF40] =	vst v5;
	v5 =	vld [tilespmem:s26+$0xFFFFFFB0]  }
0x1b0: {  	[tilespmem:s13+$0xFFFFFF50] =	vst v6;
	v6 =	vld [tilespmem:s26+$0xFFFFFFC0]  }
0x1b1: {  	[tilespmem:s13+$0xFFFFFF60] =	vst v7;
	v9 =	vld [tilespmem:s26+$0xFFFFFFD0]  }
0x1b2: {  	[tilespmem:s13+$0xFFFFFF70] =	vst v8;
	v10 =	vld [tilespmem:s26+$0xFFFFFFE0]  }
0x1b3: {  	v11 =	vld [tilespmem:s26+$0xFFFFFFF0]  }
0x1b4: {  	[tilespmem:s13+$0xFFFFFF10] =	vst v3;
	v12 =	vld.idx.msk [tilespmem:v2+s6+$0x0], $0xffff  }
0x1b5: {  	v2 =	vld [tilespmem:s26+$0xFFFFFF90]  }
0x1b6: {  	v8 =	vld.idx.msk [tilespmem:v4+s6+$0x0], $0xffff  }
0x1b7: {  	v7 =	vld.idx.msk [tilespmem:v5+s6+$0x0], $0xffff  }
0x1b8: {  	v4 =	vld.idx.msk [tilespmem:v6+s6+$0x0], $0xffff  }
0x1b9: {  	v3 =	vld.idx.msk [tilespmem:v9+s6+$0x0], $0xffff  }
0x1ba: {  	v5 =	vld.idx.msk [tilespmem:v10+s6+$0x0], $0xffff  }
0x1bb: {  	s15 =	simm.s32 $0x1380;
	s14 =	simm.s32 $0xC4F0;
	v6 =	vld.idx.msk [tilespmem:v11+s6+$0x0], $0xffff;
	s26 =	simm.s32 $0x77F0;
	[tilespmem:s13+$0x0] =	vst v12  }
.LBB2_9:
0x1bc: {  	v9 =	vld [tilespmem:s26+$0xFFFFFF80];
	s15 =	sadd.s32 $0x80, s15;
	[tilespmem:s13+$0xFFFFFFA0] =	vst v8  }
0x1bd: {  	v8 =	vld [tilespmem:s26+$0xFFFFFF20];
	p3 =	slt.u32 s15, $0x2680;
	[tilespmem:s13+$0xFFFFFFB0] =	vst v7  }
0x1be: {  	v7 =	vld [tilespmem:s26+$0xFFFFFF30];
	[tilespmem:s13+$0xFFFFFFC0] =	vst v4  }
0x1bf: {  	v4 =	vld [tilespmem:s26+$0xFFFFFF40];
	[tilespmem:s13+$0xFFFFFFD0] =	vst v3  }
0x1c0: {  	v3 =	vld [tilespmem:s26+$0xFFFFFF50];
	[tilespmem:s13+$0xFFFFFFE0] =	vst v5  }
0x1c1: {  	v5 =	vld [tilespmem:s26+$0xFFFFFF60];
	[tilespmem:s13+$0xFFFFFFF0] =	vst v6  }
0x1c2: {  	v6 =	vld [tilespmem:s26+$0xFFFFFF70]  }
0x1c3: {  	v10 =	vld [tilespmem:s26+$0xFFFFFF10]  }
0x1c4: {  	v9 =	vld.idx.msk [tilespmem:v9+s6+$0x0], $0xffff  }
0x1c5: {  	v8 =	vld.idx.msk [tilespmem:v8+s6+$0x0], $0xffff  }
0x1c6: {  	v7 =	vld.idx.msk [tilespmem:v7+s6+$0x0], $0xffff  }
0x1c7: {  	v4 =	vld.idx.msk [tilespmem:v4+s6+$0x0], $0xffff  }
0x1c8: {  	v3 =	vld.idx.msk [tilespmem:v3+s6+$0x0], $0xffff  }
0x1c9: {  	s13 =	sadd.s32 $0x100, s13;
	v5 =	vld.idx.msk [tilespmem:v5+s6+$0x0], $0xffff  }
0x1ca: {  	v6 =	vld.idx.msk [tilespmem:v6+s6+$0x0], $0xffff;
	[tilespmem:s13+$0xFFFFFF80] =	vst v9  }
0x1cb: {  	[tilespmem:s13+$0xFFFFFF20] =	vst v8;
	v8 =	vld [tilespmem:s26+$0x0]  }
0x1cc: {  	v9 =	vld.idx.msk [tilespmem:v10+s6+$0x0], $0xffff;
	[tilespmem:s13+$0xFFFFFF30] =	vst v7  }
0x1cd: {  	v7 =	vld [tilespmem:s26+$0xFFFFFFA0];
	[tilespmem:s13+$0xFFFFFF40] =	vst v4  }
0x1ce: {  	v4 =	vld [tilespmem:s26+$0xFFFFFFB0];
	[tilespmem:s13+$0xFFFFFF50] =	vst v3  }
0x1cf: {  	v3 =	vld [tilespmem:s26+$0xFFFFFFC0];
	[tilespmem:s13+$0xFFFFFF60] =	vst v5  }
0x1d0: {  	v5 =	vld [tilespmem:s26+$0xFFFFFFD0];
	[tilespmem:s13+$0xFFFFFF70] =	vst v6  }
0x1d1: {  	v6 =	vld [tilespmem:s26+$0xFFFFFFE0]  }
0x1d2: {  	[tilespmem:s13+$0xFFFFFF10] =	vst v9;
	v9 =	vld [tilespmem:s26+$0xFFFFFFF0]  }
0x1d3: {  	v10 =	vld.idx.msk [tilespmem:v8+s6+$0x0], $0xffff  }
0x1d4: {  	v11 =	vld [tilespmem:s26+$0xFFFFFF90]  }
0x1d5: {  	v12 =	vld.idx.msk [tilespmem:v2+s6+$0x0], $0xffff  }
0x1d6: {  	v8 =	vld.idx.msk [tilespmem:v7+s6+$0x0], $0xffff  }
.Ltmp6:
0x1d7: {  	v7 =	vld.idx.msk [tilespmem:v4+s6+$0x0], $0xffff;
	(pc) =	sbr.rel @p3 .LBB2_9-.Ltmp6, $4  }
0x1d8: {  	v4 =	vld.idx.msk [tilespmem:v3+s6+$0x0], $0xffff  }
0x1d9: {  	v3 =	vld.idx.msk [tilespmem:v5+s6+$0x0], $0xffff;
	[tilespmem:s13+$0x0] =	vst v10;
	v2 =	vmov v11  }
0x1da: {  	v5 =	vld.idx.msk [tilespmem:v6+s6+$0x0], $0xffff  }
0x1db: {  	s26 =	sadd.s32 $0x100, s26;
	v6 =	vld.idx.msk [tilespmem:v9+s6+$0x0], $0xffff;
	[tilespmem:s14+$0xFFFFFF90] =	vst v12;
	s14 =	smov.u32 s13  }
0x1dc: {  	_ =	sdelay $0x2  }
0x1dd: {  	[tilespmem:s13+$0xFFFFFFA0] =	vst v8  }
0x1de: {  	[tilespmem:s13+$0xFFFFFFB0] =	vst v7;
	v2 =	vld.idx.msk [tilespmem:v2+s6+$0x0], $0xffff  }
0x1df: {  	[tilespmem:s13+$0xFFFFFFC0] =	vst v4  }
.Ltmp7:
0x1e0: {  	[tilespmem:s13+$0xFFFFFFD0] =	vst v3;
	(pc) =	sbr.rel @p0 .LBB2_14-.Ltmp7, $4  }
0x1e1: {  	[tilespmem:s13+$0xFFFFFFE0] =	vst v5  }
0x1e2: {  	[tilespmem:s13+$0xFFFFFFF0] =	vst v6  }
0x1e3: {  	s26 =	simm.s32 $0xC400;
	[tilespmem:s14+$0xFFFFFF90] =	vst v2  }
0x1e4: {  	[hbm4b:s30+s1] =	stream.linear.scatter [tilespmem:s26], [sflag:$0x5], $0x2700, $0x38;
	[tilespmem:$0x19300] =	vst v63  }
0x1e5: {  	s13 =	simm.s32 $0x4  }
0x1e6: {  	_ =	swait.ge [sflag:s13], $0x400  }
0x1e7: {  	[sflag:s13] =	ssyncset.done $0x0  }
0x1e8: {  	s14 =	simm.s32 $0xEB80;
	[sflag:s13] =	ssyncadd.s32 $0xFFFFFC00  }
0x1e9: {  	v2 =	vld [tilespmem:s14+$0xFFFFFFF0]  }
0x1ea: {  	v3 =	vld [tilespmem:s14+$0xFFFFFF90]  }
0x1eb: {  	v4 =	vld [tilespmem:s14+$0xFFFFFFA0]  }
0x1ec: {  	v5 =	vld [tilespmem:s14+$0xFFFFFFB0]  }
0x1ed: {  	v6 =	vld [tilespmem:s14+$0xFFFFFFC0]  }
0x1ee: {  	v7 =	vld [tilespmem:s14+$0xFFFFFFD0]  }
0x1ef: {  	v8 =	vld [tilespmem:s14+$0xFFFFFFE0]  }
0x1f0: {  	v9 =	vld [tilespmem:s14+$0xFFFFFF80]  }
0x1f1: {  	v2 =	vld.idx.msk [tilespmem:v2+s6+$0x0], $0xffff  }
0x1f2: {  	v3 =	vld.idx.msk [tilespmem:v3+s6+$0x0], $0xffff  }
0x1f3: {  	v4 =	vld.idx.msk [tilespmem:v4+s6+$0x0], $0xffff  }
0x1f4: {  	v5 =	vld.idx.msk [tilespmem:v5+s6+$0x0], $0xffff  }
0x1f5: {  	v6 =	vld.idx.msk [tilespmem:v6+s6+$0x0], $0xffff  }
0x1f6: {  	s13 =	simm.s32 $0xEF80;
	v7 =	vld.idx.msk [tilespmem:v7+s6+$0x0], $0xffff  }
0x1f7: {  	v8 =	vld.idx.msk [tilespmem:v8+s6+$0x0], $0xffff;
	[tilespmem:s13+$0xFFFFFFF0] =	vst v2  }
0x1f8: {  	v2 =	vld [tilespmem:s14+$0x70]  }
0x1f9: {  	[tilespmem:s13+$0xFFFFFF90] =	vst v3;
	v3 =	vld.idx.msk [tilespmem:v9+s6+$0x0], $0xffff  }
0x1fa: {  	[tilespmem:s13+$0xFFFFFFA0] =	vst v4;
	v4 =	vld [tilespmem:s14+$0x10]  }
0x1fb: {  	[tilespmem:s13+$0xFFFFFFB0] =	vst v5;
	v5 =	vld [tilespmem:s14+$0x20]  }
0x1fc: {  	[tilespmem:s13+$0xFFFFFFC0] =	vst v6;
	v6 =	vld [tilespmem:s14+$0x30]  }
0x1fd: {  	[tilespmem:s13+$0xFFFFFFD0] =	vst v7;
	v9 =	vld [tilespmem:s14+$0x40]  }
0x1fe: {  	[tilespmem:s13+$0xFFFFFFE0] =	vst v8;
	v10 =	vld [tilespmem:s14+$0x50]  }
0x1ff: {  	v11 =	vld [tilespmem:s14+$0x60]  }
0x200: {  	[tilespmem:s13+$0xFFFFFF80] =	vst v3;
	v12 =	vld.idx.msk [tilespmem:v2+s6+$0x0], $0xffff  }
0x201: {  	v2 =	vld [tilespmem:s14+$0x0]  }
0x202: {  	v8 =	vld.idx.msk [tilespmem:v4+s6+$0x0], $0xffff  }
0x203: {  	v7 =	vld.idx.msk [tilespmem:v5+s6+$0x0], $0xffff  }
0x204: {  	v4 =	vld.idx.msk [tilespmem:v6+s6+$0x0], $0xffff  }
0x205: {  	v3 =	vld.idx.msk [tilespmem:v9+s6+$0x0], $0xffff  }
0x206: {  	v5 =	vld.idx.msk [tilespmem:v10+s6+$0x0], $0xffff  }
0x207: {  	s15 =	simm.s32 $0x0;
	s26 =	simm.s32 $0xEC80;
	v6 =	vld.idx.msk [tilespmem:v11+s6+$0x0], $0xffff;
	s14 =	simm.s32 $0xEF80;
	[tilespmem:s13+$0x70] =	vst v12  }
.LBB2_12:
0x208: {  	v9 =	vld [tilespmem:s26+$0xFFFFFFF0];
	s15 =	sadd.s32 $0x80, s15;
	[tilespmem:s13+$0x10] =	vst v8  }
0x209: {  	v8 =	vld [tilespmem:s26+$0xFFFFFF90];
	p3 =	slt.u32 s15, $0x180;
	[tilespmem:s13+$0x20] =	vst v7  }
0x20a: {  	v7 =	vld [tilespmem:s26+$0xFFFFFFA0];
	[tilespmem:s13+$0x30] =	vst v4  }
0x20b: {  	v4 =	vld [tilespmem:s26+$0xFFFFFFB0];
	[tilespmem:s13+$0x40] =	vst v3  }
0x20c: {  	v3 =	vld [tilespmem:s26+$0xFFFFFFC0];
	[tilespmem:s13+$0x50] =	vst v5  }
0x20d: {  	v5 =	vld [tilespmem:s26+$0xFFFFFFD0];
	[tilespmem:s13+$0x60] =	vst v6  }
0x20e: {  	v6 =	vld [tilespmem:s26+$0xFFFFFFE0]  }
0x20f: {  	v10 =	vld [tilespmem:s26+$0xFFFFFF80]  }
0x210: {  	v9 =	vld.idx.msk [tilespmem:v9+s6+$0x0], $0xffff  }
0x211: {  	v8 =	vld.idx.msk [tilespmem:v8+s6+$0x0], $0xffff  }
0x212: {  	v7 =	vld.idx.msk [tilespmem:v7+s6+$0x0], $0xffff  }
0x213: {  	v4 =	vld.idx.msk [tilespmem:v4+s6+$0x0], $0xffff  }
0x214: {  	v3 =	vld.idx.msk [tilespmem:v3+s6+$0x0], $0xffff  }
0x215: {  	s13 =	sadd.s32 $0x100, s13;
	v5 =	vld.idx.msk [tilespmem:v5+s6+$0x0], $0xffff  }
0x216: {  	v6 =	vld.idx.msk [tilespmem:v6+s6+$0x0], $0xffff;
	[tilespmem:s13+$0xFFFFFFF0] =	vst v9  }
0x217: {  	[tilespmem:s13+$0xFFFFFF90] =	vst v8;
	v8 =	vld [tilespmem:s26+$0x70]  }
0x218: {  	v9 =	vld.idx.msk [tilespmem:v10+s6+$0x0], $0xffff;
	[tilespmem:s13+$0xFFFFFFA0] =	vst v7  }
0x219: {  	v7 =	vld [tilespmem:s26+$0x10];
	[tilespmem:s13+$0xFFFFFFB0] =	vst v4  }
0x21a: {  	v4 =	vld [tilespmem:s26+$0x20];
	[tilespmem:s13+$0xFFFFFFC0] =	vst v3  }
0x21b: {  	v3 =	vld [tilespmem:s26+$0x30];
	[tilespmem:s13+$0xFFFFFFD0] =	vst v5  }
0x21c: {  	v5 =	vld [tilespmem:s26+$0x40];
	[tilespmem:s13+$0xFFFFFFE0] =	vst v6  }
0x21d: {  	v6 =	vld [tilespmem:s26+$0x50]  }
0x21e: {  	[tilespmem:s13+$0xFFFFFF80] =	vst v9;
	v9 =	vld [tilespmem:s26+$0x60]  }
0x21f: {  	v10 =	vld.idx.msk [tilespmem:v8+s6+$0x0], $0xffff  }
0x220: {  	v11 =	vld [tilespmem:s26+$0x0]  }
0x221: {  	v12 =	vld.idx.msk [tilespmem:v2+s6+$0x0], $0xffff  }
0x222: {  	v8 =	vld.idx.msk [tilespmem:v7+s6+$0x0], $0xffff  }
.Ltmp8:
0x223: {  	v7 =	vld.idx.msk [tilespmem:v4+s6+$0x0], $0xffff;
	(pc) =	sbr.rel @p3 .LBB2_12-.Ltmp8, $4  }
0x224: {  	v4 =	vld.idx.msk [tilespmem:v3+s6+$0x0], $0xffff  }
0x225: {  	v3 =	vld.idx.msk [tilespmem:v5+s6+$0x0], $0xffff;
	[tilespmem:s13+$0x70] =	vst v10;
	v2 =	vmov v11  }
0x226: {  	v5 =	vld.idx.msk [tilespmem:v6+s6+$0x0], $0xffff  }
0x227: {  	s26 =	sadd.s32 $0x100, s26;
	v6 =	vld.idx.msk [tilespmem:v9+s6+$0x0], $0xffff;
	[tilespmem:s14+$0x0] =	vst v12;
	s14 =	smov.u32 s13  }
.Ltmp9:
0x228: {  	_ = 	snop;
	(pc) =	sbr.rel .LBB2_13-.Ltmp9, $1  }
0x229: {  	_ =	sdelay $0x3  }
.LBB2_15:
0x22a: {  	_ =	sfence.sel $0x180000  }
0x22b: {  	[bflag:$0x0] =	sbarrier.arrive $0xFFFF  }
0x22c: {  	_ =	strace $0x90000047  }
0x22d: {  	s0 =	stileid.u32;
	[bflag:$0x2] =	sbarrier.arrive $0xFFFF  }
0x22e: {  	p0 =	sne.s32 s0, $0x0;
	s0 =	rddreg [dreg:$0x5]  }
0x22f: {  	s0 =	sadd.s32 @!p0 $0x100000, s0  }
0x230: {  	[sflag:s0] =	ssyncadd.tile.s32 @!p0 $0x1;
	_ =	shalt  }
.Lfunc_end2:
_tile_overlayer_lowered:
.L_overlay_start_2:
0x231: {  	(tag) =	ssettag $0x2  }
0x232: {  	s0 =	rddreg [dreg:$0x0];
	s2 =	stileid.u32  }
0x233: {  	s1 =	rddreg [dreg:$0x1];
	p0 =	sne.s32 s2, $0x0  }
0x234: {  	s3 =	rddreg [dreg:$0x2];
	[bflag:$0x3] =	sbarrier.arrive $0xFFFF;
	s2 =	simm.s32 @!p0 $0x1C06  }
0x235: {  	[timem:s3], [sflag:s2] =	dma.local @!p0 [hbm:s0], s1  }
0x236: {  	s0 =	simm.s32 @!p0 $0x6  }
0x237: {  	_ =	swait.ge @!p0 [sflag:s0], s1  }
0x238: {  	s1 =	ssub.s32 @!p0 $0x0, s1;
	[sflag:s0] =	ssyncset.done @!p0 $0x0  }
0x239: {  	[sflag:s0] =	ssyncadd.s32 @!p0 s1  }
0x23a: {  	[bflag:$0x3] =	sbarrier.arrive $0xFFFF  }
0x23b: {  	_ =	shalt  }

</sc_bundles>
